<compile_context>
chip_gen: v7x
topology: tpu7x:2x2x1
jax: 0.10.2.dev20260603
libtpu: 0.0.44.dev20260713+nightly
codegen_flags: <defaults>
</compile_context>

<pallas_src>
import dataclasses
import functools

import numpy as np

import jax
import jax.numpy as jnp
from jax import lax
from jax.experimental import pallas as pl
from jax.experimental.pallas import tpu as pltpu
from jax.experimental.pallas import tpu_sc as plsc

NC = 2
NS = 16
NW = NC * NS
BLK = 128


def _round_up(a, b):
    return (a + b - 1) // b * b



def _sc_segsum(g, src3, dst3, zeros_blk, n_pad):
    dim = g.shape[1]
    kpt = src3.shape[1]
    kh = kpt // 2
    rows_per_tile = n_pad // NS
    mesh = plsc.VectorSubcoreMesh(core_axis_name="c", subcore_axis_name="s")

    @functools.partial(
        pl.kernel,
        out_type=jax.ShapeDtypeStruct((NC, n_pad, dim), jnp.float32),
        mesh=mesh,
        scratch_types=[
            pltpu.VMEM((kh, BLK), jnp.int32),
            pltpu.VMEM((kh, BLK), jnp.int32),
            pltpu.VMEM((BLK, dim), jnp.float32),
            pltpu.VMEM((BLK, dim), jnp.float32),
            pltpu.VMEM_SHARED((n_pad, dim), jnp.float32),
            pltpu.SemaphoreType.DMA,
            pltpu.SemaphoreType.DMA,
            pltpu.SemaphoreType.DMA,
            pltpu.SemaphoreType.DMA,
        ],
    )
    def seg_kernel(g_hbm, src_hbm, dst_hbm, zeros_hbm, out_hbm,
                   src_v, dst_v, rows_a, rows_b, acc_sh,
                   gsem_a, gsem_b, ssem_a, ssem_b):
        c = lax.axis_index("c")
        s = lax.axis_index("s")
        wid = c * NS + s
        r0 = s * rows_per_tile
        pltpu.sync_copy(zeros_hbm, rows_b)

        @pl.loop(0, rows_per_tile, step=BLK)
        def _(r):
            pltpu.async_copy(rows_b, acc_sh.at[pl.ds(r0 + r, BLK)], ssem_a)

        def run_half(half):
            pltpu.async_copy(src_hbm.at[wid, pl.ds(half * kh, kh)], src_v, gsem_a)
            pltpu.async_copy(dst_hbm.at[wid, pl.ds(half * kh, kh)], dst_v, gsem_b)
            pltpu.make_async_copy(
                src_hbm.at[wid, pl.ds(half * kh, kh)], src_v, gsem_a).wait()
            pltpu.make_async_copy(
                dst_hbm.at[wid, pl.ds(half * kh, kh)], dst_v, gsem_b).wait()

            pltpu.async_copy(g_hbm.at[src_v.at[0]], rows_a, gsem_a)

            if half == 0:
                @pl.loop(0, rows_per_tile, step=BLK)
                def _(r):
                    pltpu.make_async_copy(
                        rows_b, acc_sh.at[pl.ds(r0 + r, BLK)], ssem_a).wait()

                plsc.subcore_barrier()

            def pair(k, last):
                pltpu.async_copy(g_hbm.at[src_v.at[k + 1]], rows_b, gsem_b)
                pltpu.make_async_copy(g_hbm.at[src_v.at[k]], rows_a, gsem_a).wait()
                pltpu.async_copy(rows_a, acc_sh.at[dst_v.at[k]], ssem_a, add=True)
                pltpu.make_async_copy(g_hbm.at[src_v.at[k + 1]], rows_b, gsem_b).wait()
                pltpu.async_copy(rows_b, acc_sh.at[dst_v.at[k + 1]], ssem_b, add=True)
                pltpu.make_async_copy(rows_a, acc_sh.at[dst_v.at[k]], ssem_a).wait()

                if last is None:
                    pltpu.async_copy(g_hbm.at[src_v.at[k + 2]], rows_a, gsem_a)
                else:
                    @pl.when(last)
                    def _():
                        pltpu.async_copy(g_hbm.at[src_v.at[k + 2]], rows_a, gsem_a)

                pltpu.make_async_copy(rows_b, acc_sh.at[dst_v.at[k + 1]], ssem_b).wait()

            @pl.loop(0, kh // 4)
            def _(q):
                k = 4 * q
                pair(k, None)
                pair(k + 2, k + 4 < kh)

        run_half(0)
        run_half(1)
        plsc.subcore_barrier()
        pltpu.sync_copy(acc_sh.at[pl.ds(r0, rows_per_tile)],
                        out_hbm.at[c, pl.ds(r0, rows_per_tile)])

    return seg_kernel(g, src3, dst3, zeros_blk)


def _sc_degree(dst3, n_pad):
    kpt = dst3.shape[1]
    mesh = plsc.VectorSubcoreMesh(core_axis_name="c", subcore_axis_name="s")
    cp = pltpu.CompilerParams()
    if "needs_layout_passes" in pltpu.CompilerParams.__dataclass_fields__:
        cp = dataclasses.replace(cp, needs_layout_passes=False)

    @functools.partial(
        pl.kernel,
        out_type=jax.ShapeDtypeStruct((NW, n_pad), jnp.float32),
        mesh=mesh,
        compiler_params=cp,
        scratch_types=[
            pltpu.VMEM((kpt, BLK), jnp.int32),
            pltpu.VMEM((n_pad,), jnp.float32),
        ],
    )
    def deg_kernel(dst_hbm, out_hbm, dst_v, hist):
        c = lax.axis_index("c")
        s = lax.axis_index("s")
        wid = c * NS + s
        pltpu.sync_copy(dst_hbm.at[wid], dst_v)

        @pl.loop(0, n_pad, step=16)
        def _(i):
            hist[pl.ds(i, 16)] = jnp.zeros((16,), jnp.float32)

        ones = jnp.ones((16,), jnp.float32)

        @pl.loop(0, kpt)
        def _(j):
            @pl.loop(0, BLK, step=16)
            def _(k):
                idx = dst_v[j, pl.ds(k, 16)]
                plsc.addupdate_scatter(hist, [idx], ones)

        pltpu.sync_copy(hist, out_hbm.at[wid])

    return deg_kernel(dst3)



def _row_block(n):
    best = None
    for b in range(8, min(n, 2048) + 1, 8):
        if n % b == 0:
            best = b
    return best or n


def _mm_t(a, w):
    return lax.dot_general(a, w, (((1,), (1,)), ((), ())),
                           preferred_element_type=jnp.float32,
                           precision=lax.Precision.DEFAULT)


def _tc_lin_relu(x, W1, b1):
    def body(x_ref, w_ref, b_ref, o_ref):
        o_ref[...] = jnp.maximum(_mm_t(x_ref[...], w_ref[...]) + b_ref[...], 0.0)

    return pl.pallas_call(
        body,
        out_shape=jax.ShapeDtypeStruct((x.shape[0], W1.shape[0]), jnp.float32),
    )(x, W1, b1.reshape(1, -1))


def _tc_conv_pre(h, Wc, degp):
    n = h.shape[0]

    def body(h_ref, w_ref, d_ref, hp_ref, g_ref, dis_ref):
        hp = _mm_t(h_ref[...], w_ref[...])
        ones_nw = jnp.ones((NW, 1), jnp.float32)
        deg = lax.dot_general(d_ref[:, :n], ones_nw, (((0,), (0,)), ((), ())),
                              preferred_element_type=jnp.float32,
                              precision=lax.Precision.DEFAULT) + 1.0
        dis = lax.rsqrt(deg)
        hp_ref[...] = hp
        g_ref[...] = hp * dis
        dis_ref[...] = dis

    return pl.pallas_call(
        body,
        out_shape=(
            jax.ShapeDtypeStruct((n, Wc.shape[0]), jnp.float32),
            jax.ShapeDtypeStruct((n, Wc.shape[0]), jnp.float32),
            jax.ShapeDtypeStruct((n, 1), jnp.float32),
        ),
    )(h, Wc, degp)


def _tc_conv_post_pre(S, hp, dis, bc, Wc2):
    n = hp.shape[0]

    def body(s_ref, hp_ref, dis_ref, b_ref, w_ref, hp2_ref, g2_ref):
        dis = dis_ref[...]
        ssum = s_ref[0, :n] + s_ref[1, :n]
        agg = dis * ssum + dis * dis * hp_ref[...] + b_ref[...]
        x2 = jnp.maximum(agg, 0.0)
        hp2 = _mm_t(x2, w_ref[...])
        hp2_ref[...] = hp2
        g2_ref[...] = hp2 * dis

    return pl.pallas_call(
        body,
        out_shape=(
            jax.ShapeDtypeStruct((n, Wc2.shape[0]), jnp.float32),
            jax.ShapeDtypeStruct((n, Wc2.shape[0]), jnp.float32),
        ),
    )(S, hp, dis, bc.reshape(1, -1), Wc2)


def _tc_final(S, hp, dis, bc):
    n, dim = hp.shape

    def body(s_ref, hp_ref, dis_ref, b_ref, o_ref):
        dis = dis_ref[...]
        ssum = s_ref[0, :n] + s_ref[1, :n]
        z = dis * ssum + dis * dis * hp_ref[...] + b_ref[...]
        m = jnp.max(z, axis=1, keepdims=True)
        zs = z - m
        lse = jnp.log(jnp.sum(jnp.exp(zs), axis=1, keepdims=True))
        o_ref[...] = zs - lse

    return pl.pallas_call(
        body,
        out_shape=jax.ShapeDtypeStruct((n, dim), jnp.float32),
    )(S, hp, dis, bc.reshape(1, -1))



def kernel(x, edge_index, W1, b1, Wc1, bc1, Wc2, bc2):
    n, _ = x.shape
    e = edge_index.shape[1]
    dh = W1.shape[0]

    n_pad = _round_up(n + 128, NS * BLK)
    kpt = _round_up(-(-e // (NW * BLK)), 8)
    e_pad = NW * kpt * BLK

    pad_iota = np.arange(e_pad - e, dtype=np.int32)
    pad_src = jnp.asarray(pad_iota % n)
    pad_dst = jnp.asarray(n + pad_iota % (n_pad - n))
    src = jnp.concatenate([edge_index[0], pad_src])
    dst = jnp.concatenate([edge_index[1], pad_dst])
    src3 = src.reshape(NW, kpt, BLK)
    dst3 = dst.reshape(NW, kpt, BLK)

    zeros_blk = jnp.zeros((BLK, dh), jnp.float32)

    degp = _sc_degree(dst3, n_pad)
    h1 = _tc_lin_relu(x, W1, b1)
    hp1, g1, dis = _tc_conv_pre(h1, Wc1, degp)
    S1 = _sc_segsum(g1, src3, dst3, zeros_blk, n_pad)
    hp2, g2 = _tc_conv_post_pre(S1, hp1, dis, bc1, Wc2)
    S2 = _sc_segsum(g2, src3, dst3, zeros_blk, n_pad)
    return _tc_final(S2, hp2, dis, bc2)

# --- scband reference (transcript-rebuilt; emitter-appended) ---
"""Pipeline reference for scband-gcn-7378753814586 (READ-ONLY COPY).

The authoritative reference and input builder live on the scoring server;
editing this copy changes nothing except your own understanding.
"""

import jax, jax.numpy as jnp
import numpy as np


def _gcn_conv(x, edge_index, W, b):
    # PyG-style GCNConv: add self-loops, symmetric normalization, linear, scatter-add, bias
    n = x.shape[0]
    loop = jnp.arange(n, dtype=edge_index.dtype)
    src = jnp.concatenate([edge_index[0], loop])
    dst = jnp.concatenate([edge_index[1], loop])
    h = x @ W.T
    deg = jax.ops.segment_sum(jnp.ones(dst.shape[0], dtype=h.dtype), dst, num_segments=n)
    dis = jnp.where(deg > 0, jax.lax.rsqrt(jnp.maximum(deg, 1e-12)), 0.0)
    norm = dis[src] * dis[dst]
    msg = h[src] * norm[:, None]
    out = jax.ops.segment_sum(msg, dst, num_segments=n)
    return out + b


def setup_inputs(seed: int = 0) -> dict:
    key = jax.random.key(seed)
    ks = jax.random.split(key, 8)
    n, e = 10000, 320000
    din, dh, dout = 128, 128, 128
    x = jax.random.normal(ks[0], (n, din), dtype=jnp.float32)
    edge_index = jax.random.randint(ks[1], (2, e), 0, n, dtype=jnp.int32)
    s1 = 1.0 / np.sqrt(din)
    s2 = 1.0 / np.sqrt(dh)
    W1 = jax.random.uniform(ks[2], (dh, din), dtype=jnp.float32, minval=-s1, maxval=s1)
    b1 = jax.random.uniform(ks[3], (dh,), dtype=jnp.float32, minval=-s1, maxval=s1)
    Wc1 = jax.random.uniform(ks[4], (dh, dh), dtype=jnp.float32, minval=-s2, maxval=s2)
    bc1 = jnp.zeros((dh,), dtype=jnp.float32)
    Wc2 = jax.random.uniform(ks[5], (dout, dh), dtype=jnp.float32, minval=-s2, maxval=s2)
    bc2 = jnp.zeros((dout,), dtype=jnp.float32)
    return {"x": x, "edge_index": edge_index, "W1": W1, "b1": b1, "Wc1": Wc1, "bc1": bc1, "Wc2": Wc2, "bc2": bc2}


def reference(x, edge_index, W1, b1, Wc1, bc1, Wc2, bc2):
    h = x @ W1.T + b1
    h = jax.nn.relu(h)
    h = _gcn_conv(h, edge_index, Wc1, bc1)
    h = jax.nn.relu(h)
    # F.dropout is identity in eval mode (deterministic reference)
    h = _gcn_conv(h, edge_index, Wc2, bc2)
    return jax.nn.log_softmax(h, axis=1)

if __name__ == "__main__":
    import jax
    _d = setup_inputs()
    print(jax.jit(kernel)(*tuple(_d.values())))

</pallas_src>

<mosaic_0001>
#map = affine_map<(d0, d1) -> (0, 0)>
#map1 = affine_map<(d0, d1) -> (0, 0, 0)>
module attributes {stable_mosaic.version = 14 : i64} {
  func.func @seg_kernel(%arg0: i32, %arg1: i32, %arg2: memref<10000x128xf32, #tpu.memory_space<hbm>>, %arg3: memref<32x80x128xi32, #tpu.memory_space<hbm>>, %arg4: memref<32x80x128xi32, #tpu.memory_space<hbm>>, %arg5: memref<128x128xf32, #tpu.memory_space<hbm>>, %arg6: memref<2x10240x128xf32, #tpu.memory_space<hbm>>, %arg7: memref<40x128xi32, #tpu.memory_space<vmem>>, %arg8: memref<40x128xi32, #tpu.memory_space<vmem>>, %arg9: memref<128x128xf32, #tpu.memory_space<vmem>>, %arg10: memref<128x128xf32, #tpu.memory_space<vmem>>, %arg11: memref<10240x128xf32, #tpu.memory_space<vmem_shared>>, %arg12: memref<!tpu.dma_semaphore, #tpu.memory_space<semaphore_mem>>, %arg13: memref<!tpu.dma_semaphore, #tpu.memory_space<semaphore_mem>>, %arg14: memref<!tpu.dma_semaphore, #tpu.memory_space<semaphore_mem>>, %arg15: memref<!tpu.dma_semaphore, #tpu.memory_space<semaphore_mem>>) attributes {dimension_semantics = [#tpu.dimension_semantics<core_parallel>, #tpu.dimension_semantics<subcore_parallel>], iteration_bounds = array<i64: 2, 16>, scalar_prefetch = 0 : i64, scratch_operands = 9 : i64, tpu.core_type = #tpu.core_type<sc_vector_subcore>, window_params = [{transform_indices = #map}, {transform_indices = #map1}, {transform_indices = #map1}, {transform_indices = #map}, {transform_indices = #map1}]} {
    %mul3A = arith.constant 16 : i32
    %mul3A_0 = arith.muli %arg0, %mul3A : i32
    %add3A = arith.addi %mul3A_0, %arg1 : i32
    %mul3A_1 = arith.constant 640 : i32
    %mul3A_2 = arith.muli %arg1, %mul3A_1 : i32
    "tpu.region"() ({
      %run_scoped3A = tpu.sem_alloc : memref<!tpu.dma_semaphore, #tpu.memory_space<semaphore_mem>>
      tpu.enqueue_dma source(%arg5 : memref<128x128xf32, #tpu.memory_space<hbm>>) target(%arg10 : memref<128x128xf32, #tpu.memory_space<vmem>>) target_semaphore(%run_scoped3A : memref<!tpu.dma_semaphore, #tpu.memory_space<semaphore_mem>>)
      tpu.wait_dma2 semaphore(%run_scoped3A : memref<!tpu.dma_semaphore, #tpu.memory_space<semaphore_mem>>) src(%arg5 : memref<128x128xf32, #tpu.memory_space<hbm>>) dst(%arg10 : memref<128x128xf32, #tpu.memory_space<vmem>>)
      tpu.yield
    }) : () -> ()
    %scan3A = arith.constant 0 : i32
    %scan3A_3 = arith.constant 5 : i32
    %scan3A_4 = arith.addi %scan3A, %scan3A_3 : i32
    %scan3A_5 = arith.constant 1 : i32
    scf.for %scan3A_99 = %scan3A to %scan3A_4 step %scan3A_5  : i32 {
      %mul3A_100 = arith.constant 128 : i32
      %mul3A_101 = arith.muli %scan3A_99, %mul3A_100 : i32
      %add3A_102 = arith.constant 0 : i32
      %add3A_103 = arith.addi %add3A_102, %mul3A_101 : i32
      %add3A_104 = arith.addi %mul3A_2, %add3A_103 : i32
      %dma_start3A_105 = arith.constant 0 : i32
      %dma_start3A_106 = tpu.memref_slice %arg11[%add3A_104, %dma_start3A_105] : memref<10240x128xf32, #tpu.memory_space<vmem_shared>> -> memref<128x128xf32, #tpu.memory_space<vmem_shared>>
      %dma_start3A_107 = arith.constant 0 : i32
      %dma_start3A_108 = tpu.memref_slice %arg11[%add3A_104, %dma_start3A_107] : memref<10240x128xf32, #tpu.memory_space<vmem_shared>> -> memref<128x128xf32, #tpu.memory_space<vmem_shared>>
      tpu.enqueue_dma source(%arg10 : memref<128x128xf32, #tpu.memory_space<vmem>>) target(%dma_start3A_108 : memref<128x128xf32, #tpu.memory_space<vmem_shared>>) target_semaphore(%arg14 : memref<!tpu.dma_semaphore, #tpu.memory_space<semaphore_mem>>)
    }
    %scan3A_6 = arith.constant 5 : i32
    %dma_start3A = arith.constant 0 : i32
    %dma_start3A_7 = arith.constant 0 : i32
    %dma_start3A_8 = tpu.memref_slice %arg3[%add3A, %dma_start3A, %dma_start3A_7] : memref<32x80x128xi32, #tpu.memory_space<hbm>> -> memref<1x40x128xi32, #tpu.memory_space<hbm>>
    %dma_start3A_9 = tpu.memref_squeeze %dma_start3A_8 : memref<1x40x128xi32, #tpu.memory_space<hbm>> -> memref<40x128xi32, #tpu.memory_space<hbm>>
    %dma_start3A_10 = arith.constant 0 : i32
    %dma_start3A_11 = arith.constant 0 : i32
    %dma_start3A_12 = tpu.memref_slice %arg3[%add3A, %dma_start3A_10, %dma_start3A_11] : memref<32x80x128xi32, #tpu.memory_space<hbm>> -> memref<1x40x128xi32, #tpu.memory_space<hbm>>
    %dma_start3A_13 = tpu.memref_squeeze %dma_start3A_12 : memref<1x40x128xi32, #tpu.memory_space<hbm>> -> memref<40x128xi32, #tpu.memory_space<hbm>>
    tpu.enqueue_dma source(%dma_start3A_13 : memref<40x128xi32, #tpu.memory_space<hbm>>) target(%arg7 : memref<40x128xi32, #tpu.memory_space<vmem>>) target_semaphore(%arg12 : memref<!tpu.dma_semaphore, #tpu.memory_space<semaphore_mem>>)
    %dma_start3A_14 = arith.constant 0 : i32
    %dma_start3A_15 = arith.constant 0 : i32
    %dma_start3A_16 = tpu.memref_slice %arg4[%add3A, %dma_start3A_14, %dma_start3A_15] : memref<32x80x128xi32, #tpu.memory_space<hbm>> -> memref<1x40x128xi32, #tpu.memory_space<hbm>>
    %dma_start3A_17 = tpu.memref_squeeze %dma_start3A_16 : memref<1x40x128xi32, #tpu.memory_space<hbm>> -> memref<40x128xi32, #tpu.memory_space<hbm>>
    %dma_start3A_18 = arith.constant 0 : i32
    %dma_start3A_19 = arith.constant 0 : i32
    %dma_start3A_20 = tpu.memref_slice %arg4[%add3A, %dma_start3A_18, %dma_start3A_19] : memref<32x80x128xi32, #tpu.memory_space<hbm>> -> memref<1x40x128xi32, #tpu.memory_space<hbm>>
    %dma_start3A_21 = tpu.memref_squeeze %dma_start3A_20 : memref<1x40x128xi32, #tpu.memory_space<hbm>> -> memref<40x128xi32, #tpu.memory_space<hbm>>
    tpu.enqueue_dma source(%dma_start3A_21 : memref<40x128xi32, #tpu.memory_space<hbm>>) target(%arg8 : memref<40x128xi32, #tpu.memory_space<vmem>>) target_semaphore(%arg13 : memref<!tpu.dma_semaphore, #tpu.memory_space<semaphore_mem>>)
    %dma_wait3A = arith.constant 0 : i32
    %dma_wait3A_22 = arith.constant 0 : i32
    %dma_wait3A_23 = tpu.memref_slice %arg3[%add3A, %dma_wait3A, %dma_wait3A_22] : memref<32x80x128xi32, #tpu.memory_space<hbm>> -> memref<1x40x128xi32, #tpu.memory_space<hbm>>
    %dma_wait3A_24 = tpu.memref_squeeze %dma_wait3A_23 : memref<1x40x128xi32, #tpu.memory_space<hbm>> -> memref<40x128xi32, #tpu.memory_space<hbm>>
    %dma_wait3A_25 = arith.constant 0 : i32
    %dma_wait3A_26 = arith.constant 0 : i32
    %dma_wait3A_27 = tpu.memref_slice %arg3[%add3A, %dma_wait3A_25, %dma_wait3A_26] : memref<32x80x128xi32, #tpu.memory_space<hbm>> -> memref<1x40x128xi32, #tpu.memory_space<hbm>>
    %dma_wait3A_28 = tpu.memref_squeeze %dma_wait3A_27 : memref<1x40x128xi32, #tpu.memory_space<hbm>> -> memref<40x128xi32, #tpu.memory_space<hbm>>
    tpu.wait_dma2 semaphore(%arg12 : memref<!tpu.dma_semaphore, #tpu.memory_space<semaphore_mem>>) src(%dma_wait3A_28 : memref<40x128xi32, #tpu.memory_space<hbm>>) dst(%arg7 : memref<40x128xi32, #tpu.memory_space<vmem>>)
    %dma_wait3A_29 = arith.constant 0 : i32
    %dma_wait3A_30 = arith.constant 0 : i32
    %dma_wait3A_31 = tpu.memref_slice %arg4[%add3A, %dma_wait3A_29, %dma_wait3A_30] : memref<32x80x128xi32, #tpu.memory_space<hbm>> -> memref<1x40x128xi32, #tpu.memory_space<hbm>>
    %dma_wait3A_32 = tpu.memref_squeeze %dma_wait3A_31 : memref<1x40x128xi32, #tpu.memory_space<hbm>> -> memref<40x128xi32, #tpu.memory_space<hbm>>
    %dma_wait3A_33 = arith.constant 0 : i32
    %dma_wait3A_34 = arith.constant 0 : i32
    %dma_wait3A_35 = tpu.memref_slice %arg4[%add3A, %dma_wait3A_33, %dma_wait3A_34] : memref<32x80x128xi32, #tpu.memory_space<hbm>> -> memref<1x40x128xi32, #tpu.memory_space<hbm>>
    %dma_wait3A_36 = tpu.memref_squeeze %dma_wait3A_35 : memref<1x40x128xi32, #tpu.memory_space<hbm>> -> memref<40x128xi32, #tpu.memory_space<hbm>>
    tpu.wait_dma2 semaphore(%arg13 : memref<!tpu.dma_semaphore, #tpu.memory_space<semaphore_mem>>) src(%dma_wait3A_36 : memref<40x128xi32, #tpu.memory_space<hbm>>) dst(%arg8 : memref<40x128xi32, #tpu.memory_space<vmem>>)
    %dma_start3A_37 = arith.constant 0 : i32
    %dma_start3A_38 = arith.constant 0 : i32
    %dma_start3A_39 = tpu.memref_slice %arg7[%dma_start3A_37, %dma_start3A_38] : memref<40x128xi32, #tpu.memory_space<vmem>> -> memref<1x128xi32, #tpu.memory_space<vmem>>
    %dma_start3A_40 = tpu.memref_squeeze %dma_start3A_39 : memref<1x128xi32, #tpu.memory_space<vmem>> -> memref<128xi32, #tpu.memory_space<vmem>>
    %dma_start3A_41 = arith.constant 0 : i32
    %dma_start3A_42 = arith.constant 0 : i32
    %dma_start3A_43 = tpu.memref_slice %arg2[%dma_start3A_41, %dma_start3A_42] : memref<10000x128xf32, #tpu.memory_space<hbm>> -> memref<10000x128xf32, #tpu.memory_space<hbm>>
    tpu.enqueue_indirect_dma source(%dma_start3A_43 : memref<10000x128xf32, #tpu.memory_space<hbm>>) target(%arg9 : memref<128x128xf32, #tpu.memory_space<vmem>>) offsets(%dma_start3A_40 : memref<128xi32, #tpu.memory_space<vmem>>) semaphore(%arg12 : memref<!tpu.dma_semaphore, #tpu.memory_space<semaphore_mem>>)
    %scan3A_44 = arith.constant 0 : i32
    %scan3A_45 = arith.constant 5 : i32
    %scan3A_46 = arith.addi %scan3A_44, %scan3A_45 : i32
    %scan3A_47 = arith.constant 1 : i32
    scf.for %scan3A_99 = %scan3A_44 to %scan3A_46 step %scan3A_47  : i32 {
      %mul3A_100 = arith.constant 128 : i32
      %mul3A_101 = arith.muli %scan3A_99, %mul3A_100 : i32
      %add3A_102 = arith.constant 0 : i32
      %add3A_103 = arith.addi %add3A_102, %mul3A_101 : i32
      %add3A_104 = arith.addi %mul3A_2, %add3A_103 : i32
      %dma_wait3A_105 = arith.constant 0 : i32
      %dma_wait3A_106 = tpu.memref_slice %arg11[%add3A_104, %dma_wait3A_105] : memref<10240x128xf32, #tpu.memory_space<vmem_shared>> -> memref<128x128xf32, #tpu.memory_space<vmem_shared>>
      %dma_wait3A_107 = arith.constant 0 : i32
      %dma_wait3A_108 = tpu.memref_slice %arg11[%add3A_104, %dma_wait3A_107] : memref<10240x128xf32, #tpu.memory_space<vmem_shared>> -> memref<128x128xf32, #tpu.memory_space<vmem_shared>>
      tpu.wait_dma2 semaphore(%arg14 : memref<!tpu.dma_semaphore, #tpu.memory_space<semaphore_mem>>) src(%arg10 : memref<128x128xf32, #tpu.memory_space<vmem>>) dst(%dma_wait3A_108 : memref<128x128xf32, #tpu.memory_space<vmem_shared>>)
    }
    %scan3A_48 = arith.constant 5 : i32
    %barrier3A = arith.constant 0 : index
    tpu.barrier barrier_id(%barrier3A)
    %scan3A_49 = arith.constant 0 : i32
    %scan3A_50 = arith.constant 10 : i32
    %scan3A_51 = arith.addi %scan3A_49, %scan3A_50 : i32
    %scan3A_52 = arith.constant 1 : i32
    scf.for %scan3A_99 = %scan3A_49 to %scan3A_51 step %scan3A_52  : i32 {
      %mul3A_100 = arith.constant 1 : i32
      %mul3A_101 = arith.muli %scan3A_99, %mul3A_100 : i32
      %add3A_102 = arith.constant 0 : i32
      %add3A_103 = arith.addi %add3A_102, %mul3A_101 : i32
      %mul3A_104 = arith.constant 4 : i32
      %mul3A_105 = arith.muli %mul3A_104, %add3A_103 : i32
      %add3A_106 = arith.constant 1 : i32
      %add3A_107 = arith.addi %mul3A_105, %add3A_106 : i32
      %dma_start3A_108 = arith.constant 0 : i32
      %dma_start3A_109 = tpu.memref_slice %arg7[%add3A_107, %dma_start3A_108] : memref<40x128xi32, #tpu.memory_space<vmem>> -> memref<1x128xi32, #tpu.memory_space<vmem>>
      %dma_start3A_110 = tpu.memref_squeeze %dma_start3A_109 : memref<1x128xi32, #tpu.memory_space<vmem>> -> memref<128xi32, #tpu.memory_space<vmem>>
      %dma_start3A_111 = arith.constant 0 : i32
      %dma_start3A_112 = arith.constant 0 : i32
      %dma_start3A_113 = tpu.memref_slice %arg2[%dma_start3A_111, %dma_start3A_112] : memref<10000x128xf32, #tpu.memory_space<hbm>> -> memref<10000x128xf32, #tpu.memory_space<hbm>>
      tpu.enqueue_indirect_dma source(%dma_start3A_113 : memref<10000x128xf32, #tpu.memory_space<hbm>>) target(%arg10 : memref<128x128xf32, #tpu.memory_space<vmem>>) offsets(%dma_start3A_110 : memref<128xi32, #tpu.memory_space<vmem>>) semaphore(%arg13 : memref<!tpu.dma_semaphore, #tpu.memory_space<semaphore_mem>>)
      %dma_wait3A_114 = arith.constant 0 : i32
      %dma_wait3A_115 = tpu.memref_slice %arg7[%mul3A_105, %dma_wait3A_114] : memref<40x128xi32, #tpu.memory_space<vmem>> -> memref<1x128xi32, #tpu.memory_space<vmem>>
      %dma_wait3A_116 = tpu.memref_squeeze %dma_wait3A_115 : memref<1x128xi32, #tpu.memory_space<vmem>> -> memref<128xi32, #tpu.memory_space<vmem>>
      %dma_wait3A_117 = arith.constant 0 : i32
      %dma_wait3A_118 = arith.constant 0 : i32
      %dma_wait3A_119 = tpu.memref_slice %arg2[%dma_wait3A_117, %dma_wait3A_118] : memref<10000x128xf32, #tpu.memory_space<hbm>> -> memref<10000x128xf32, #tpu.memory_space<hbm>>
      tpu.wait_indirect_dma semaphore(%arg12 : memref<!tpu.dma_semaphore, #tpu.memory_space<semaphore_mem>>) src(%dma_wait3A_119 : memref<10000x128xf32, #tpu.memory_space<hbm>>) dst(%arg9 : memref<128x128xf32, #tpu.memory_space<vmem>>)
      %dma_start3A_120 = arith.constant 0 : i32
      %dma_start3A_121 = tpu.memref_slice %arg8[%mul3A_105, %dma_start3A_120] : memref<40x128xi32, #tpu.memory_space<vmem>> -> memref<1x128xi32, #tpu.memory_space<vmem>>
      %dma_start3A_122 = tpu.memref_squeeze %dma_start3A_121 : memref<1x128xi32, #tpu.memory_space<vmem>> -> memref<128xi32, #tpu.memory_space<vmem>>
      %dma_start3A_123 = arith.constant 0 : i32
      %dma_start3A_124 = arith.constant 0 : i32
      %dma_start3A_125 = tpu.memref_slice %arg11[%dma_start3A_123, %dma_start3A_124] : memref<10240x128xf32, #tpu.memory_space<vmem_shared>> -> memref<10240x128xf32, #tpu.memory_space<vmem_shared>>
      tpu.enqueue_indirect_dma source(%arg9 : memref<128x128xf32, #tpu.memory_space<vmem>>) target(%dma_start3A_125 : memref<10240x128xf32, #tpu.memory_space<vmem_shared>>) offsets(%dma_start3A_122 : memref<128xi32, #tpu.memory_space<vmem>>) semaphore(%arg14 : memref<!tpu.dma_semaphore, #tpu.memory_space<semaphore_mem>>) {add = true}
      %add3A_126 = arith.constant 1 : i32
      %add3A_127 = arith.addi %mul3A_105, %add3A_126 : i32
      %dma_wait3A_128 = arith.constant 0 : i32
      %dma_wait3A_129 = tpu.memref_slice %arg7[%add3A_127, %dma_wait3A_128] : memref<40x128xi32, #tpu.memory_space<vmem>> -> memref<1x128xi32, #tpu.memory_space<vmem>>
      %dma_wait3A_130 = tpu.memref_squeeze %dma_wait3A_129 : memref<1x128xi32, #tpu.memory_space<vmem>> -> memref<128xi32, #tpu.memory_space<vmem>>
      %dma_wait3A_131 = arith.constant 0 : i32
      %dma_wait3A_132 = arith.constant 0 : i32
      %dma_wait3A_133 = tpu.memref_slice %arg2[%dma_wait3A_131, %dma_wait3A_132] : memref<10000x128xf32, #tpu.memory_space<hbm>> -> memref<10000x128xf32, #tpu.memory_space<hbm>>
      tpu.wait_indirect_dma semaphore(%arg13 : memref<!tpu.dma_semaphore, #tpu.memory_space<semaphore_mem>>) src(%dma_wait3A_133 : memref<10000x128xf32, #tpu.memory_space<hbm>>) dst(%arg10 : memref<128x128xf32, #tpu.memory_space<vmem>>)
      %add3A_134 = arith.constant 1 : i32
      %add3A_135 = arith.addi %mul3A_105, %add3A_134 : i32
      %dma_start3A_136 = arith.constant 0 : i32
      %dma_start3A_137 = tpu.memref_slice %arg8[%add3A_135, %dma_start3A_136] : memref<40x128xi32, #tpu.memory_space<vmem>> -> memref<1x128xi32, #tpu.memory_space<vmem>>
      %dma_start3A_138 = tpu.memref_squeeze %dma_start3A_137 : memref<1x128xi32, #tpu.memory_space<vmem>> -> memref<128xi32, #tpu.memory_space<vmem>>
      %dma_start3A_139 = arith.constant 0 : i32
      %dma_start3A_140 = arith.constant 0 : i32
      %dma_start3A_141 = tpu.memref_slice %arg11[%dma_start3A_139, %dma_start3A_140] : memref<10240x128xf32, #tpu.memory_space<vmem_shared>> -> memref<10240x128xf32, #tpu.memory_space<vmem_shared>>
      tpu.enqueue_indirect_dma source(%arg10 : memref<128x128xf32, #tpu.memory_space<vmem>>) target(%dma_start3A_141 : memref<10240x128xf32, #tpu.memory_space<vmem_shared>>) offsets(%dma_start3A_138 : memref<128xi32, #tpu.memory_space<vmem>>) semaphore(%arg15 : memref<!tpu.dma_semaphore, #tpu.memory_space<semaphore_mem>>) {add = true}
      %dma_wait3A_142 = arith.constant 0 : i32
      %dma_wait3A_143 = tpu.memref_slice %arg8[%mul3A_105, %dma_wait3A_142] : memref<40x128xi32, #tpu.memory_space<vmem>> -> memref<1x128xi32, #tpu.memory_space<vmem>>
      %dma_wait3A_144 = tpu.memref_squeeze %dma_wait3A_143 : memref<1x128xi32, #tpu.memory_space<vmem>> -> memref<128xi32, #tpu.memory_space<vmem>>
      %dma_wait3A_145 = arith.constant 0 : i32
      %dma_wait3A_146 = arith.constant 0 : i32
      %dma_wait3A_147 = tpu.memref_slice %arg11[%dma_wait3A_145, %dma_wait3A_146] : memref<10240x128xf32, #tpu.memory_space<vmem_shared>> -> memref<10240x128xf32, #tpu.memory_space<vmem_shared>>
      tpu.wait_indirect_dma semaphore(%arg14 : memref<!tpu.dma_semaphore, #tpu.memory_space<semaphore_mem>>) src(%arg9 : memref<128x128xf32, #tpu.memory_space<vmem>>) dst(%dma_wait3A_147 : memref<10240x128xf32, #tpu.memory_space<vmem_shared>>)
      %add3A_148 = arith.constant 2 : i32
      %add3A_149 = arith.addi %mul3A_105, %add3A_148 : i32
      %dma_start3A_150 = arith.constant 0 : i32
      %dma_start3A_151 = tpu.memref_slice %arg7[%add3A_149, %dma_start3A_150] : memref<40x128xi32, #tpu.memory_space<vmem>> -> memref<1x128xi32, #tpu.memory_space<vmem>>
      %dma_start3A_152 = tpu.memref_squeeze %dma_start3A_151 : memref<1x128xi32, #tpu.memory_space<vmem>> -> memref<128xi32, #tpu.memory_space<vmem>>
      %dma_start3A_153 = arith.constant 0 : i32
      %dma_start3A_154 = arith.constant 0 : i32
      %dma_start3A_155 = tpu.memref_slice %arg2[%dma_start3A_153, %dma_start3A_154] : memref<10000x128xf32, #tpu.memory_space<hbm>> -> memref<10000x128xf32, #tpu.memory_space<hbm>>
      tpu.enqueue_indirect_dma source(%dma_start3A_155 : memref<10000x128xf32, #tpu.memory_space<hbm>>) target(%arg9 : memref<128x128xf32, #tpu.memory_space<vmem>>) offsets(%dma_start3A_152 : memref<128xi32, #tpu.memory_space<vmem>>) semaphore(%arg12 : memref<!tpu.dma_semaphore, #tpu.memory_space<semaphore_mem>>)
      %add3A_156 = arith.constant 1 : i32
      %add3A_157 = arith.addi %mul3A_105, %add3A_156 : i32
      %dma_wait3A_158 = arith.constant 0 : i32
      %dma_wait3A_159 = tpu.memref_slice %arg8[%add3A_157, %dma_wait3A_158] : memref<40x128xi32, #tpu.memory_space<vmem>> -> memref<1x128xi32, #tpu.memory_space<vmem>>
      %dma_wait3A_160 = tpu.memref_squeeze %dma_wait3A_159 : memref<1x128xi32, #tpu.memory_space<vmem>> -> memref<128xi32, #tpu.memory_space<vmem>>
      %dma_wait3A_161 = arith.constant 0 : i32
      %dma_wait3A_162 = arith.constant 0 : i32
      %dma_wait3A_163 = tpu.memref_slice %arg11[%dma_wait3A_161, %dma_wait3A_162] : memref<10240x128xf32, #tpu.memory_space<vmem_shared>> -> memref<10240x128xf32, #tpu.memory_space<vmem_shared>>
      tpu.wait_indirect_dma semaphore(%arg15 : memref<!tpu.dma_semaphore, #tpu.memory_space<semaphore_mem>>) src(%arg10 : memref<128x128xf32, #tpu.memory_space<vmem>>) dst(%dma_wait3A_163 : memref<10240x128xf32, #tpu.memory_space<vmem_shared>>)
      %add3A_164 = arith.constant 2 : i32
      %add3A_165 = arith.addi %mul3A_105, %add3A_164 : i32
      %add3A_166 = arith.constant 4 : i32
      %add3A_167 = arith.addi %mul3A_105, %add3A_166 : i32
      %lt3A = arith.constant 40 : i32
      %lt3A_168 = arith.cmpi slt, %add3A_167, %lt3A : i32
      %add3A_169 = arith.constant 1 : i32
      %add3A_170 = arith.addi %add3A_165, %add3A_169 : i32
      %dma_start3A_171 = arith.constant 0 : i32
      %dma_start3A_172 = tpu.memref_slice %arg7[%add3A_170, %dma_start3A_171] : memref<40x128xi32, #tpu.memory_space<vmem>> -> memref<1x128xi32, #tpu.memory_space<vmem>>
      %dma_start3A_173 = tpu.memref_squeeze %dma_start3A_172 : memref<1x128xi32, #tpu.memory_space<vmem>> -> memref<128xi32, #tpu.memory_space<vmem>>
      %dma_start3A_174 = arith.constant 0 : i32
      %dma_start3A_175 = arith.constant 0 : i32
      %dma_start3A_176 = tpu.memref_slice %arg2[%dma_start3A_174, %dma_start3A_175] : memref<10000x128xf32, #tpu.memory_space<hbm>> -> memref<10000x128xf32, #tpu.memory_space<hbm>>
      tpu.enqueue_indirect_dma source(%dma_start3A_176 : memref<10000x128xf32, #tpu.memory_space<hbm>>) target(%arg10 : memref<128x128xf32, #tpu.memory_space<vmem>>) offsets(%dma_start3A_173 : memref<128xi32, #tpu.memory_space<vmem>>) semaphore(%arg13 : memref<!tpu.dma_semaphore, #tpu.memory_space<semaphore_mem>>)
      %dma_wait3A_177 = arith.constant 0 : i32
      %dma_wait3A_178 = tpu.memref_slice %arg7[%add3A_165, %dma_wait3A_177] : memref<40x128xi32, #tpu.memory_space<vmem>> -> memref<1x128xi32, #tpu.memory_space<vmem>>
      %dma_wait3A_179 = tpu.memref_squeeze %dma_wait3A_178 : memref<1x128xi32, #tpu.memory_space<vmem>> -> memref<128xi32, #tpu.memory_space<vmem>>
      %dma_wait3A_180 = arith.constant 0 : i32
      %dma_wait3A_181 = arith.constant 0 : i32
      %dma_wait3A_182 = tpu.memref_slice %arg2[%dma_wait3A_180, %dma_wait3A_181] : memref<10000x128xf32, #tpu.memory_space<hbm>> -> memref<10000x128xf32, #tpu.memory_space<hbm>>
      tpu.wait_indirect_dma semaphore(%arg12 : memref<!tpu.dma_semaphore, #tpu.memory_space<semaphore_mem>>) src(%dma_wait3A_182 : memref<10000x128xf32, #tpu.memory_space<hbm>>) dst(%arg9 : memref<128x128xf32, #tpu.memory_space<vmem>>)
      %dma_start3A_183 = arith.constant 0 : i32
      %dma_start3A_184 = tpu.memref_slice %arg8[%add3A_165, %dma_start3A_183] : memref<40x128xi32, #tpu.memory_space<vmem>> -> memref<1x128xi32, #tpu.memory_space<vmem>>
      %dma_start3A_185 = tpu.memref_squeeze %dma_start3A_184 : memref<1x128xi32, #tpu.memory_space<vmem>> -> memref<128xi32, #tpu.memory_space<vmem>>
      %dma_start3A_186 = arith.constant 0 : i32
      %dma_start3A_187 = arith.constant 0 : i32
      %dma_start3A_188 = tpu.memref_slice %arg11[%dma_start3A_186, %dma_start3A_187] : memref<10240x128xf32, #tpu.memory_space<vmem_shared>> -> memref<10240x128xf32, #tpu.memory_space<vmem_shared>>
      tpu.enqueue_indirect_dma source(%arg9 : memref<128x128xf32, #tpu.memory_space<vmem>>) target(%dma_start3A_188 : memref<10240x128xf32, #tpu.memory_space<vmem_shared>>) offsets(%dma_start3A_185 : memref<128xi32, #tpu.memory_space<vmem>>) semaphore(%arg14 : memref<!tpu.dma_semaphore, #tpu.memory_space<semaphore_mem>>) {add = true}
      %add3A_189 = arith.constant 1 : i32
      %add3A_190 = arith.addi %add3A_165, %add3A_189 : i32
      %dma_wait3A_191 = arith.constant 0 : i32
      %dma_wait3A_192 = tpu.memref_slice %arg7[%add3A_190, %dma_wait3A_191] : memref<40x128xi32, #tpu.memory_space<vmem>> -> memref<1x128xi32, #tpu.memory_space<vmem>>
      %dma_wait3A_193 = tpu.memref_squeeze %dma_wait3A_192 : memref<1x128xi32, #tpu.memory_space<vmem>> -> memref<128xi32, #tpu.memory_space<vmem>>
      %dma_wait3A_194 = arith.constant 0 : i32
      %dma_wait3A_195 = arith.constant 0 : i32
      %dma_wait3A_196 = tpu.memref_slice %arg2[%dma_wait3A_194, %dma_wait3A_195] : memref<10000x128xf32, #tpu.memory_space<hbm>> -> memref<10000x128xf32, #tpu.memory_space<hbm>>
      tpu.wait_indirect_dma semaphore(%arg13 : memref<!tpu.dma_semaphore, #tpu.memory_space<semaphore_mem>>) src(%dma_wait3A_196 : memref<10000x128xf32, #tpu.memory_space<hbm>>) dst(%arg10 : memref<128x128xf32, #tpu.memory_space<vmem>>)
      %add3A_197 = arith.constant 1 : i32
      %add3A_198 = arith.addi %add3A_165, %add3A_197 : i32
      %dma_start3A_199 = arith.constant 0 : i32
      %dma_start3A_200 = tpu.memref_slice %arg8[%add3A_198, %dma_start3A_199] : memref<40x128xi32, #tpu.memory_space<vmem>> -> memref<1x128xi32, #tpu.memory_space<vmem>>
      %dma_start3A_201 = tpu.memref_squeeze %dma_start3A_200 : memref<1x128xi32, #tpu.memory_space<vmem>> -> memref<128xi32, #tpu.memory_space<vmem>>
      %dma_start3A_202 = arith.constant 0 : i32
      %dma_start3A_203 = arith.constant 0 : i32
      %dma_start3A_204 = tpu.memref_slice %arg11[%dma_start3A_202, %dma_start3A_203] : memref<10240x128xf32, #tpu.memory_space<vmem_shared>> -> memref<10240x128xf32, #tpu.memory_space<vmem_shared>>
      tpu.enqueue_indirect_dma source(%arg10 : memref<128x128xf32, #tpu.memory_space<vmem>>) target(%dma_start3A_204 : memref<10240x128xf32, #tpu.memory_space<vmem_shared>>) offsets(%dma_start3A_201 : memref<128xi32, #tpu.memory_space<vmem>>) semaphore(%arg15 : memref<!tpu.dma_semaphore, #tpu.memory_space<semaphore_mem>>) {add = true}
      %dma_wait3A_205 = arith.constant 0 : i32
      %dma_wait3A_206 = tpu.memref_slice %arg8[%add3A_165, %dma_wait3A_205] : memref<40x128xi32, #tpu.memory_space<vmem>> -> memref<1x128xi32, #tpu.memory_space<vmem>>
      %dma_wait3A_207 = tpu.memref_squeeze %dma_wait3A_206 : memref<1x128xi32, #tpu.memory_space<vmem>> -> memref<128xi32, #tpu.memory_space<vmem>>
      %dma_wait3A_208 = arith.constant 0 : i32
      %dma_wait3A_209 = arith.constant 0 : i32
      %dma_wait3A_210 = tpu.memref_slice %arg11[%dma_wait3A_208, %dma_wait3A_209] : memref<10240x128xf32, #tpu.memory_space<vmem_shared>> -> memref<10240x128xf32, #tpu.memory_space<vmem_shared>>
      tpu.wait_indirect_dma semaphore(%arg14 : memref<!tpu.dma_semaphore, #tpu.memory_space<semaphore_mem>>) src(%arg9 : memref<128x128xf32, #tpu.memory_space<vmem>>) dst(%dma_wait3A_210 : memref<10240x128xf32, #tpu.memory_space<vmem_shared>>)
      %convert_element_type3A = arith.extui %lt3A_168 : i1 to i32
      %cond3A = arith.constant 0 : i32
      %cond3A_211 = arith.cmpi ne, %convert_element_type3A, %cond3A : i32
      scf.if %cond3A_211 {
        %add3A_220 = arith.constant 2 : i32
        %add3A_221 = arith.addi %add3A_165, %add3A_220 : i32
        %dma_start3A_222 = arith.constant 0 : i32
        %dma_start3A_223 = tpu.memref_slice %arg7[%add3A_221, %dma_start3A_222] : memref<40x128xi32, #tpu.memory_space<vmem>> -> memref<1x128xi32, #tpu.memory_space<vmem>>
        %dma_start3A_224 = tpu.memref_squeeze %dma_start3A_223 : memref<1x128xi32, #tpu.memory_space<vmem>> -> memref<128xi32, #tpu.memory_space<vmem>>
        %dma_start3A_225 = arith.constant 0 : i32
        %dma_start3A_226 = arith.constant 0 : i32
        %dma_start3A_227 = tpu.memref_slice %arg2[%dma_start3A_225, %dma_start3A_226] : memref<10000x128xf32, #tpu.memory_space<hbm>> -> memref<10000x128xf32, #tpu.memory_space<hbm>>
        tpu.enqueue_indirect_dma source(%dma_start3A_227 : memref<10000x128xf32, #tpu.memory_space<hbm>>) target(%arg9 : memref<128x128xf32, #tpu.memory_space<vmem>>) offsets(%dma_start3A_224 : memref<128xi32, #tpu.memory_space<vmem>>) semaphore(%arg12 : memref<!tpu.dma_semaphore, #tpu.memory_space<semaphore_mem>>)
      } else {
      }
      %add3A_212 = arith.constant 1 : i32
      %add3A_213 = arith.addi %add3A_165, %add3A_212 : i32
      %dma_wait3A_214 = arith.constant 0 : i32
      %dma_wait3A_215 = tpu.memref_slice %arg8[%add3A_213, %dma_wait3A_214] : memref<40x128xi32, #tpu.memory_space<vmem>> -> memref<1x128xi32, #tpu.memory_space<vmem>>
      %dma_wait3A_216 = tpu.memref_squeeze %dma_wait3A_215 : memref<1x128xi32, #tpu.memory_space<vmem>> -> memref<128xi32, #tpu.memory_space<vmem>>
      %dma_wait3A_217 = arith.constant 0 : i32
      %dma_wait3A_218 = arith.constant 0 : i32
      %dma_wait3A_219 = tpu.memref_slice %arg11[%dma_wait3A_217, %dma_wait3A_218] : memref<10240x128xf32, #tpu.memory_space<vmem_shared>> -> memref<10240x128xf32, #tpu.memory_space<vmem_shared>>
      tpu.wait_indirect_dma semaphore(%arg15 : memref<!tpu.dma_semaphore, #tpu.memory_space<semaphore_mem>>) src(%arg10 : memref<128x128xf32, #tpu.memory_space<vmem>>) dst(%dma_wait3A_219 : memref<10240x128xf32, #tpu.memory_space<vmem_shared>>)
    }
    %scan3A_53 = arith.constant 10 : i32
    %dma_start3A_54 = arith.constant 40 : i32
    %dma_start3A_55 = arith.constant 0 : i32
    %dma_start3A_56 = tpu.memref_slice %arg3[%add3A, %dma_start3A_54, %dma_start3A_55] : memref<32x80x128xi32, #tpu.memory_space<hbm>> -> memref<1x40x128xi32, #tpu.memory_space<hbm>>
    %dma_start3A_57 = tpu.memref_squeeze %dma_start3A_56 : memref<1x40x128xi32, #tpu.memory_space<hbm>> -> memref<40x128xi32, #tpu.memory_space<hbm>>
    %dma_start3A_58 = arith.constant 40 : i32
    %dma_start3A_59 = arith.constant 0 : i32
    %dma_start3A_60 = tpu.memref_slice %arg3[%add3A, %dma_start3A_58, %dma_start3A_59] : memref<32x80x128xi32, #tpu.memory_space<hbm>> -> memref<1x40x128xi32, #tpu.memory_space<hbm>>
    %dma_start3A_61 = tpu.memref_squeeze %dma_start3A_60 : memref<1x40x128xi32, #tpu.memory_space<hbm>> -> memref<40x128xi32, #tpu.memory_space<hbm>>
    tpu.enqueue_dma source(%dma_start3A_61 : memref<40x128xi32, #tpu.memory_space<hbm>>) target(%arg7 : memref<40x128xi32, #tpu.memory_space<vmem>>) target_semaphore(%arg12 : memref<!tpu.dma_semaphore, #tpu.memory_space<semaphore_mem>>)
    %dma_start3A_62 = arith.constant 40 : i32
    %dma_start3A_63 = arith.constant 0 : i32
    %dma_start3A_64 = tpu.memref_slice %arg4[%add3A, %dma_start3A_62, %dma_start3A_63] : memref<32x80x128xi32, #tpu.memory_space<hbm>> -> memref<1x40x128xi32, #tpu.memory_space<hbm>>
    %dma_start3A_65 = tpu.memref_squeeze %dma_start3A_64 : memref<1x40x128xi32, #tpu.memory_space<hbm>> -> memref<40x128xi32, #tpu.memory_space<hbm>>
    %dma_start3A_66 = arith.constant 40 : i32
    %dma_start3A_67 = arith.constant 0 : i32
    %dma_start3A_68 = tpu.memref_slice %arg4[%add3A, %dma_start3A_66, %dma_start3A_67] : memref<32x80x128xi32, #tpu.memory_space<hbm>> -> memref<1x40x128xi32, #tpu.memory_space<hbm>>
    %dma_start3A_69 = tpu.memref_squeeze %dma_start3A_68 : memref<1x40x128xi32, #tpu.memory_space<hbm>> -> memref<40x128xi32, #tpu.memory_space<hbm>>
    tpu.enqueue_dma source(%dma_start3A_69 : memref<40x128xi32, #tpu.memory_space<hbm>>) target(%arg8 : memref<40x128xi32, #tpu.memory_space<vmem>>) target_semaphore(%arg13 : memref<!tpu.dma_semaphore, #tpu.memory_space<semaphore_mem>>)
    %dma_wait3A_70 = arith.constant 40 : i32
    %dma_wait3A_71 = arith.constant 0 : i32
    %dma_wait3A_72 = tpu.memref_slice %arg3[%add3A, %dma_wait3A_70, %dma_wait3A_71] : memref<32x80x128xi32, #tpu.memory_space<hbm>> -> memref<1x40x128xi32, #tpu.memory_space<hbm>>
    %dma_wait3A_73 = tpu.memref_squeeze %dma_wait3A_72 : memref<1x40x128xi32, #tpu.memory_space<hbm>> -> memref<40x128xi32, #tpu.memory_space<hbm>>
    %dma_wait3A_74 = arith.constant 40 : i32
    %dma_wait3A_75 = arith.constant 0 : i32
    %dma_wait3A_76 = tpu.memref_slice %arg3[%add3A, %dma_wait3A_74, %dma_wait3A_75] : memref<32x80x128xi32, #tpu.memory_space<hbm>> -> memref<1x40x128xi32, #tpu.memory_space<hbm>>
    %dma_wait3A_77 = tpu.memref_squeeze %dma_wait3A_76 : memref<1x40x128xi32, #tpu.memory_space<hbm>> -> memref<40x128xi32, #tpu.memory_space<hbm>>
    tpu.wait_dma2 semaphore(%arg12 : memref<!tpu.dma_semaphore, #tpu.memory_space<semaphore_mem>>) src(%dma_wait3A_77 : memref<40x128xi32, #tpu.memory_space<hbm>>) dst(%arg7 : memref<40x128xi32, #tpu.memory_space<vmem>>)
    %dma_wait3A_78 = arith.constant 40 : i32
    %dma_wait3A_79 = arith.constant 0 : i32
    %dma_wait3A_80 = tpu.memref_slice %arg4[%add3A, %dma_wait3A_78, %dma_wait3A_79] : memref<32x80x128xi32, #tpu.memory_space<hbm>> -> memref<1x40x128xi32, #tpu.memory_space<hbm>>
    %dma_wait3A_81 = tpu.memref_squeeze %dma_wait3A_80 : memref<1x40x128xi32, #tpu.memory_space<hbm>> -> memref<40x128xi32, #tpu.memory_space<hbm>>
    %dma_wait3A_82 = arith.constant 40 : i32
    %dma_wait3A_83 = arith.constant 0 : i32
    %dma_wait3A_84 = tpu.memref_slice %arg4[%add3A, %dma_wait3A_82, %dma_wait3A_83] : memref<32x80x128xi32, #tpu.memory_space<hbm>> -> memref<1x40x128xi32, #tpu.memory_space<hbm>>
    %dma_wait3A_85 = tpu.memref_squeeze %dma_wait3A_84 : memref<1x40x128xi32, #tpu.memory_space<hbm>> -> memref<40x128xi32, #tpu.memory_space<hbm>>
    tpu.wait_dma2 semaphore(%arg13 : memref<!tpu.dma_semaphore, #tpu.memory_space<semaphore_mem>>) src(%dma_wait3A_85 : memref<40x128xi32, #tpu.memory_space<hbm>>) dst(%arg8 : memref<40x128xi32, #tpu.memory_space<vmem>>)
    %dma_start3A_86 = arith.constant 0 : i32
    %dma_start3A_87 = arith.constant 0 : i32
    %dma_start3A_88 = tpu.memref_slice %arg7[%dma_start3A_86, %dma_start3A_87] : memref<40x128xi32, #tpu.memory_space<vmem>> -> memref<1x128xi32, #tpu.memory_space<vmem>>
    %dma_start3A_89 = tpu.memref_squeeze %dma_start3A_88 : memref<1x128xi32, #tpu.memory_space<vmem>> -> memref<128xi32, #tpu.memory_space<vmem>>
    %dma_start3A_90 = arith.constant 0 : i32
    %dma_start3A_91 = arith.constant 0 : i32
    %dma_start3A_92 = tpu.memref_slice %arg2[%dma_start3A_90, %dma_start3A_91] : memref<10000x128xf32, #tpu.memory_space<hbm>> -> memref<10000x128xf32, #tpu.memory_space<hbm>>
    tpu.enqueue_indirect_dma source(%dma_start3A_92 : memref<10000x128xf32, #tpu.memory_space<hbm>>) target(%arg9 : memref<128x128xf32, #tpu.memory_space<vmem>>) offsets(%dma_start3A_89 : memref<128xi32, #tpu.memory_space<vmem>>) semaphore(%arg12 : memref<!tpu.dma_semaphore, #tpu.memory_space<semaphore_mem>>)
    %scan3A_93 = arith.constant 0 : i32
    %scan3A_94 = arith.constant 10 : i32
    %scan3A_95 = arith.addi %scan3A_93, %scan3A_94 : i32
    %scan3A_96 = arith.constant 1 : i32
    scf.for %scan3A_99 = %scan3A_93 to %scan3A_95 step %scan3A_96  : i32 {
      %mul3A_100 = arith.constant 1 : i32
      %mul3A_101 = arith.muli %scan3A_99, %mul3A_100 : i32
      %add3A_102 = arith.constant 0 : i32
      %add3A_103 = arith.addi %add3A_102, %mul3A_101 : i32
      %mul3A_104 = arith.constant 4 : i32
      %mul3A_105 = arith.muli %mul3A_104, %add3A_103 : i32
      %add3A_106 = arith.constant 1 : i32
      %add3A_107 = arith.addi %mul3A_105, %add3A_106 : i32
      %dma_start3A_108 = arith.constant 0 : i32
      %dma_start3A_109 = tpu.memref_slice %arg7[%add3A_107, %dma_start3A_108] : memref<40x128xi32, #tpu.memory_space<vmem>> -> memref<1x128xi32, #tpu.memory_space<vmem>>
      %dma_start3A_110 = tpu.memref_squeeze %dma_start3A_109 : memref<1x128xi32, #tpu.memory_space<vmem>> -> memref<128xi32, #tpu.memory_space<vmem>>
      %dma_start3A_111 = arith.constant 0 : i32
      %dma_start3A_112 = arith.constant 0 : i32
      %dma_start3A_113 = tpu.memref_slice %arg2[%dma_start3A_111, %dma_start3A_112] : memref<10000x128xf32, #tpu.memory_space<hbm>> -> memref<10000x128xf32, #tpu.memory_space<hbm>>
      tpu.enqueue_indirect_dma source(%dma_start3A_113 : memref<10000x128xf32, #tpu.memory_space<hbm>>) target(%arg10 : memref<128x128xf32, #tpu.memory_space<vmem>>) offsets(%dma_start3A_110 : memref<128xi32, #tpu.memory_space<vmem>>) semaphore(%arg13 : memref<!tpu.dma_semaphore, #tpu.memory_space<semaphore_mem>>)
      %dma_wait3A_114 = arith.constant 0 : i32
      %dma_wait3A_115 = tpu.memref_slice %arg7[%mul3A_105, %dma_wait3A_114] : memref<40x128xi32, #tpu.memory_space<vmem>> -> memref<1x128xi32, #tpu.memory_space<vmem>>
      %dma_wait3A_116 = tpu.memref_squeeze %dma_wait3A_115 : memref<1x128xi32, #tpu.memory_space<vmem>> -> memref<128xi32, #tpu.memory_space<vmem>>
      %dma_wait3A_117 = arith.constant 0 : i32
      %dma_wait3A_118 = arith.constant 0 : i32
      %dma_wait3A_119 = tpu.memref_slice %arg2[%dma_wait3A_117, %dma_wait3A_118] : memref<10000x128xf32, #tpu.memory_space<hbm>> -> memref<10000x128xf32, #tpu.memory_space<hbm>>
      tpu.wait_indirect_dma semaphore(%arg12 : memref<!tpu.dma_semaphore, #tpu.memory_space<semaphore_mem>>) src(%dma_wait3A_119 : memref<10000x128xf32, #tpu.memory_space<hbm>>) dst(%arg9 : memref<128x128xf32, #tpu.memory_space<vmem>>)
      %dma_start3A_120 = arith.constant 0 : i32
      %dma_start3A_121 = tpu.memref_slice %arg8[%mul3A_105, %dma_start3A_120] : memref<40x128xi32, #tpu.memory_space<vmem>> -> memref<1x128xi32, #tpu.memory_space<vmem>>
      %dma_start3A_122 = tpu.memref_squeeze %dma_start3A_121 : memref<1x128xi32, #tpu.memory_space<vmem>> -> memref<128xi32, #tpu.memory_space<vmem>>
      %dma_start3A_123 = arith.constant 0 : i32
      %dma_start3A_124 = arith.constant 0 : i32
      %dma_start3A_125 = tpu.memref_slice %arg11[%dma_start3A_123, %dma_start3A_124] : memref<10240x128xf32, #tpu.memory_space<vmem_shared>> -> memref<10240x128xf32, #tpu.memory_space<vmem_shared>>
      tpu.enqueue_indirect_dma source(%arg9 : memref<128x128xf32, #tpu.memory_space<vmem>>) target(%dma_start3A_125 : memref<10240x128xf32, #tpu.memory_space<vmem_shared>>) offsets(%dma_start3A_122 : memref<128xi32, #tpu.memory_space<vmem>>) semaphore(%arg14 : memref<!tpu.dma_semaphore, #tpu.memory_space<semaphore_mem>>) {add = true}
      %add3A_126 = arith.constant 1 : i32
      %add3A_127 = arith.addi %mul3A_105, %add3A_126 : i32
      %dma_wait3A_128 = arith.constant 0 : i32
      %dma_wait3A_129 = tpu.memref_slice %arg7[%add3A_127, %dma_wait3A_128] : memref<40x128xi32, #tpu.memory_space<vmem>> -> memref<1x128xi32, #tpu.memory_space<vmem>>
      %dma_wait3A_130 = tpu.memref_squeeze %dma_wait3A_129 : memref<1x128xi32, #tpu.memory_space<vmem>> -> memref<128xi32, #tpu.memory_space<vmem>>
      %dma_wait3A_131 = arith.constant 0 : i32
      %dma_wait3A_132 = arith.constant 0 : i32
      %dma_wait3A_133 = tpu.memref_slice %arg2[%dma_wait3A_131, %dma_wait3A_132] : memref<10000x128xf32, #tpu.memory_space<hbm>> -> memref<10000x128xf32, #tpu.memory_space<hbm>>
      tpu.wait_indirect_dma semaphore(%arg13 : memref<!tpu.dma_semaphore, #tpu.memory_space<semaphore_mem>>) src(%dma_wait3A_133 : memref<10000x128xf32, #tpu.memory_space<hbm>>) dst(%arg10 : memref<128x128xf32, #tpu.memory_space<vmem>>)
      %add3A_134 = arith.constant 1 : i32
      %add3A_135 = arith.addi %mul3A_105, %add3A_134 : i32
      %dma_start3A_136 = arith.constant 0 : i32
      %dma_start3A_137 = tpu.memref_slice %arg8[%add3A_135, %dma_start3A_136] : memref<40x128xi32, #tpu.memory_space<vmem>> -> memref<1x128xi32, #tpu.memory_space<vmem>>
      %dma_start3A_138 = tpu.memref_squeeze %dma_start3A_137 : memref<1x128xi32, #tpu.memory_space<vmem>> -> memref<128xi32, #tpu.memory_space<vmem>>
      %dma_start3A_139 = arith.constant 0 : i32
      %dma_start3A_140 = arith.constant 0 : i32
      %dma_start3A_141 = tpu.memref_slice %arg11[%dma_start3A_139, %dma_start3A_140] : memref<10240x128xf32, #tpu.memory_space<vmem_shared>> -> memref<10240x128xf32, #tpu.memory_space<vmem_shared>>
      tpu.enqueue_indirect_dma source(%arg10 : memref<128x128xf32, #tpu.memory_space<vmem>>) target(%dma_start3A_141 : memref<10240x128xf32, #tpu.memory_space<vmem_shared>>) offsets(%dma_start3A_138 : memref<128xi32, #tpu.memory_space<vmem>>) semaphore(%arg15 : memref<!tpu.dma_semaphore, #tpu.memory_space<semaphore_mem>>) {add = true}
      %dma_wait3A_142 = arith.constant 0 : i32
      %dma_wait3A_143 = tpu.memref_slice %arg8[%mul3A_105, %dma_wait3A_142] : memref<40x128xi32, #tpu.memory_space<vmem>> -> memref<1x128xi32, #tpu.memory_space<vmem>>
      %dma_wait3A_144 = tpu.memref_squeeze %dma_wait3A_143 : memref<1x128xi32, #tpu.memory_space<vmem>> -> memref<128xi32, #tpu.memory_space<vmem>>
      %dma_wait3A_145 = arith.constant 0 : i32
      %dma_wait3A_146 = arith.constant 0 : i32
      %dma_wait3A_147 = tpu.memref_slice %arg11[%dma_wait3A_145, %dma_wait3A_146] : memref<10240x128xf32, #tpu.memory_space<vmem_shared>> -> memref<10240x128xf32, #tpu.memory_space<vmem_shared>>
      tpu.wait_indirect_dma semaphore(%arg14 : memref<!tpu.dma_semaphore, #tpu.memory_space<semaphore_mem>>) src(%arg9 : memref<128x128xf32, #tpu.memory_space<vmem>>) dst(%dma_wait3A_147 : memref<10240x128xf32, #tpu.memory_space<vmem_shared>>)
      %add3A_148 = arith.constant 2 : i32
      %add3A_149 = arith.addi %mul3A_105, %add3A_148 : i32
      %dma_start3A_150 = arith.constant 0 : i32
      %dma_start3A_151 = tpu.memref_slice %arg7[%add3A_149, %dma_start3A_150] : memref<40x128xi32, #tpu.memory_space<vmem>> -> memref<1x128xi32, #tpu.memory_space<vmem>>
      %dma_start3A_152 = tpu.memref_squeeze %dma_start3A_151 : memref<1x128xi32, #tpu.memory_space<vmem>> -> memref<128xi32, #tpu.memory_space<vmem>>
      %dma_start3A_153 = arith.constant 0 : i32
      %dma_start3A_154 = arith.constant 0 : i32
      %dma_start3A_155 = tpu.memref_slice %arg2[%dma_start3A_153, %dma_start3A_154] : memref<10000x128xf32, #tpu.memory_space<hbm>> -> memref<10000x128xf32, #tpu.memory_space<hbm>>
      tpu.enqueue_indirect_dma source(%dma_start3A_155 : memref<10000x128xf32, #tpu.memory_space<hbm>>) target(%arg9 : memref<128x128xf32, #tpu.memory_space<vmem>>) offsets(%dma_start3A_152 : memref<128xi32, #tpu.memory_space<vmem>>) semaphore(%arg12 : memref<!tpu.dma_semaphore, #tpu.memory_space<semaphore_mem>>)
      %add3A_156 = arith.constant 1 : i32
      %add3A_157 = arith.addi %mul3A_105, %add3A_156 : i32
      %dma_wait3A_158 = arith.constant 0 : i32
      %dma_wait3A_159 = tpu.memref_slice %arg8[%add3A_157, %dma_wait3A_158] : memref<40x128xi32, #tpu.memory_space<vmem>> -> memref<1x128xi32, #tpu.memory_space<vmem>>
      %dma_wait3A_160 = tpu.memref_squeeze %dma_wait3A_159 : memref<1x128xi32, #tpu.memory_space<vmem>> -> memref<128xi32, #tpu.memory_space<vmem>>
      %dma_wait3A_161 = arith.constant 0 : i32
      %dma_wait3A_162 = arith.constant 0 : i32
      %dma_wait3A_163 = tpu.memref_slice %arg11[%dma_wait3A_161, %dma_wait3A_162] : memref<10240x128xf32, #tpu.memory_space<vmem_shared>> -> memref<10240x128xf32, #tpu.memory_space<vmem_shared>>
      tpu.wait_indirect_dma semaphore(%arg15 : memref<!tpu.dma_semaphore, #tpu.memory_space<semaphore_mem>>) src(%arg10 : memref<128x128xf32, #tpu.memory_space<vmem>>) dst(%dma_wait3A_163 : memref<10240x128xf32, #tpu.memory_space<vmem_shared>>)
      %add3A_164 = arith.constant 2 : i32
      %add3A_165 = arith.addi %mul3A_105, %add3A_164 : i32
      %add3A_166 = arith.constant 4 : i32
      %add3A_167 = arith.addi %mul3A_105, %add3A_166 : i32
      %lt3A = arith.constant 40 : i32
      %lt3A_168 = arith.cmpi slt, %add3A_167, %lt3A : i32
      %add3A_169 = arith.constant 1 : i32
      %add3A_170 = arith.addi %add3A_165, %add3A_169 : i32
      %dma_start3A_171 = arith.constant 0 : i32
      %dma_start3A_172 = tpu.memref_slice %arg7[%add3A_170, %dma_start3A_171] : memref<40x128xi32, #tpu.memory_space<vmem>> -> memref<1x128xi32, #tpu.memory_space<vmem>>
      %dma_start3A_173 = tpu.memref_squeeze %dma_start3A_172 : memref<1x128xi32, #tpu.memory_space<vmem>> -> memref<128xi32, #tpu.memory_space<vmem>>
      %dma_start3A_174 = arith.constant 0 : i32
      %dma_start3A_175 = arith.constant 0 : i32
      %dma_start3A_176 = tpu.memref_slice %arg2[%dma_start3A_174, %dma_start3A_175] : memref<10000x128xf32, #tpu.memory_space<hbm>> -> memref<10000x128xf32, #tpu.memory_space<hbm>>
      tpu.enqueue_indirect_dma source(%dma_start3A_176 : memref<10000x128xf32, #tpu.memory_space<hbm>>) target(%arg10 : memref<128x128xf32, #tpu.memory_space<vmem>>) offsets(%dma_start3A_173 : memref<128xi32, #tpu.memory_space<vmem>>) semaphore(%arg13 : memref<!tpu.dma_semaphore, #tpu.memory_space<semaphore_mem>>)
      %dma_wait3A_177 = arith.constant 0 : i32
      %dma_wait3A_178 = tpu.memref_slice %arg7[%add3A_165, %dma_wait3A_177] : memref<40x128xi32, #tpu.memory_space<vmem>> -> memref<1x128xi32, #tpu.memory_space<vmem>>
      %dma_wait3A_179 = tpu.memref_squeeze %dma_wait3A_178 : memref<1x128xi32, #tpu.memory_space<vmem>> -> memref<128xi32, #tpu.memory_space<vmem>>
      %dma_wait3A_180 = arith.constant 0 : i32
      %dma_wait3A_181 = arith.constant 0 : i32
      %dma_wait3A_182 = tpu.memref_slice %arg2[%dma_wait3A_180, %dma_wait3A_181] : memref<10000x128xf32, #tpu.memory_space<hbm>> -> memref<10000x128xf32, #tpu.memory_space<hbm>>
      tpu.wait_indirect_dma semaphore(%arg12 : memref<!tpu.dma_semaphore, #tpu.memory_space<semaphore_mem>>) src(%dma_wait3A_182 : memref<10000x128xf32, #tpu.memory_space<hbm>>) dst(%arg9 : memref<128x128xf32, #tpu.memory_space<vmem>>)
      %dma_start3A_183 = arith.constant 0 : i32
      %dma_start3A_184 = tpu.memref_slice %arg8[%add3A_165, %dma_start3A_183] : memref<40x128xi32, #tpu.memory_space<vmem>> -> memref<1x128xi32, #tpu.memory_space<vmem>>
      %dma_start3A_185 = tpu.memref_squeeze %dma_start3A_184 : memref<1x128xi32, #tpu.memory_space<vmem>> -> memref<128xi32, #tpu.memory_space<vmem>>
      %dma_start3A_186 = arith.constant 0 : i32
      %dma_start3A_187 = arith.constant 0 : i32
      %dma_start3A_188 = tpu.memref_slice %arg11[%dma_start3A_186, %dma_start3A_187] : memref<10240x128xf32, #tpu.memory_space<vmem_shared>> -> memref<10240x128xf32, #tpu.memory_space<vmem_shared>>
      tpu.enqueue_indirect_dma source(%arg9 : memref<128x128xf32, #tpu.memory_space<vmem>>) target(%dma_start3A_188 : memref<10240x128xf32, #tpu.memory_space<vmem_shared>>) offsets(%dma_start3A_185 : memref<128xi32, #tpu.memory_space<vmem>>) semaphore(%arg14 : memref<!tpu.dma_semaphore, #tpu.memory_space<semaphore_mem>>) {add = true}
      %add3A_189 = arith.constant 1 : i32
      %add3A_190 = arith.addi %add3A_165, %add3A_189 : i32
      %dma_wait3A_191 = arith.constant 0 : i32
      %dma_wait3A_192 = tpu.memref_slice %arg7[%add3A_190, %dma_wait3A_191] : memref<40x128xi32, #tpu.memory_space<vmem>> -> memref<1x128xi32, #tpu.memory_space<vmem>>
      %dma_wait3A_193 = tpu.memref_squeeze %dma_wait3A_192 : memref<1x128xi32, #tpu.memory_space<vmem>> -> memref<128xi32, #tpu.memory_space<vmem>>
      %dma_wait3A_194 = arith.constant 0 : i32
      %dma_wait3A_195 = arith.constant 0 : i32
      %dma_wait3A_196 = tpu.memref_slice %arg2[%dma_wait3A_194, %dma_wait3A_195] : memref<10000x128xf32, #tpu.memory_space<hbm>> -> memref<10000x128xf32, #tpu.memory_space<hbm>>
      tpu.wait_indirect_dma semaphore(%arg13 : memref<!tpu.dma_semaphore, #tpu.memory_space<semaphore_mem>>) src(%dma_wait3A_196 : memref<10000x128xf32, #tpu.memory_space<hbm>>) dst(%arg10 : memref<128x128xf32, #tpu.memory_space<vmem>>)
      %add3A_197 = arith.constant 1 : i32
      %add3A_198 = arith.addi %add3A_165, %add3A_197 : i32
      %dma_start3A_199 = arith.constant 0 : i32
      %dma_start3A_200 = tpu.memref_slice %arg8[%add3A_198, %dma_start3A_199] : memref<40x128xi32, #tpu.memory_space<vmem>> -> memref<1x128xi32, #tpu.memory_space<vmem>>
      %dma_start3A_201 = tpu.memref_squeeze %dma_start3A_200 : memref<1x128xi32, #tpu.memory_space<vmem>> -> memref<128xi32, #tpu.memory_space<vmem>>
      %dma_start3A_202 = arith.constant 0 : i32
      %dma_start3A_203 = arith.constant 0 : i32
      %dma_start3A_204 = tpu.memref_slice %arg11[%dma_start3A_202, %dma_start3A_203] : memref<10240x128xf32, #tpu.memory_space<vmem_shared>> -> memref<10240x128xf32, #tpu.memory_space<vmem_shared>>
      tpu.enqueue_indirect_dma source(%arg10 : memref<128x128xf32, #tpu.memory_space<vmem>>) target(%dma_start3A_204 : memref<10240x128xf32, #tpu.memory_space<vmem_shared>>) offsets(%dma_start3A_201 : memref<128xi32, #tpu.memory_space<vmem>>) semaphore(%arg15 : memref<!tpu.dma_semaphore, #tpu.memory_space<semaphore_mem>>) {add = true}
      %dma_wait3A_205 = arith.constant 0 : i32
      %dma_wait3A_206 = tpu.memref_slice %arg8[%add3A_165, %dma_wait3A_205] : memref<40x128xi32, #tpu.memory_space<vmem>> -> memref<1x128xi32, #tpu.memory_space<vmem>>
      %dma_wait3A_207 = tpu.memref_squeeze %dma_wait3A_206 : memref<1x128xi32, #tpu.memory_space<vmem>> -> memref<128xi32, #tpu.memory_space<vmem>>
      %dma_wait3A_208 = arith.constant 0 : i32
      %dma_wait3A_209 = arith.constant 0 : i32
      %dma_wait3A_210 = tpu.memref_slice %arg11[%dma_wait3A_208, %dma_wait3A_209] : memref<10240x128xf32, #tpu.memory_space<vmem_shared>> -> memref<10240x128xf32, #tpu.memory_space<vmem_shared>>
      tpu.wait_indirect_dma semaphore(%arg14 : memref<!tpu.dma_semaphore, #tpu.memory_space<semaphore_mem>>) src(%arg9 : memref<128x128xf32, #tpu.memory_space<vmem>>) dst(%dma_wait3A_210 : memref<10240x128xf32, #tpu.memory_space<vmem_shared>>)
      %convert_element_type3A = arith.extui %lt3A_168 : i1 to i32
      %cond3A = arith.constant 0 : i32
      %cond3A_211 = arith.cmpi ne, %convert_element_type3A, %cond3A : i32
      scf.if %cond3A_211 {
        %add3A_220 = arith.constant 2 : i32
        %add3A_221 = arith.addi %add3A_165, %add3A_220 : i32
        %dma_start3A_222 = arith.constant 0 : i32
        %dma_start3A_223 = tpu.memref_slice %arg7[%add3A_221, %dma_start3A_222] : memref<40x128xi32, #tpu.memory_space<vmem>> -> memref<1x128xi32, #tpu.memory_space<vmem>>
        %dma_start3A_224 = tpu.memref_squeeze %dma_start3A_223 : memref<1x128xi32, #tpu.memory_space<vmem>> -> memref<128xi32, #tpu.memory_space<vmem>>
        %dma_start3A_225 = arith.constant 0 : i32
        %dma_start3A_226 = arith.constant 0 : i32
        %dma_start3A_227 = tpu.memref_slice %arg2[%dma_start3A_225, %dma_start3A_226] : memref<10000x128xf32, #tpu.memory_space<hbm>> -> memref<10000x128xf32, #tpu.memory_space<hbm>>
        tpu.enqueue_indirect_dma source(%dma_start3A_227 : memref<10000x128xf32, #tpu.memory_space<hbm>>) target(%arg9 : memref<128x128xf32, #tpu.memory_space<vmem>>) offsets(%dma_start3A_224 : memref<128xi32, #tpu.memory_space<vmem>>) semaphore(%arg12 : memref<!tpu.dma_semaphore, #tpu.memory_space<semaphore_mem>>)
      } else {
      }
      %add3A_212 = arith.constant 1 : i32
      %add3A_213 = arith.addi %add3A_165, %add3A_212 : i32
      %dma_wait3A_214 = arith.constant 0 : i32
      %dma_wait3A_215 = tpu.memref_slice %arg8[%add3A_213, %dma_wait3A_214] : memref<40x128xi32, #tpu.memory_space<vmem>> -> memref<1x128xi32, #tpu.memory_space<vmem>>
      %dma_wait3A_216 = tpu.memref_squeeze %dma_wait3A_215 : memref<1x128xi32, #tpu.memory_space<vmem>> -> memref<128xi32, #tpu.memory_space<vmem>>
      %dma_wait3A_217 = arith.constant 0 : i32
      %dma_wait3A_218 = arith.constant 0 : i32
      %dma_wait3A_219 = tpu.memref_slice %arg11[%dma_wait3A_217, %dma_wait3A_218] : memref<10240x128xf32, #tpu.memory_space<vmem_shared>> -> memref<10240x128xf32, #tpu.memory_space<vmem_shared>>
      tpu.wait_indirect_dma semaphore(%arg15 : memref<!tpu.dma_semaphore, #tpu.memory_space<semaphore_mem>>) src(%arg10 : memref<128x128xf32, #tpu.memory_space<vmem>>) dst(%dma_wait3A_219 : memref<10240x128xf32, #tpu.memory_space<vmem_shared>>)
    }
    %scan3A_97 = arith.constant 10 : i32
    %barrier3A_98 = arith.constant 0 : index
    tpu.barrier barrier_id(%barrier3A_98)
    "tpu.region"() ({
      %run_scoped3A = tpu.sem_alloc : memref<!tpu.dma_semaphore, #tpu.memory_space<semaphore_mem>>
      %dma_start3A_99 = arith.constant 0 : i32
      %dma_start3A_100 = tpu.memref_slice %arg6[%arg0, %mul3A_2, %dma_start3A_99] : memref<2x10240x128xf32, #tpu.memory_space<hbm>> -> memref<1x640x128xf32, #tpu.memory_space<hbm>>
      %dma_start3A_101 = tpu.memref_squeeze %dma_start3A_100 : memref<1x640x128xf32, #tpu.memory_space<hbm>> -> memref<640x128xf32, #tpu.memory_space<hbm>>
      %dma_start3A_102 = arith.constant 0 : i32
      %dma_start3A_103 = tpu.memref_slice %arg11[%mul3A_2, %dma_start3A_102] : memref<10240x128xf32, #tpu.memory_space<vmem_shared>> -> memref<640x128xf32, #tpu.memory_space<vmem_shared>>
      tpu.enqueue_dma source(%dma_start3A_103 : memref<640x128xf32, #tpu.memory_space<vmem_shared>>) target(%dma_start3A_101 : memref<640x128xf32, #tpu.memory_space<hbm>>) target_semaphore(%run_scoped3A : memref<!tpu.dma_semaphore, #tpu.memory_space<semaphore_mem>>)
      %dma_wait3A_104 = arith.constant 0 : i32
      %dma_wait3A_105 = tpu.memref_slice %arg6[%arg0, %mul3A_2, %dma_wait3A_104] : memref<2x10240x128xf32, #tpu.memory_space<hbm>> -> memref<1x640x128xf32, #tpu.memory_space<hbm>>
      %dma_wait3A_106 = tpu.memref_squeeze %dma_wait3A_105 : memref<1x640x128xf32, #tpu.memory_space<hbm>> -> memref<640x128xf32, #tpu.memory_space<hbm>>
      %dma_wait3A_107 = arith.constant 0 : i32
      %dma_wait3A_108 = tpu.memref_slice %arg11[%mul3A_2, %dma_wait3A_107] : memref<10240x128xf32, #tpu.memory_space<vmem_shared>> -> memref<640x128xf32, #tpu.memory_space<vmem_shared>>
      tpu.wait_dma2 semaphore(%run_scoped3A : memref<!tpu.dma_semaphore, #tpu.memory_space<semaphore_mem>>) src(%dma_wait3A_108 : memref<640x128xf32, #tpu.memory_space<vmem_shared>>) dst(%dma_wait3A_106 : memref<640x128xf32, #tpu.memory_space<hbm>>)
      tpu.yield
    }) : () -> ()
    return
  }
}

#map = affine_map<(d0, d1) -> (0, 0, 0)>
#map1 = affine_map<(d0, d1) -> (0, 0)>
module attributes {stable_mosaic.version = 14 : i64} {
  func.func @deg_kernel(%arg0: i32, %arg1: i32, %arg2: memref<32x80x128xi32, #tpu.memory_space<hbm>>, %arg3: memref<32x10240xf32, #tpu.memory_space<hbm>>, %arg4: memref<80x128xi32, #tpu.memory_space<vmem>>, %arg5: memref<10240xf32, #tpu.memory_space<vmem>>) attributes {dimension_semantics = [#tpu.dimension_semantics<core_parallel>, #tpu.dimension_semantics<subcore_parallel>], iteration_bounds = array<i64: 2, 16>, scalar_prefetch = 0 : i64, scratch_operands = 2 : i64, tpu.core_type = #tpu.core_type<sc_vector_subcore>, window_params = [{transform_indices = #map}, {transform_indices = #map1}]} {
    %mul3A = arith.constant 16 : i32
    %mul3A_0 = arith.muli %arg0, %mul3A : i32
    %add3A = arith.addi %mul3A_0, %arg1 : i32
    "tpu.region"() ({
      %run_scoped3A = tpu.sem_alloc : memref<!tpu.dma_semaphore, #tpu.memory_space<semaphore_mem>>
      %dma_start3A = arith.constant 0 : i32
      %dma_start3A_11 = arith.constant 0 : i32
      %dma_start3A_12 = tpu.memref_slice %arg2[%add3A, %dma_start3A, %dma_start3A_11] : memref<32x80x128xi32, #tpu.memory_space<hbm>> -> memref<1x80x128xi32, #tpu.memory_space<hbm>>
      %dma_start3A_13 = tpu.memref_squeeze %dma_start3A_12 : memref<1x80x128xi32, #tpu.memory_space<hbm>> -> memref<80x128xi32, #tpu.memory_space<hbm>>
      %dma_start3A_14 = arith.constant 0 : i32
      %dma_start3A_15 = arith.constant 0 : i32
      %dma_start3A_16 = tpu.memref_slice %arg2[%add3A, %dma_start3A_14, %dma_start3A_15] : memref<32x80x128xi32, #tpu.memory_space<hbm>> -> memref<1x80x128xi32, #tpu.memory_space<hbm>>
      %dma_start3A_17 = tpu.memref_squeeze %dma_start3A_16 : memref<1x80x128xi32, #tpu.memory_space<hbm>> -> memref<80x128xi32, #tpu.memory_space<hbm>>
      tpu.enqueue_dma source(%dma_start3A_17 : memref<80x128xi32, #tpu.memory_space<hbm>>) target(%arg4 : memref<80x128xi32, #tpu.memory_space<vmem>>) target_semaphore(%run_scoped3A : memref<!tpu.dma_semaphore, #tpu.memory_space<semaphore_mem>>)
      %dma_wait3A = arith.constant 0 : i32
      %dma_wait3A_18 = arith.constant 0 : i32
      %dma_wait3A_19 = tpu.memref_slice %arg2[%add3A, %dma_wait3A, %dma_wait3A_18] : memref<32x80x128xi32, #tpu.memory_space<hbm>> -> memref<1x80x128xi32, #tpu.memory_space<hbm>>
      %dma_wait3A_20 = tpu.memref_squeeze %dma_wait3A_19 : memref<1x80x128xi32, #tpu.memory_space<hbm>> -> memref<80x128xi32, #tpu.memory_space<hbm>>
      %dma_wait3A_21 = arith.constant 0 : i32
      %dma_wait3A_22 = arith.constant 0 : i32
      %dma_wait3A_23 = tpu.memref_slice %arg2[%add3A, %dma_wait3A_21, %dma_wait3A_22] : memref<32x80x128xi32, #tpu.memory_space<hbm>> -> memref<1x80x128xi32, #tpu.memory_space<hbm>>
      %dma_wait3A_24 = tpu.memref_squeeze %dma_wait3A_23 : memref<1x80x128xi32, #tpu.memory_space<hbm>> -> memref<80x128xi32, #tpu.memory_space<hbm>>
      tpu.wait_dma2 semaphore(%run_scoped3A : memref<!tpu.dma_semaphore, #tpu.memory_space<semaphore_mem>>) src(%dma_wait3A_24 : memref<80x128xi32, #tpu.memory_space<hbm>>) dst(%arg4 : memref<80x128xi32, #tpu.memory_space<vmem>>)
      tpu.yield
    }) : () -> ()
    %scan3A = arith.constant 0 : i32
    %scan3A_1 = arith.constant 640 : i32
    %scan3A_2 = arith.addi %scan3A, %scan3A_1 : i32
    %scan3A_3 = arith.constant 1 : i32
    scf.for %scan3A_11 = %scan3A to %scan3A_2 step %scan3A_3  : i32 {
      %mul3A_12 = arith.constant 16 : i32
      %mul3A_13 = arith.muli %scan3A_11, %mul3A_12 : i32
      %add3A_14 = arith.constant 0 : i32
      %add3A_15 = arith.addi %add3A_14, %mul3A_13 : i32
      %broadcast_in_dim3A_16 = arith.constant 0.000000e+00 : f32
      %broadcast_in_dim3A_17 = vector.broadcast %broadcast_in_dim3A_16 : f32 to vector<16xf32>
      %swap3A = arith.index_cast %add3A_15 : i32 to index
      %swap3A_18 = tpu.vector_load %arg5[%swap3A] {strides = array<i32>} : memref<10240xf32, #tpu.memory_space<vmem>>, vector<16xf32>,
      tpu.vector_store %arg5[%swap3A], %broadcast_in_dim3A_17 {strides = array<i32>} : memref<10240xf32, #tpu.memory_space<vmem>>, vector<16xf32>,
    }
    %scan3A_4 = arith.constant 640 : i32
    %broadcast_in_dim3A = arith.constant 1.000000e+00 : f32
    %broadcast_in_dim3A_5 = vector.broadcast %broadcast_in_dim3A : f32 to vector<16xf32>
    %scan3A_6 = arith.constant 0 : i32
    %scan3A_7 = arith.constant 80 : i32
    %scan3A_8 = arith.addi %scan3A_6, %scan3A_7 : i32
    %scan3A_9 = arith.constant 1 : i32
    scf.for %scan3A_11 = %scan3A_6 to %scan3A_8 step %scan3A_9  : i32 {
      %mul3A_12 = arith.constant 1 : i32
      %mul3A_13 = arith.muli %scan3A_11, %mul3A_12 : i32
      %add3A_14 = arith.constant 0 : i32
      %add3A_15 = arith.addi %add3A_14, %mul3A_13 : i32
      %scan3A_16 = arith.constant 0 : i32
      %scan3A_17 = arith.constant 8 : i32
      %scan3A_18 = arith.addi %scan3A_16, %scan3A_17 : i32
      %scan3A_19 = arith.constant 1 : i32
      scf.for %scan3A_21 = %scan3A_16 to %scan3A_18 step %scan3A_19  : i32 {
        %mul3A_22 = arith.constant 16 : i32
        %mul3A_23 = arith.muli %scan3A_21, %mul3A_22 : i32
        %add3A_24 = arith.constant 0 : i32
        %add3A_25 = arith.addi %add3A_24, %mul3A_23 : i32
        %get3A = arith.index_cast %add3A_15 : i32 to index
        %get3A_26 = arith.index_cast %add3A_25 : i32 to index
        %get3A_27 = tpu.vector_load %arg4[%get3A, %get3A_26] {strides = array<i32>} : memref<80x128xi32, #tpu.memory_space<vmem>>, vector<16xi32>,
        tpu.vector_store_idx %arg5[%get3A_27], %broadcast_in_dim3A_5 {add = true} : memref<10240xf32, #tpu.memory_space<vmem>>[vector<16xi32>], vector<16xf32>,
      }
      %scan3A_20 = arith.constant 8 : i32
    }
    %scan3A_10 = arith.constant 80 : i32
    "tpu.region"() ({
      %run_scoped3A = tpu.sem_alloc : memref<!tpu.dma_semaphore, #tpu.memory_space<semaphore_mem>>
      %dma_start3A = arith.constant 0 : i32
      %dma_start3A_11 = tpu.memref_slice %arg3[%add3A, %dma_start3A] : memref<32x10240xf32, #tpu.memory_space<hbm>> -> memref<1x10240xf32, #tpu.memory_space<hbm>>
      %dma_start3A_12 = tpu.memref_squeeze %dma_start3A_11 : memref<1x10240xf32, #tpu.memory_space<hbm>> -> memref<10240xf32, #tpu.memory_space<hbm>>
      %dma_start3A_13 = arith.constant 0 : i32
      %dma_start3A_14 = tpu.memref_slice %arg3[%add3A, %dma_start3A_13] : memref<32x10240xf32, #tpu.memory_space<hbm>> -> memref<1x10240xf32, #tpu.memory_space<hbm>>
      %dma_start3A_15 = tpu.memref_squeeze %dma_start3A_14 : memref<1x10240xf32, #tpu.memory_space<hbm>> -> memref<10240xf32, #tpu.memory_space<hbm>>
      tpu.enqueue_dma source(%arg5 : memref<10240xf32, #tpu.memory_space<vmem>>) target(%dma_start3A_15 : memref<10240xf32, #tpu.memory_space<hbm>>) target_semaphore(%run_scoped3A : memref<!tpu.dma_semaphore, #tpu.memory_space<semaphore_mem>>)
      %dma_wait3A = arith.constant 0 : i32
      %dma_wait3A_16 = tpu.memref_slice %arg3[%add3A, %dma_wait3A] : memref<32x10240xf32, #tpu.memory_space<hbm>> -> memref<1x10240xf32, #tpu.memory_space<hbm>>
      %dma_wait3A_17 = tpu.memref_squeeze %dma_wait3A_16 : memref<1x10240xf32, #tpu.memory_space<hbm>> -> memref<10240xf32, #tpu.memory_space<hbm>>
      %dma_wait3A_18 = arith.constant 0 : i32
      %dma_wait3A_19 = tpu.memref_slice %arg3[%add3A, %dma_wait3A_18] : memref<32x10240xf32, #tpu.memory_space<hbm>> -> memref<1x10240xf32, #tpu.memory_space<hbm>>
      %dma_wait3A_20 = tpu.memref_squeeze %dma_wait3A_19 : memref<1x10240xf32, #tpu.memory_space<hbm>> -> memref<10240xf32, #tpu.memory_space<hbm>>
      tpu.wait_dma2 semaphore(%run_scoped3A : memref<!tpu.dma_semaphore, #tpu.memory_space<semaphore_mem>>) src(%arg5 : memref<10240xf32, #tpu.memory_space<vmem>>) dst(%dma_wait3A_20 : memref<10240xf32, #tpu.memory_space<hbm>>)
      tpu.yield
    }) : () -> ()
    return
  }
}

#map = affine_map<(d0, d1) -> (0, 0)>
#map1 = affine_map<(d0, d1) -> (0, 0, 0)>
module attributes {stable_mosaic.version = 14 : i64} {
  func.func @seg_kernel(%arg0: i32, %arg1: i32, %arg2: memref<10000x128xf32, #tpu.memory_space<hbm>>, %arg3: memref<32x80x128xi32, #tpu.memory_space<hbm>>, %arg4: memref<32x80x128xi32, #tpu.memory_space<hbm>>, %arg5: memref<128x128xf32, #tpu.memory_space<hbm>>, %arg6: memref<2x10240x128xf32, #tpu.memory_space<hbm>>, %arg7: memref<40x128xi32, #tpu.memory_space<vmem>>, %arg8: memref<40x128xi32, #tpu.memory_space<vmem>>, %arg9: memref<128x128xf32, #tpu.memory_space<vmem>>, %arg10: memref<128x128xf32, #tpu.memory_space<vmem>>, %arg11: memref<10240x128xf32, #tpu.memory_space<vmem_shared>>, %arg12: memref<!tpu.dma_semaphore, #tpu.memory_space<semaphore_mem>>, %arg13: memref<!tpu.dma_semaphore, #tpu.memory_space<semaphore_mem>>, %arg14: memref<!tpu.dma_semaphore, #tpu.memory_space<semaphore_mem>>, %arg15: memref<!tpu.dma_semaphore, #tpu.memory_space<semaphore_mem>>) attributes {dimension_semantics = [#tpu.dimension_semantics<core_parallel>, #tpu.dimension_semantics<subcore_parallel>], iteration_bounds = array<i64: 2, 16>, scalar_prefetch = 0 : i64, scratch_operands = 9 : i64, tpu.core_type = #tpu.core_type<sc_vector_subcore>, window_params = [{transform_indices = #map}, {transform_indices = #map1}, {transform_indices = #map1}, {transform_indices = #map}, {transform_indices = #map1}]} {
    %mul3A = arith.constant 16 : i32
    %mul3A_0 = arith.muli %arg0, %mul3A : i32
    %add3A = arith.addi %mul3A_0, %arg1 : i32
    %mul3A_1 = arith.constant 640 : i32
    %mul3A_2 = arith.muli %arg1, %mul3A_1 : i32
    "tpu.region"() ({
      %run_scoped3A = tpu.sem_alloc : memref<!tpu.dma_semaphore, #tpu.memory_space<semaphore_mem>>
      tpu.enqueue_dma source(%arg5 : memref<128x128xf32, #tpu.memory_space<hbm>>) target(%arg10 : memref<128x128xf32, #tpu.memory_space<vmem>>) target_semaphore(%run_scoped3A : memref<!tpu.dma_semaphore, #tpu.memory_space<semaphore_mem>>)
      tpu.wait_dma2 semaphore(%run_scoped3A : memref<!tpu.dma_semaphore, #tpu.memory_space<semaphore_mem>>) src(%arg5 : memref<128x128xf32, #tpu.memory_space<hbm>>) dst(%arg10 : memref<128x128xf32, #tpu.memory_space<vmem>>)
      tpu.yield
    }) : () -> ()
    %scan3A = arith.constant 0 : i32
    %scan3A_3 = arith.constant 5 : i32
    %scan3A_4 = arith.addi %scan3A, %scan3A_3 : i32
    %scan3A_5 = arith.constant 1 : i32
    scf.for %scan3A_99 = %scan3A to %scan3A_4 step %scan3A_5  : i32 {
      %mul3A_100 = arith.constant 128 : i32
      %mul3A_101 = arith.muli %scan3A_99, %mul3A_100 : i32
      %add3A_102 = arith.constant 0 : i32
      %add3A_103 = arith.addi %add3A_102, %mul3A_101 : i32
      %add3A_104 = arith.addi %mul3A_2, %add3A_103 : i32
      %dma_start3A_105 = arith.constant 0 : i32
      %dma_start3A_106 = tpu.memref_slice %arg11[%add3A_104, %dma_start3A_105] : memref<10240x128xf32, #tpu.memory_space<vmem_shared>> -> memref<128x128xf32, #tpu.memory_space<vmem_shared>>
      %dma_start3A_107 = arith.constant 0 : i32
      %dma_start3A_108 = tpu.memref_slice %arg11[%add3A_104, %dma_start3A_107] : memref<10240x128xf32, #tpu.memory_space<vmem_shared>> -> memref<128x128xf32, #tpu.memory_space<vmem_shared>>
      tpu.enqueue_dma source(%arg10 : memref<128x128xf32, #tpu.memory_space<vmem>>) target(%dma_start3A_108 : memref<128x128xf32, #tpu.memory_space<vmem_shared>>) target_semaphore(%arg14 : memref<!tpu.dma_semaphore, #tpu.memory_space<semaphore_mem>>)
    }
    %scan3A_6 = arith.constant 5 : i32
    %dma_start3A = arith.constant 0 : i32
    %dma_start3A_7 = arith.constant 0 : i32
    %dma_start3A_8 = tpu.memref_slice %arg3[%add3A, %dma_start3A, %dma_start3A_7] : memref<32x80x128xi32, #tpu.memory_space<hbm>> -> memref<1x40x128xi32, #tpu.memory_space<hbm>>
    %dma_start3A_9 = tpu.memref_squeeze %dma_start3A_8 : memref<1x40x128xi32, #tpu.memory_space<hbm>> -> memref<40x128xi32, #tpu.memory_space<hbm>>
    %dma_start3A_10 = arith.constant 0 : i32
    %dma_start3A_11 = arith.constant 0 : i32
    %dma_start3A_12 = tpu.memref_slice %arg3[%add3A, %dma_start3A_10, %dma_start3A_11] : memref<32x80x128xi32, #tpu.memory_space<hbm>> -> memref<1x40x128xi32, #tpu.memory_space<hbm>>
    %dma_start3A_13 = tpu.memref_squeeze %dma_start3A_12 : memref<1x40x128xi32, #tpu.memory_space<hbm>> -> memref<40x128xi32, #tpu.memory_space<hbm>>
    tpu.enqueue_dma source(%dma_start3A_13 : memref<40x128xi32, #tpu.memory_space<hbm>>) target(%arg7 : memref<40x128xi32, #tpu.memory_space<vmem>>) target_semaphore(%arg12 : memref<!tpu.dma_semaphore, #tpu.memory_space<semaphore_mem>>)
    %dma_start3A_14 = arith.constant 0 : i32
    %dma_start3A_15 = arith.constant 0 : i32
    %dma_start3A_16 = tpu.memref_slice %arg4[%add3A, %dma_start3A_14, %dma_start3A_15] : memref<32x80x128xi32, #tpu.memory_space<hbm>> -> memref<1x40x128xi32, #tpu.memory_space<hbm>>
    %dma_start3A_17 = tpu.memref_squeeze %dma_start3A_16 : memref<1x40x128xi32, #tpu.memory_space<hbm>> -> memref<40x128xi32, #tpu.memory_space<hbm>>
    %dma_start3A_18 = arith.constant 0 : i32
    %dma_start3A_19 = arith.constant 0 : i32
    %dma_start3A_20 = tpu.memref_slice %arg4[%add3A, %dma_start3A_18, %dma_start3A_19] : memref<32x80x128xi32, #tpu.memory_space<hbm>> -> memref<1x40x128xi32, #tpu.memory_space<hbm>>
    %dma_start3A_21 = tpu.memref_squeeze %dma_start3A_20 : memref<1x40x128xi32, #tpu.memory_space<hbm>> -> memref<40x128xi32, #tpu.memory_space<hbm>>
    tpu.enqueue_dma source(%dma_start3A_21 : memref<40x128xi32, #tpu.memory_space<hbm>>) target(%arg8 : memref<40x128xi32, #tpu.memory_space<vmem>>) target_semaphore(%arg13 : memref<!tpu.dma_semaphore, #tpu.memory_space<semaphore_mem>>)
    %dma_wait3A = arith.constant 0 : i32
    %dma_wait3A_22 = arith.constant 0 : i32
    %dma_wait3A_23 = tpu.memref_slice %arg3[%add3A, %dma_wait3A, %dma_wait3A_22] : memref<32x80x128xi32, #tpu.memory_space<hbm>> -> memref<1x40x128xi32, #tpu.memory_space<hbm>>
    %dma_wait3A_24 = tpu.memref_squeeze %dma_wait3A_23 : memref<1x40x128xi32, #tpu.memory_space<hbm>> -> memref<40x128xi32, #tpu.memory_space<hbm>>
    %dma_wait3A_25 = arith.constant 0 : i32
    %dma_wait3A_26 = arith.constant 0 : i32
    %dma_wait3A_27 = tpu.memref_slice %arg3[%add3A, %dma_wait3A_25, %dma_wait3A_26] : memref<32x80x128xi32, #tpu.memory_space<hbm>> -> memref<1x40x128xi32, #tpu.memory_space<hbm>>
    %dma_wait3A_28 = tpu.memref_squeeze %dma_wait3A_27 : memref<1x40x128xi32, #tpu.memory_space<hbm>> -> memref<40x128xi32, #tpu.memory_space<hbm>>
    tpu.wait_dma2 semaphore(%arg12 : memref<!tpu.dma_semaphore, #tpu.memory_space<semaphore_mem>>) src(%dma_wait3A_28 : memref<40x128xi32, #tpu.memory_space<hbm>>) dst(%arg7 : memref<40x128xi32, #tpu.memory_space<vmem>>)
    %dma_wait3A_29 = arith.constant 0 : i32
    %dma_wait3A_30 = arith.constant 0 : i32
    %dma_wait3A_31 = tpu.memref_slice %arg4[%add3A, %dma_wait3A_29, %dma_wait3A_30] : memref<32x80x128xi32, #tpu.memory_space<hbm>> -> memref<1x40x128xi32, #tpu.memory_space<hbm>>
    %dma_wait3A_32 = tpu.memref_squeeze %dma_wait3A_31 : memref<1x40x128xi32, #tpu.memory_space<hbm>> -> memref<40x128xi32, #tpu.memory_space<hbm>>
    %dma_wait3A_33 = arith.constant 0 : i32
    %dma_wait3A_34 = arith.constant 0 : i32
    %dma_wait3A_35 = tpu.memref_slice %arg4[%add3A, %dma_wait3A_33, %dma_wait3A_34] : memref<32x80x128xi32, #tpu.memory_space<hbm>> -> memref<1x40x128xi32, #tpu.memory_space<hbm>>
    %dma_wait3A_36 = tpu.memref_squeeze %dma_wait3A_35 : memref<1x40x128xi32, #tpu.memory_space<hbm>> -> memref<40x128xi32, #tpu.memory_space<hbm>>
    tpu.wait_dma2 semaphore(%arg13 : memref<!tpu.dma_semaphore, #tpu.memory_space<semaphore_mem>>) src(%dma_wait3A_36 : memref<40x128xi32, #tpu.memory_space<hbm>>) dst(%arg8 : memref<40x128xi32, #tpu.memory_space<vmem>>)
    %dma_start3A_37 = arith.constant 0 : i32
    %dma_start3A_38 = arith.constant 0 : i32
    %dma_start3A_39 = tpu.memref_slice %arg7[%dma_start3A_37, %dma_start3A_38] : memref<40x128xi32, #tpu.memory_space<vmem>> -> memref<1x128xi32, #tpu.memory_space<vmem>>
    %dma_start3A_40 = tpu.memref_squeeze %dma_start3A_39 : memref<1x128xi32, #tpu.memory_space<vmem>> -> memref<128xi32, #tpu.memory_space<vmem>>
    %dma_start3A_41 = arith.constant 0 : i32
    %dma_start3A_42 = arith.constant 0 : i32
    %dma_start3A_43 = tpu.memref_slice %arg2[%dma_start3A_41, %dma_start3A_42] : memref<10000x128xf32, #tpu.memory_space<hbm>> -> memref<10000x128xf32, #tpu.memory_space<hbm>>
    tpu.enqueue_indirect_dma source(%dma_start3A_43 : memref<10000x128xf32, #tpu.memory_space<hbm>>) target(%arg9 : memref<128x128xf32, #tpu.memory_space<vmem>>) offsets(%dma_start3A_40 : memref<128xi32, #tpu.memory_space<vmem>>) semaphore(%arg12 : memref<!tpu.dma_semaphore, #tpu.memory_space<semaphore_mem>>)
    %scan3A_44 = arith.constant 0 : i32
    %scan3A_45 = arith.constant 5 : i32
    %scan3A_46 = arith.addi %scan3A_44, %scan3A_45 : i32
    %scan3A_47 = arith.constant 1 : i32
    scf.for %scan3A_99 = %scan3A_44 to %scan3A_46 step %scan3A_47  : i32 {
      %mul3A_100 = arith.constant 128 : i32
      %mul3A_101 = arith.muli %scan3A_99, %mul3A_100 : i32
      %add3A_102 = arith.constant 0 : i32
      %add3A_103 = arith.addi %add3A_102, %mul3A_101 : i32
      %add3A_104 = arith.addi %mul3A_2, %add3A_103 : i32
      %dma_wait3A_105 = arith.constant 0 : i32
      %dma_wait3A_106 = tpu.memref_slice %arg11[%add3A_104, %dma_wait3A_105] : memref<10240x128xf32, #tpu.memory_space<vmem_shared>> -> memref<128x128xf32, #tpu.memory_space<vmem_shared>>
      %dma_wait3A_107 = arith.constant 0 : i32
      %dma_wait3A_108 = tpu.memref_slice %arg11[%add3A_104, %dma_wait3A_107] : memref<10240x128xf32, #tpu.memory_space<vmem_shared>> -> memref<128x128xf32, #tpu.memory_space<vmem_shared>>
      tpu.wait_dma2 semaphore(%arg14 : memref<!tpu.dma_semaphore, #tpu.memory_space<semaphore_mem>>) src(%arg10 : memref<128x128xf32, #tpu.memory_space<vmem>>) dst(%dma_wait3A_108 : memref<128x128xf32, #tpu.memory_space<vmem_shared>>)
    }
    %scan3A_48 = arith.constant 5 : i32
    %barrier3A = arith.constant 0 : index
    tpu.barrier barrier_id(%barrier3A)
    %scan3A_49 = arith.constant 0 : i32
    %scan3A_50 = arith.constant 10 : i32
    %scan3A_51 = arith.addi %scan3A_49, %scan3A_50 : i32
    %scan3A_52 = arith.constant 1 : i32
    scf.for %scan3A_99 = %scan3A_49 to %scan3A_51 step %scan3A_52  : i32 {
      %mul3A_100 = arith.constant 1 : i32
      %mul3A_101 = arith.muli %scan3A_99, %mul3A_100 : i32
      %add3A_102 = arith.constant 0 : i32
      %add3A_103 = arith.addi %add3A_102, %mul3A_101 : i32
      %mul3A_104 = arith.constant 4 : i32
      %mul3A_105 = arith.muli %mul3A_104, %add3A_103 : i32
      %add3A_106 = arith.constant 1 : i32
      %add3A_107 = arith.addi %mul3A_105, %add3A_106 : i32
      %dma_start3A_108 = arith.constant 0 : i32
      %dma_start3A_109 = tpu.memref_slice %arg7[%add3A_107, %dma_start3A_108] : memref<40x128xi32, #tpu.memory_space<vmem>> -> memref<1x128xi32, #tpu.memory_space<vmem>>
      %dma_start3A_110 = tpu.memref_squeeze %dma_start3A_109 : memref<1x128xi32, #tpu.memory_space<vmem>> -> memref<128xi32, #tpu.memory_space<vmem>>
      %dma_start3A_111 = arith.constant 0 : i32
      %dma_start3A_112 = arith.constant 0 : i32
      %dma_start3A_113 = tpu.memref_slice %arg2[%dma_start3A_111, %dma_start3A_112] : memref<10000x128xf32, #tpu.memory_space<hbm>> -> memref<10000x128xf32, #tpu.memory_space<hbm>>
      tpu.enqueue_indirect_dma source(%dma_start3A_113 : memref<10000x128xf32, #tpu.memory_space<hbm>>) target(%arg10 : memref<128x128xf32, #tpu.memory_space<vmem>>) offsets(%dma_start3A_110 : memref<128xi32, #tpu.memory_space<vmem>>) semaphore(%arg13 : memref<!tpu.dma_semaphore, #tpu.memory_space<semaphore_mem>>)
      %dma_wait3A_114 = arith.constant 0 : i32
      %dma_wait3A_115 = tpu.memref_slice %arg7[%mul3A_105, %dma_wait3A_114] : memref<40x128xi32, #tpu.memory_space<vmem>> -> memref<1x128xi32, #tpu.memory_space<vmem>>
      %dma_wait3A_116 = tpu.memref_squeeze %dma_wait3A_115 : memref<1x128xi32, #tpu.memory_space<vmem>> -> memref<128xi32, #tpu.memory_space<vmem>>
      %dma_wait3A_117 = arith.constant 0 : i32
      %dma_wait3A_118 = arith.constant 0 : i32
      %dma_wait3A_119 = tpu.memref_slice %arg2[%dma_wait3A_117, %dma_wait3A_118] : memref<10000x128xf32, #tpu.memory_space<hbm>> -> memref<10000x128xf32, #tpu.memory_space<hbm>>
      tpu.wait_indirect_dma semaphore(%arg12 : memref<!tpu.dma_semaphore, #tpu.memory_space<semaphore_mem>>) src(%dma_wait3A_119 : memref<10000x128xf32, #tpu.memory_space<hbm>>) dst(%arg9 : memref<128x128xf32, #tpu.memory_space<vmem>>)
      %dma_start3A_120 = arith.constant 0 : i32
      %dma_start3A_121 = tpu.memref_slice %arg8[%mul3A_105, %dma_start3A_120] : memref<40x128xi32, #tpu.memory_space<vmem>> -> memref<1x128xi32, #tpu.memory_space<vmem>>
      %dma_start3A_122 = tpu.memref_squeeze %dma_start3A_121 : memref<1x128xi32, #tpu.memory_space<vmem>> -> memref<128xi32, #tpu.memory_space<vmem>>
      %dma_start3A_123 = arith.constant 0 : i32
      %dma_start3A_124 = arith.constant 0 : i32
      %dma_start3A_125 = tpu.memref_slice %arg11[%dma_start3A_123, %dma_start3A_124] : memref<10240x128xf32, #tpu.memory_space<vmem_shared>> -> memref<10240x128xf32, #tpu.memory_space<vmem_shared>>
      tpu.enqueue_indirect_dma source(%arg9 : memref<128x128xf32, #tpu.memory_space<vmem>>) target(%dma_start3A_125 : memref<10240x128xf32, #tpu.memory_space<vmem_shared>>) offsets(%dma_start3A_122 : memref<128xi32, #tpu.memory_space<vmem>>) semaphore(%arg14 : memref<!tpu.dma_semaphore, #tpu.memory_space<semaphore_mem>>) {add = true}
      %add3A_126 = arith.constant 1 : i32
      %add3A_127 = arith.addi %mul3A_105, %add3A_126 : i32
      %dma_wait3A_128 = arith.constant 0 : i32
      %dma_wait3A_129 = tpu.memref_slice %arg7[%add3A_127, %dma_wait3A_128] : memref<40x128xi32, #tpu.memory_space<vmem>> -> memref<1x128xi32, #tpu.memory_space<vmem>>
      %dma_wait3A_130 = tpu.memref_squeeze %dma_wait3A_129 : memref<1x128xi32, #tpu.memory_space<vmem>> -> memref<128xi32, #tpu.memory_space<vmem>>
      %dma_wait3A_131 = arith.constant 0 : i32
      %dma_wait3A_132 = arith.constant 0 : i32
      %dma_wait3A_133 = tpu.memref_slice %arg2[%dma_wait3A_131, %dma_wait3A_132] : memref<10000x128xf32, #tpu.memory_space<hbm>> -> memref<10000x128xf32, #tpu.memory_space<hbm>>
      tpu.wait_indirect_dma semaphore(%arg13 : memref<!tpu.dma_semaphore, #tpu.memory_space<semaphore_mem>>) src(%dma_wait3A_133 : memref<10000x128xf32, #tpu.memory_space<hbm>>) dst(%arg10 : memref<128x128xf32, #tpu.memory_space<vmem>>)
      %add3A_134 = arith.constant 1 : i32
      %add3A_135 = arith.addi %mul3A_105, %add3A_134 : i32
      %dma_start3A_136 = arith.constant 0 : i32
      %dma_start3A_137 = tpu.memref_slice %arg8[%add3A_135, %dma_start3A_136] : memref<40x128xi32, #tpu.memory_space<vmem>> -> memref<1x128xi32, #tpu.memory_space<vmem>>
      %dma_start3A_138 = tpu.memref_squeeze %dma_start3A_137 : memref<1x128xi32, #tpu.memory_space<vmem>> -> memref<128xi32, #tpu.memory_space<vmem>>
      %dma_start3A_139 = arith.constant 0 : i32
      %dma_start3A_140 = arith.constant 0 : i32
      %dma_start3A_141 = tpu.memref_slice %arg11[%dma_start3A_139, %dma_start3A_140] : memref<10240x128xf32, #tpu.memory_space<vmem_shared>> -> memref<10240x128xf32, #tpu.memory_space<vmem_shared>>
      tpu.enqueue_indirect_dma source(%arg10 : memref<128x128xf32, #tpu.memory_space<vmem>>) target(%dma_start3A_141 : memref<10240x128xf32, #tpu.memory_space<vmem_shared>>) offsets(%dma_start3A_138 : memref<128xi32, #tpu.memory_space<vmem>>) semaphore(%arg15 : memref<!tpu.dma_semaphore, #tpu.memory_space<semaphore_mem>>) {add = true}
      %dma_wait3A_142 = arith.constant 0 : i32
      %dma_wait3A_143 = tpu.memref_slice %arg8[%mul3A_105, %dma_wait3A_142] : memref<40x128xi32, #tpu.memory_space<vmem>> -> memref<1x128xi32, #tpu.memory_space<vmem>>
      %dma_wait3A_144 = tpu.memref_squeeze %dma_wait3A_143 : memref<1x128xi32, #tpu.memory_space<vmem>> -> memref<128xi32, #tpu.memory_space<vmem>>
      %dma_wait3A_145 = arith.constant 0 : i32
      %dma_wait3A_146 = arith.constant 0 : i32
      %dma_wait3A_147 = tpu.memref_slice %arg11[%dma_wait3A_145, %dma_wait3A_146] : memref<10240x128xf32, #tpu.memory_space<vmem_shared>> -> memref<10240x128xf32, #tpu.memory_space<vmem_shared>>
      tpu.wait_indirect_dma semaphore(%arg14 : memref<!tpu.dma_semaphore, #tpu.memory_space<semaphore_mem>>) src(%arg9 : memref<128x128xf32, #tpu.memory_space<vmem>>) dst(%dma_wait3A_147 : memref<10240x128xf32, #tpu.memory_space<vmem_shared>>)
      %add3A_148 = arith.constant 2 : i32
      %add3A_149 = arith.addi %mul3A_105, %add3A_148 : i32
      %dma_start3A_150 = arith.constant 0 : i32
      %dma_start3A_151 = tpu.memref_slice %arg7[%add3A_149, %dma_start3A_150] : memref<40x128xi32, #tpu.memory_space<vmem>> -> memref<1x128xi32, #tpu.memory_space<vmem>>
      %dma_start3A_152 = tpu.memref_squeeze %dma_start3A_151 : memref<1x128xi32, #tpu.memory_space<vmem>> -> memref<128xi32, #tpu.memory_space<vmem>>
      %dma_start3A_153 = arith.constant 0 : i32
      %dma_start3A_154 = arith.constant 0 : i32
      %dma_start3A_155 = tpu.memref_slice %arg2[%dma_start3A_153, %dma_start3A_154] : memref<10000x128xf32, #tpu.memory_space<hbm>> -> memref<10000x128xf32, #tpu.memory_space<hbm>>
      tpu.enqueue_indirect_dma source(%dma_start3A_155 : memref<10000x128xf32, #tpu.memory_space<hbm>>) target(%arg9 : memref<128x128xf32, #tpu.memory_space<vmem>>) offsets(%dma_start3A_152 : memref<128xi32, #tpu.memory_space<vmem>>) semaphore(%arg12 : memref<!tpu.dma_semaphore, #tpu.memory_space<semaphore_mem>>)
      %add3A_156 = arith.constant 1 : i32
      %add3A_157 = arith.addi %mul3A_105, %add3A_156 : i32
      %dma_wait3A_158 = arith.constant 0 : i32
      %dma_wait3A_159 = tpu.memref_slice %arg8[%add3A_157, %dma_wait3A_158] : memref<40x128xi32, #tpu.memory_space<vmem>> -> memref<1x128xi32, #tpu.memory_space<vmem>>
      %dma_wait3A_160 = tpu.memref_squeeze %dma_wait3A_159 : memref<1x128xi32, #tpu.memory_space<vmem>> -> memref<128xi32, #tpu.memory_space<vmem>>
      %dma_wait3A_161 = arith.constant 0 : i32
      %dma_wait3A_162 = arith.constant 0 : i32
      %dma_wait3A_163 = tpu.memref_slice %arg11[%dma_wait3A_161, %dma_wait3A_162] : memref<10240x128xf32, #tpu.memory_space<vmem_shared>> -> memref<10240x128xf32, #tpu.memory_space<vmem_shared>>
      tpu.wait_indirect_dma semaphore(%arg15 : memref<!tpu.dma_semaphore, #tpu.memory_space<semaphore_mem>>) src(%arg10 : memref<128x128xf32, #tpu.memory_space<vmem>>) dst(%dma_wait3A_163 : memref<10240x128xf32, #tpu.memory_space<vmem_shared>>)
      %add3A_164 = arith.constant 2 : i32
      %add3A_165 = arith.addi %mul3A_105, %add3A_164 : i32
      %add3A_166 = arith.constant 4 : i32
      %add3A_167 = arith.addi %mul3A_105, %add3A_166 : i32
      %lt3A = arith.constant 40 : i32
      %lt3A_168 = arith.cmpi slt, %add3A_167, %lt3A : i32
      %add3A_169 = arith.constant 1 : i32
      %add3A_170 = arith.addi %add3A_165, %add3A_169 : i32
      %dma_start3A_171 = arith.constant 0 : i32
      %dma_start3A_172 = tpu.memref_slice %arg7[%add3A_170, %dma_start3A_171] : memref<40x128xi32, #tpu.memory_space<vmem>> -> memref<1x128xi32, #tpu.memory_space<vmem>>
      %dma_start3A_173 = tpu.memref_squeeze %dma_start3A_172 : memref<1x128xi32, #tpu.memory_space<vmem>> -> memref<128xi32, #tpu.memory_space<vmem>>
      %dma_start3A_174 = arith.constant 0 : i32
      %dma_start3A_175 = arith.constant 0 : i32
      %dma_start3A_176 = tpu.memref_slice %arg2[%dma_start3A_174, %dma_start3A_175] : memref<10000x128xf32, #tpu.memory_space<hbm>> -> memref<10000x128xf32, #tpu.memory_space<hbm>>
      tpu.enqueue_indirect_dma source(%dma_start3A_176 : memref<10000x128xf32, #tpu.memory_space<hbm>>) target(%arg10 : memref<128x128xf32, #tpu.memory_space<vmem>>) offsets(%dma_start3A_173 : memref<128xi32, #tpu.memory_space<vmem>>) semaphore(%arg13 : memref<!tpu.dma_semaphore, #tpu.memory_space<semaphore_mem>>)
      %dma_wait3A_177 = arith.constant 0 : i32
      %dma_wait3A_178 = tpu.memref_slice %arg7[%add3A_165, %dma_wait3A_177] : memref<40x128xi32, #tpu.memory_space<vmem>> -> memref<1x128xi32, #tpu.memory_space<vmem>>
      %dma_wait3A_179 = tpu.memref_squeeze %dma_wait3A_178 : memref<1x128xi32, #tpu.memory_space<vmem>> -> memref<128xi32, #tpu.memory_space<vmem>>
      %dma_wait3A_180 = arith.constant 0 : i32
      %dma_wait3A_181 = arith.constant 0 : i32
      %dma_wait3A_182 = tpu.memref_slice %arg2[%dma_wait3A_180, %dma_wait3A_181] : memref<10000x128xf32, #tpu.memory_space<hbm>> -> memref<10000x128xf32, #tpu.memory_space<hbm>>
      tpu.wait_indirect_dma semaphore(%arg12 : memref<!tpu.dma_semaphore, #tpu.memory_space<semaphore_mem>>) src(%dma_wait3A_182 : memref<10000x128xf32, #tpu.memory_space<hbm>>) dst(%arg9 : memref<128x128xf32, #tpu.memory_space<vmem>>)
      %dma_start3A_183 = arith.constant 0 : i32
      %dma_start3A_184 = tpu.memref_slice %arg8[%add3A_165, %dma_start3A_183] : memref<40x128xi32, #tpu.memory_space<vmem>> -> memref<1x128xi32, #tpu.memory_space<vmem>>
      %dma_start3A_185 = tpu.memref_squeeze %dma_start3A_184 : memref<1x128xi32, #tpu.memory_space<vmem>> -> memref<128xi32, #tpu.memory_space<vmem>>
      %dma_start3A_186 = arith.constant 0 : i32
      %dma_start3A_187 = arith.constant 0 : i32
      %dma_start3A_188 = tpu.memref_slice %arg11[%dma_start3A_186, %dma_start3A_187] : memref<10240x128xf32, #tpu.memory_space<vmem_shared>> -> memref<10240x128xf32, #tpu.memory_space<vmem_shared>>
      tpu.enqueue_indirect_dma source(%arg9 : memref<128x128xf32, #tpu.memory_space<vmem>>) target(%dma_start3A_188 : memref<10240x128xf32, #tpu.memory_space<vmem_shared>>) offsets(%dma_start3A_185 : memref<128xi32, #tpu.memory_space<vmem>>) semaphore(%arg14 : memref<!tpu.dma_semaphore, #tpu.memory_space<semaphore_mem>>) {add = true}
      %add3A_189 = arith.constant 1 : i32
      %add3A_190 = arith.addi %add3A_165, %add3A_189 : i32
      %dma_wait3A_191 = arith.constant 0 : i32
      %dma_wait3A_192 = tpu.memref_slice %arg7[%add3A_190, %dma_wait3A_191] : memref<40x128xi32, #tpu.memory_space<vmem>> -> memref<1x128xi32, #tpu.memory_space<vmem>>
      %dma_wait3A_193 = tpu.memref_squeeze %dma_wait3A_192 : memref<1x128xi32, #tpu.memory_space<vmem>> -> memref<128xi32, #tpu.memory_space<vmem>>
      %dma_wait3A_194 = arith.constant 0 : i32
      %dma_wait3A_195 = arith.constant 0 : i32
      %dma_wait3A_196 = tpu.memref_slice %arg2[%dma_wait3A_194, %dma_wait3A_195] : memref<10000x128xf32, #tpu.memory_space<hbm>> -> memref<10000x128xf32, #tpu.memory_space<hbm>>
      tpu.wait_indirect_dma semaphore(%arg13 : memref<!tpu.dma_semaphore, #tpu.memory_space<semaphore_mem>>) src(%dma_wait3A_196 : memref<10000x128xf32, #tpu.memory_space<hbm>>) dst(%arg10 : memref<128x128xf32, #tpu.memory_space<vmem>>)
      %add3A_197 = arith.constant 1 : i32
      %add3A_198 = arith.addi %add3A_165, %add3A_197 : i32
      %dma_start3A_199 = arith.constant 0 : i32
      %dma_start3A_200 = tpu.memref_slice %arg8[%add3A_198, %dma_start3A_199] : memref<40x128xi32, #tpu.memory_space<vmem>> -> memref<1x128xi32, #tpu.memory_space<vmem>>
      %dma_start3A_201 = tpu.memref_squeeze %dma_start3A_200 : memref<1x128xi32, #tpu.memory_space<vmem>> -> memref<128xi32, #tpu.memory_space<vmem>>
      %dma_start3A_202 = arith.constant 0 : i32
      %dma_start3A_203 = arith.constant 0 : i32
      %dma_start3A_204 = tpu.memref_slice %arg11[%dma_start3A_202, %dma_start3A_203] : memref<10240x128xf32, #tpu.memory_space<vmem_shared>> -> memref<10240x128xf32, #tpu.memory_space<vmem_shared>>
      tpu.enqueue_indirect_dma source(%arg10 : memref<128x128xf32, #tpu.memory_space<vmem>>) target(%dma_start3A_204 : memref<10240x128xf32, #tpu.memory_space<vmem_shared>>) offsets(%dma_start3A_201 : memref<128xi32, #tpu.memory_space<vmem>>) semaphore(%arg15 : memref<!tpu.dma_semaphore, #tpu.memory_space<semaphore_mem>>) {add = true}
      %dma_wait3A_205 = arith.constant 0 : i32
      %dma_wait3A_206 = tpu.memref_slice %arg8[%add3A_165, %dma_wait3A_205] : memref<40x128xi32, #tpu.memory_space<vmem>> -> memref<1x128xi32, #tpu.memory_space<vmem>>
      %dma_wait3A_207 = tpu.memref_squeeze %dma_wait3A_206 : memref<1x128xi32, #tpu.memory_space<vmem>> -> memref<128xi32, #tpu.memory_space<vmem>>
      %dma_wait3A_208 = arith.constant 0 : i32
      %dma_wait3A_209 = arith.constant 0 : i32
      %dma_wait3A_210 = tpu.memref_slice %arg11[%dma_wait3A_208, %dma_wait3A_209] : memref<10240x128xf32, #tpu.memory_space<vmem_shared>> -> memref<10240x128xf32, #tpu.memory_space<vmem_shared>>
      tpu.wait_indirect_dma semaphore(%arg14 : memref<!tpu.dma_semaphore, #tpu.memory_space<semaphore_mem>>) src(%arg9 : memref<128x128xf32, #tpu.memory_space<vmem>>) dst(%dma_wait3A_210 : memref<10240x128xf32, #tpu.memory_space<vmem_shared>>)
      %convert_element_type3A = arith.extui %lt3A_168 : i1 to i32
      %cond3A = arith.constant 0 : i32
      %cond3A_211 = arith.cmpi ne, %convert_element_type3A, %cond3A : i32
      scf.if %cond3A_211 {
        %add3A_220 = arith.constant 2 : i32
        %add3A_221 = arith.addi %add3A_165, %add3A_220 : i32
        %dma_start3A_222 = arith.constant 0 : i32
        %dma_start3A_223 = tpu.memref_slice %arg7[%add3A_221, %dma_start3A_222] : memref<40x128xi32, #tpu.memory_space<vmem>> -> memref<1x128xi32, #tpu.memory_space<vmem>>
        %dma_start3A_224 = tpu.memref_squeeze %dma_start3A_223 : memref<1x128xi32, #tpu.memory_space<vmem>> -> memref<128xi32, #tpu.memory_space<vmem>>
        %dma_start3A_225 = arith.constant 0 : i32
        %dma_start3A_226 = arith.constant 0 : i32
        %dma_start3A_227 = tpu.memref_slice %arg2[%dma_start3A_225, %dma_start3A_226] : memref<10000x128xf32, #tpu.memory_space<hbm>> -> memref<10000x128xf32, #tpu.memory_space<hbm>>
        tpu.enqueue_indirect_dma source(%dma_start3A_227 : memref<10000x128xf32, #tpu.memory_space<hbm>>) target(%arg9 : memref<128x128xf32, #tpu.memory_space<vmem>>) offsets(%dma_start3A_224 : memref<128xi32, #tpu.memory_space<vmem>>) semaphore(%arg12 : memref<!tpu.dma_semaphore, #tpu.memory_space<semaphore_mem>>)
      } else {
      }
      %add3A_212 = arith.constant 1 : i32
      %add3A_213 = arith.addi %add3A_165, %add3A_212 : i32
      %dma_wait3A_214 = arith.constant 0 : i32
      %dma_wait3A_215 = tpu.memref_slice %arg8[%add3A_213, %dma_wait3A_214] : memref<40x128xi32, #tpu.memory_space<vmem>> -> memref<1x128xi32, #tpu.memory_space<vmem>>
      %dma_wait3A_216 = tpu.memref_squeeze %dma_wait3A_215 : memref<1x128xi32, #tpu.memory_space<vmem>> -> memref<128xi32, #tpu.memory_space<vmem>>
      %dma_wait3A_217 = arith.constant 0 : i32
      %dma_wait3A_218 = arith.constant 0 : i32
      %dma_wait3A_219 = tpu.memref_slice %arg11[%dma_wait3A_217, %dma_wait3A_218] : memref<10240x128xf32, #tpu.memory_space<vmem_shared>> -> memref<10240x128xf32, #tpu.memory_space<vmem_shared>>
      tpu.wait_indirect_dma semaphore(%arg15 : memref<!tpu.dma_semaphore, #tpu.memory_space<semaphore_mem>>) src(%arg10 : memref<128x128xf32, #tpu.memory_space<vmem>>) dst(%dma_wait3A_219 : memref<10240x128xf32, #tpu.memory_space<vmem_shared>>)
    }
    %scan3A_53 = arith.constant 10 : i32
    %dma_start3A_54 = arith.constant 40 : i32
    %dma_start3A_55 = arith.constant 0 : i32
    %dma_start3A_56 = tpu.memref_slice %arg3[%add3A, %dma_start3A_54, %dma_start3A_55] : memref<32x80x128xi32, #tpu.memory_space<hbm>> -> memref<1x40x128xi32, #tpu.memory_space<hbm>>
    %dma_start3A_57 = tpu.memref_squeeze %dma_start3A_56 : memref<1x40x128xi32, #tpu.memory_space<hbm>> -> memref<40x128xi32, #tpu.memory_space<hbm>>
    %dma_start3A_58 = arith.constant 40 : i32
    %dma_start3A_59 = arith.constant 0 : i32
    %dma_start3A_60 = tpu.memref_slice %arg3[%add3A, %dma_start3A_58, %dma_start3A_59] : memref<32x80x128xi32, #tpu.memory_space<hbm>> -> memref<1x40x128xi32, #tpu.memory_space<hbm>>
    %dma_start3A_61 = tpu.memref_squeeze %dma_start3A_60 : memref<1x40x128xi32, #tpu.memory_space<hbm>> -> memref<40x128xi32, #tpu.memory_space<hbm>>
    tpu.enqueue_dma source(%dma_start3A_61 : memref<40x128xi32, #tpu.memory_space<hbm>>) target(%arg7 : memref<40x128xi32, #tpu.memory_space<vmem>>) target_semaphore(%arg12 : memref<!tpu.dma_semaphore, #tpu.memory_space<semaphore_mem>>)
    %dma_start3A_62 = arith.constant 40 : i32
    %dma_start3A_63 = arith.constant 0 : i32
    %dma_start3A_64 = tpu.memref_slice %arg4[%add3A, %dma_start3A_62, %dma_start3A_63] : memref<32x80x128xi32, #tpu.memory_space<hbm>> -> memref<1x40x128xi32, #tpu.memory_space<hbm>>
    %dma_start3A_65 = tpu.memref_squeeze %dma_start3A_64 : memref<1x40x128xi32, #tpu.memory_space<hbm>> -> memref<40x128xi32, #tpu.memory_space<hbm>>
    %dma_start3A_66 = arith.constant 40 : i32
    %dma_start3A_67 = arith.constant 0 : i32
    %dma_start3A_68 = tpu.memref_slice %arg4[%add3A, %dma_start3A_66, %dma_start3A_67] : memref<32x80x128xi32, #tpu.memory_space<hbm>> -> memref<1x40x128xi32, #tpu.memory_space<hbm>>
    %dma_start3A_69 = tpu.memref_squeeze %dma_start3A_68 : memref<1x40x128xi32, #tpu.memory_space<hbm>> -> memref<40x128xi32, #tpu.memory_space<hbm>>
    tpu.enqueue_dma source(%dma_start3A_69 : memref<40x128xi32, #tpu.memory_space<hbm>>) target(%arg8 : memref<40x128xi32, #tpu.memory_space<vmem>>) target_semaphore(%arg13 : memref<!tpu.dma_semaphore, #tpu.memory_space<semaphore_mem>>)
    %dma_wait3A_70 = arith.constant 40 : i32
    %dma_wait3A_71 = arith.constant 0 : i32
    %dma_wait3A_72 = tpu.memref_slice %arg3[%add3A, %dma_wait3A_70, %dma_wait3A_71] : memref<32x80x128xi32, #tpu.memory_space<hbm>> -> memref<1x40x128xi32, #tpu.memory_space<hbm>>
    %dma_wait3A_73 = tpu.memref_squeeze %dma_wait3A_72 : memref<1x40x128xi32, #tpu.memory_space<hbm>> -> memref<40x128xi32, #tpu.memory_space<hbm>>
    %dma_wait3A_74 = arith.constant 40 : i32
    %dma_wait3A_75 = arith.constant 0 : i32
    %dma_wait3A_76 = tpu.memref_slice %arg3[%add3A, %dma_wait3A_74, %dma_wait3A_75] : memref<32x80x128xi32, #tpu.memory_space<hbm>> -> memref<1x40x128xi32, #tpu.memory_space<hbm>>
    %dma_wait3A_77 = tpu.memref_squeeze %dma_wait3A_76 : memref<1x40x128xi32, #tpu.memory_space<hbm>> -> memref<40x128xi32, #tpu.memory_space<hbm>>
    tpu.wait_dma2 semaphore(%arg12 : memref<!tpu.dma_semaphore, #tpu.memory_space<semaphore_mem>>) src(%dma_wait3A_77 : memref<40x128xi32, #tpu.memory_space<hbm>>) dst(%arg7 : memref<40x128xi32, #tpu.memory_space<vmem>>)
    %dma_wait3A_78 = arith.constant 40 : i32
    %dma_wait3A_79 = arith.constant 0 : i32
    %dma_wait3A_80 = tpu.memref_slice %arg4[%add3A, %dma_wait3A_78, %dma_wait3A_79] : memref<32x80x128xi32, #tpu.memory_space<hbm>> -> memref<1x40x128xi32, #tpu.memory_space<hbm>>
    %dma_wait3A_81 = tpu.memref_squeeze %dma_wait3A_80 : memref<1x40x128xi32, #tpu.memory_space<hbm>> -> memref<40x128xi32, #tpu.memory_space<hbm>>
    %dma_wait3A_82 = arith.constant 40 : i32
    %dma_wait3A_83 = arith.constant 0 : i32
    %dma_wait3A_84 = tpu.memref_slice %arg4[%add3A, %dma_wait3A_82, %dma_wait3A_83] : memref<32x80x128xi32, #tpu.memory_space<hbm>> -> memref<1x40x128xi32, #tpu.memory_space<hbm>>
    %dma_wait3A_85 = tpu.memref_squeeze %dma_wait3A_84 : memref<1x40x128xi32, #tpu.memory_space<hbm>> -> memref<40x128xi32, #tpu.memory_space<hbm>>
    tpu.wait_dma2 semaphore(%arg13 : memref<!tpu.dma_semaphore, #tpu.memory_space<semaphore_mem>>) src(%dma_wait3A_85 : memref<40x128xi32, #tpu.memory_space<hbm>>) dst(%arg8 : memref<40x128xi32, #tpu.memory_space<vmem>>)
    %dma_start3A_86 = arith.constant 0 : i32
    %dma_start3A_87 = arith.constant 0 : i32
    %dma_start3A_88 = tpu.memref_slice %arg7[%dma_start3A_86, %dma_start3A_87] : memref<40x128xi32, #tpu.memory_space<vmem>> -> memref<1x128xi32, #tpu.memory_space<vmem>>
    %dma_start3A_89 = tpu.memref_squeeze %dma_start3A_88 : memref<1x128xi32, #tpu.memory_space<vmem>> -> memref<128xi32, #tpu.memory_space<vmem>>
    %dma_start3A_90 = arith.constant 0 : i32
    %dma_start3A_91 = arith.constant 0 : i32
    %dma_start3A_92 = tpu.memref_slice %arg2[%dma_start3A_90, %dma_start3A_91] : memref<10000x128xf32, #tpu.memory_space<hbm>> -> memref<10000x128xf32, #tpu.memory_space<hbm>>
    tpu.enqueue_indirect_dma source(%dma_start3A_92 : memref<10000x128xf32, #tpu.memory_space<hbm>>) target(%arg9 : memref<128x128xf32, #tpu.memory_space<vmem>>) offsets(%dma_start3A_89 : memref<128xi32, #tpu.memory_space<vmem>>) semaphore(%arg12 : memref<!tpu.dma_semaphore, #tpu.memory_space<semaphore_mem>>)
    %scan3A_93 = arith.constant 0 : i32
    %scan3A_94 = arith.constant 10 : i32
    %scan3A_95 = arith.addi %scan3A_93, %scan3A_94 : i32
    %scan3A_96 = arith.constant 1 : i32
    scf.for %scan3A_99 = %scan3A_93 to %scan3A_95 step %scan3A_96  : i32 {
      %mul3A_100 = arith.constant 1 : i32
      %mul3A_101 = arith.muli %scan3A_99, %mul3A_100 : i32
      %add3A_102 = arith.constant 0 : i32
      %add3A_103 = arith.addi %add3A_102, %mul3A_101 : i32
      %mul3A_104 = arith.constant 4 : i32
      %mul3A_105 = arith.muli %mul3A_104, %add3A_103 : i32
      %add3A_106 = arith.constant 1 : i32
      %add3A_107 = arith.addi %mul3A_105, %add3A_106 : i32
      %dma_start3A_108 = arith.constant 0 : i32
      %dma_start3A_109 = tpu.memref_slice %arg7[%add3A_107, %dma_start3A_108] : memref<40x128xi32, #tpu.memory_space<vmem>> -> memref<1x128xi32, #tpu.memory_space<vmem>>
      %dma_start3A_110 = tpu.memref_squeeze %dma_start3A_109 : memref<1x128xi32, #tpu.memory_space<vmem>> -> memref<128xi32, #tpu.memory_space<vmem>>
      %dma_start3A_111 = arith.constant 0 : i32
      %dma_start3A_112 = arith.constant 0 : i32
      %dma_start3A_113 = tpu.memref_slice %arg2[%dma_start3A_111, %dma_start3A_112] : memref<10000x128xf32, #tpu.memory_space<hbm>> -> memref<10000x128xf32, #tpu.memory_space<hbm>>
      tpu.enqueue_indirect_dma source(%dma_start3A_113 : memref<10000x128xf32, #tpu.memory_space<hbm>>) target(%arg10 : memref<128x128xf32, #tpu.memory_space<vmem>>) offsets(%dma_start3A_110 : memref<128xi32, #tpu.memory_space<vmem>>) semaphore(%arg13 : memref<!tpu.dma_semaphore, #tpu.memory_space<semaphore_mem>>)
      %dma_wait3A_114 = arith.constant 0 : i32
      %dma_wait3A_115 = tpu.memref_slice %arg7[%mul3A_105, %dma_wait3A_114] : memref<40x128xi32, #tpu.memory_space<vmem>> -> memref<1x128xi32, #tpu.memory_space<vmem>>
      %dma_wait3A_116 = tpu.memref_squeeze %dma_wait3A_115 : memref<1x128xi32, #tpu.memory_space<vmem>> -> memref<128xi32, #tpu.memory_space<vmem>>
      %dma_wait3A_117 = arith.constant 0 : i32
      %dma_wait3A_118 = arith.constant 0 : i32
      %dma_wait3A_119 = tpu.memref_slice %arg2[%dma_wait3A_117, %dma_wait3A_118] : memref<10000x128xf32, #tpu.memory_space<hbm>> -> memref<10000x128xf32, #tpu.memory_space<hbm>>
      tpu.wait_indirect_dma semaphore(%arg12 : memref<!tpu.dma_semaphore, #tpu.memory_space<semaphore_mem>>) src(%dma_wait3A_119 : memref<10000x128xf32, #tpu.memory_space<hbm>>) dst(%arg9 : memref<128x128xf32, #tpu.memory_space<vmem>>)
      %dma_start3A_120 = arith.constant 0 : i32
      %dma_start3A_121 = tpu.memref_slice %arg8[%mul3A_105, %dma_start3A_120] : memref<40x128xi32, #tpu.memory_space<vmem>> -> memref<1x128xi32, #tpu.memory_space<vmem>>
      %dma_start3A_122 = tpu.memref_squeeze %dma_start3A_121 : memref<1x128xi32, #tpu.memory_space<vmem>> -> memref<128xi32, #tpu.memory_space<vmem>>
      %dma_start3A_123 = arith.constant 0 : i32
      %dma_start3A_124 = arith.constant 0 : i32
      %dma_start3A_125 = tpu.memref_slice %arg11[%dma_start3A_123, %dma_start3A_124] : memref<10240x128xf32, #tpu.memory_space<vmem_shared>> -> memref<10240x128xf32, #tpu.memory_space<vmem_shared>>
      tpu.enqueue_indirect_dma source(%arg9 : memref<128x128xf32, #tpu.memory_space<vmem>>) target(%dma_start3A_125 : memref<10240x128xf32, #tpu.memory_space<vmem_shared>>) offsets(%dma_start3A_122 : memref<128xi32, #tpu.memory_space<vmem>>) semaphore(%arg14 : memref<!tpu.dma_semaphore, #tpu.memory_space<semaphore_mem>>) {add = true}
      %add3A_126 = arith.constant 1 : i32
      %add3A_127 = arith.addi %mul3A_105, %add3A_126 : i32
      %dma_wait3A_128 = arith.constant 0 : i32
      %dma_wait3A_129 = tpu.memref_slice %arg7[%add3A_127, %dma_wait3A_128] : memref<40x128xi32, #tpu.memory_space<vmem>> -> memref<1x128xi32, #tpu.memory_space<vmem>>
      %dma_wait3A_130 = tpu.memref_squeeze %dma_wait3A_129 : memref<1x128xi32, #tpu.memory_space<vmem>> -> memref<128xi32, #tpu.memory_space<vmem>>
      %dma_wait3A_131 = arith.constant 0 : i32
      %dma_wait3A_132 = arith.constant 0 : i32
      %dma_wait3A_133 = tpu.memref_slice %arg2[%dma_wait3A_131, %dma_wait3A_132] : memref<10000x128xf32, #tpu.memory_space<hbm>> -> memref<10000x128xf32, #tpu.memory_space<hbm>>
      tpu.wait_indirect_dma semaphore(%arg13 : memref<!tpu.dma_semaphore, #tpu.memory_space<semaphore_mem>>) src(%dma_wait3A_133 : memref<10000x128xf32, #tpu.memory_space<hbm>>) dst(%arg10 : memref<128x128xf32, #tpu.memory_space<vmem>>)
      %add3A_134 = arith.constant 1 : i32
      %add3A_135 = arith.addi %mul3A_105, %add3A_134 : i32
      %dma_start3A_136 = arith.constant 0 : i32
      %dma_start3A_137 = tpu.memref_slice %arg8[%add3A_135, %dma_start3A_136] : memref<40x128xi32, #tpu.memory_space<vmem>> -> memref<1x128xi32, #tpu.memory_space<vmem>>
      %dma_start3A_138 = tpu.memref_squeeze %dma_start3A_137 : memref<1x128xi32, #tpu.memory_space<vmem>> -> memref<128xi32, #tpu.memory_space<vmem>>
      %dma_start3A_139 = arith.constant 0 : i32
      %dma_start3A_140 = arith.constant 0 : i32
      %dma_start3A_141 = tpu.memref_slice %arg11[%dma_start3A_139, %dma_start3A_140] : memref<10240x128xf32, #tpu.memory_space<vmem_shared>> -> memref<10240x128xf32, #tpu.memory_space<vmem_shared>>
      tpu.enqueue_indirect_dma source(%arg10 : memref<128x128xf32, #tpu.memory_space<vmem>>) target(%dma_start3A_141 : memref<10240x128xf32, #tpu.memory_space<vmem_shared>>) offsets(%dma_start3A_138 : memref<128xi32, #tpu.memory_space<vmem>>) semaphore(%arg15 : memref<!tpu.dma_semaphore, #tpu.memory_space<semaphore_mem>>) {add = true}
      %dma_wait3A_142 = arith.constant 0 : i32
      %dma_wait3A_143 = tpu.memref_slice %arg8[%mul3A_105, %dma_wait3A_142] : memref<40x128xi32, #tpu.memory_space<vmem>> -> memref<1x128xi32, #tpu.memory_space<vmem>>
      %dma_wait3A_144 = tpu.memref_squeeze %dma_wait3A_143 : memref<1x128xi32, #tpu.memory_space<vmem>> -> memref<128xi32, #tpu.memory_space<vmem>>
      %dma_wait3A_145 = arith.constant 0 : i32
      %dma_wait3A_146 = arith.constant 0 : i32
      %dma_wait3A_147 = tpu.memref_slice %arg11[%dma_wait3A_145, %dma_wait3A_146] : memref<10240x128xf32, #tpu.memory_space<vmem_shared>> -> memref<10240x128xf32, #tpu.memory_space<vmem_shared>>
      tpu.wait_indirect_dma semaphore(%arg14 : memref<!tpu.dma_semaphore, #tpu.memory_space<semaphore_mem>>) src(%arg9 : memref<128x128xf32, #tpu.memory_space<vmem>>) dst(%dma_wait3A_147 : memref<10240x128xf32, #tpu.memory_space<vmem_shared>>)
      %add3A_148 = arith.constant 2 : i32
      %add3A_149 = arith.addi %mul3A_105, %add3A_148 : i32
      %dma_start3A_150 = arith.constant 0 : i32
      %dma_start3A_151 = tpu.memref_slice %arg7[%add3A_149, %dma_start3A_150] : memref<40x128xi32, #tpu.memory_space<vmem>> -> memref<1x128xi32, #tpu.memory_space<vmem>>
      %dma_start3A_152 = tpu.memref_squeeze %dma_start3A_151 : memref<1x128xi32, #tpu.memory_space<vmem>> -> memref<128xi32, #tpu.memory_space<vmem>>
      %dma_start3A_153 = arith.constant 0 : i32
      %dma_start3A_154 = arith.constant 0 : i32
      %dma_start3A_155 = tpu.memref_slice %arg2[%dma_start3A_153, %dma_start3A_154] : memref<10000x128xf32, #tpu.memory_space<hbm>> -> memref<10000x128xf32, #tpu.memory_space<hbm>>
      tpu.enqueue_indirect_dma source(%dma_start3A_155 : memref<10000x128xf32, #tpu.memory_space<hbm>>) target(%arg9 : memref<128x128xf32, #tpu.memory_space<vmem>>) offsets(%dma_start3A_152 : memref<128xi32, #tpu.memory_space<vmem>>) semaphore(%arg12 : memref<!tpu.dma_semaphore, #tpu.memory_space<semaphore_mem>>)
      %add3A_156 = arith.constant 1 : i32
      %add3A_157 = arith.addi %mul3A_105, %add3A_156 : i32
      %dma_wait3A_158 = arith.constant 0 : i32
      %dma_wait3A_159 = tpu.memref_slice %arg8[%add3A_157, %dma_wait3A_158] : memref<40x128xi32, #tpu.memory_space<vmem>> -> memref<1x128xi32, #tpu.memory_space<vmem>>
      %dma_wait3A_160 = tpu.memref_squeeze %dma_wait3A_159 : memref<1x128xi32, #tpu.memory_space<vmem>> -> memref<128xi32, #tpu.memory_space<vmem>>
      %dma_wait3A_161 = arith.constant 0 : i32
      %dma_wait3A_162 = arith.constant 0 : i32
      %dma_wait3A_163 = tpu.memref_slice %arg11[%dma_wait3A_161, %dma_wait3A_162] : memref<10240x128xf32, #tpu.memory_space<vmem_shared>> -> memref<10240x128xf32, #tpu.memory_space<vmem_shared>>
      tpu.wait_indirect_dma semaphore(%arg15 : memref<!tpu.dma_semaphore, #tpu.memory_space<semaphore_mem>>) src(%arg10 : memref<128x128xf32, #tpu.memory_space<vmem>>) dst(%dma_wait3A_163 : memref<10240x128xf32, #tpu.memory_space<vmem_shared>>)
      %add3A_164 = arith.constant 2 : i32
      %add3A_165 = arith.addi %mul3A_105, %add3A_164 : i32
      %add3A_166 = arith.constant 4 : i32
      %add3A_167 = arith.addi %mul3A_105, %add3A_166 : i32
      %lt3A = arith.constant 40 : i32
      %lt3A_168 = arith.cmpi slt, %add3A_167, %lt3A : i32
      %add3A_169 = arith.constant 1 : i32
      %add3A_170 = arith.addi %add3A_165, %add3A_169 : i32
      %dma_start3A_171 = arith.constant 0 : i32
      %dma_start3A_172 = tpu.memref_slice %arg7[%add3A_170, %dma_start3A_171] : memref<40x128xi32, #tpu.memory_space<vmem>> -> memref<1x128xi32, #tpu.memory_space<vmem>>
      %dma_start3A_173 = tpu.memref_squeeze %dma_start3A_172 : memref<1x128xi32, #tpu.memory_space<vmem>> -> memref<128xi32, #tpu.memory_space<vmem>>
      %dma_start3A_174 = arith.constant 0 : i32
      %dma_start3A_175 = arith.constant 0 : i32
      %dma_start3A_176 = tpu.memref_slice %arg2[%dma_start3A_174, %dma_start3A_175] : memref<10000x128xf32, #tpu.memory_space<hbm>> -> memref<10000x128xf32, #tpu.memory_space<hbm>>
      tpu.enqueue_indirect_dma source(%dma_start3A_176 : memref<10000x128xf32, #tpu.memory_space<hbm>>) target(%arg10 : memref<128x128xf32, #tpu.memory_space<vmem>>) offsets(%dma_start3A_173 : memref<128xi32, #tpu.memory_space<vmem>>) semaphore(%arg13 : memref<!tpu.dma_semaphore, #tpu.memory_space<semaphore_mem>>)
      %dma_wait3A_177 = arith.constant 0 : i32
      %dma_wait3A_178 = tpu.memref_slice %arg7[%add3A_165, %dma_wait3A_177] : memref<40x128xi32, #tpu.memory_space<vmem>> -> memref<1x128xi32, #tpu.memory_space<vmem>>
      %dma_wait3A_179 = tpu.memref_squeeze %dma_wait3A_178 : memref<1x128xi32, #tpu.memory_space<vmem>> -> memref<128xi32, #tpu.memory_space<vmem>>
      %dma_wait3A_180 = arith.constant 0 : i32
      %dma_wait3A_181 = arith.constant 0 : i32
      %dma_wait3A_182 = tpu.memref_slice %arg2[%dma_wait3A_180, %dma_wait3A_181] : memref<10000x128xf32, #tpu.memory_space<hbm>> -> memref<10000x128xf32, #tpu.memory_space<hbm>>
      tpu.wait_indirect_dma semaphore(%arg12 : memref<!tpu.dma_semaphore, #tpu.memory_space<semaphore_mem>>) src(%dma_wait3A_182 : memref<10000x128xf32, #tpu.memory_space<hbm>>) dst(%arg9 : memref<128x128xf32, #tpu.memory_space<vmem>>)
      %dma_start3A_183 = arith.constant 0 : i32
      %dma_start3A_184 = tpu.memref_slice %arg8[%add3A_165, %dma_start3A_183] : memref<40x128xi32, #tpu.memory_space<vmem>> -> memref<1x128xi32, #tpu.memory_space<vmem>>
      %dma_start3A_185 = tpu.memref_squeeze %dma_start3A_184 : memref<1x128xi32, #tpu.memory_space<vmem>> -> memref<128xi32, #tpu.memory_space<vmem>>
      %dma_start3A_186 = arith.constant 0 : i32
      %dma_start3A_187 = arith.constant 0 : i32
      %dma_start3A_188 = tpu.memref_slice %arg11[%dma_start3A_186, %dma_start3A_187] : memref<10240x128xf32, #tpu.memory_space<vmem_shared>> -> memref<10240x128xf32, #tpu.memory_space<vmem_shared>>
      tpu.enqueue_indirect_dma source(%arg9 : memref<128x128xf32, #tpu.memory_space<vmem>>) target(%dma_start3A_188 : memref<10240x128xf32, #tpu.memory_space<vmem_shared>>) offsets(%dma_start3A_185 : memref<128xi32, #tpu.memory_space<vmem>>) semaphore(%arg14 : memref<!tpu.dma_semaphore, #tpu.memory_space<semaphore_mem>>) {add = true}
      %add3A_189 = arith.constant 1 : i32
      %add3A_190 = arith.addi %add3A_165, %add3A_189 : i32
      %dma_wait3A_191 = arith.constant 0 : i32
      %dma_wait3A_192 = tpu.memref_slice %arg7[%add3A_190, %dma_wait3A_191] : memref<40x128xi32, #tpu.memory_space<vmem>> -> memref<1x128xi32, #tpu.memory_space<vmem>>
      %dma_wait3A_193 = tpu.memref_squeeze %dma_wait3A_192 : memref<1x128xi32, #tpu.memory_space<vmem>> -> memref<128xi32, #tpu.memory_space<vmem>>
      %dma_wait3A_194 = arith.constant 0 : i32
      %dma_wait3A_195 = arith.constant 0 : i32
      %dma_wait3A_196 = tpu.memref_slice %arg2[%dma_wait3A_194, %dma_wait3A_195] : memref<10000x128xf32, #tpu.memory_space<hbm>> -> memref<10000x128xf32, #tpu.memory_space<hbm>>
      tpu.wait_indirect_dma semaphore(%arg13 : memref<!tpu.dma_semaphore, #tpu.memory_space<semaphore_mem>>) src(%dma_wait3A_196 : memref<10000x128xf32, #tpu.memory_space<hbm>>) dst(%arg10 : memref<128x128xf32, #tpu.memory_space<vmem>>)
      %add3A_197 = arith.constant 1 : i32
      %add3A_198 = arith.addi %add3A_165, %add3A_197 : i32
      %dma_start3A_199 = arith.constant 0 : i32
      %dma_start3A_200 = tpu.memref_slice %arg8[%add3A_198, %dma_start3A_199] : memref<40x128xi32, #tpu.memory_space<vmem>> -> memref<1x128xi32, #tpu.memory_space<vmem>>
      %dma_start3A_201 = tpu.memref_squeeze %dma_start3A_200 : memref<1x128xi32, #tpu.memory_space<vmem>> -> memref<128xi32, #tpu.memory_space<vmem>>
      %dma_start3A_202 = arith.constant 0 : i32
      %dma_start3A_203 = arith.constant 0 : i32
      %dma_start3A_204 = tpu.memref_slice %arg11[%dma_start3A_202, %dma_start3A_203] : memref<10240x128xf32, #tpu.memory_space<vmem_shared>> -> memref<10240x128xf32, #tpu.memory_space<vmem_shared>>
      tpu.enqueue_indirect_dma source(%arg10 : memref<128x128xf32, #tpu.memory_space<vmem>>) target(%dma_start3A_204 : memref<10240x128xf32, #tpu.memory_space<vmem_shared>>) offsets(%dma_start3A_201 : memref<128xi32, #tpu.memory_space<vmem>>) semaphore(%arg15 : memref<!tpu.dma_semaphore, #tpu.memory_space<semaphore_mem>>) {add = true}
      %dma_wait3A_205 = arith.constant 0 : i32
      %dma_wait3A_206 = tpu.memref_slice %arg8[%add3A_165, %dma_wait3A_205] : memref<40x128xi32, #tpu.memory_space<vmem>> -> memref<1x128xi32, #tpu.memory_space<vmem>>
      %dma_wait3A_207 = tpu.memref_squeeze %dma_wait3A_206 : memref<1x128xi32, #tpu.memory_space<vmem>> -> memref<128xi32, #tpu.memory_space<vmem>>
      %dma_wait3A_208 = arith.constant 0 : i32
      %dma_wait3A_209 = arith.constant 0 : i32
      %dma_wait3A_210 = tpu.memref_slice %arg11[%dma_wait3A_208, %dma_wait3A_209] : memref<10240x128xf32, #tpu.memory_space<vmem_shared>> -> memref<10240x128xf32, #tpu.memory_space<vmem_shared>>
      tpu.wait_indirect_dma semaphore(%arg14 : memref<!tpu.dma_semaphore, #tpu.memory_space<semaphore_mem>>) src(%arg9 : memref<128x128xf32, #tpu.memory_space<vmem>>) dst(%dma_wait3A_210 : memref<10240x128xf32, #tpu.memory_space<vmem_shared>>)
      %convert_element_type3A = arith.extui %lt3A_168 : i1 to i32
      %cond3A = arith.constant 0 : i32
      %cond3A_211 = arith.cmpi ne, %convert_element_type3A, %cond3A : i32
      scf.if %cond3A_211 {
        %add3A_220 = arith.constant 2 : i32
        %add3A_221 = arith.addi %add3A_165, %add3A_220 : i32
        %dma_start3A_222 = arith.constant 0 : i32
        %dma_start3A_223 = tpu.memref_slice %arg7[%add3A_221, %dma_start3A_222] : memref<40x128xi32, #tpu.memory_space<vmem>> -> memref<1x128xi32, #tpu.memory_space<vmem>>
        %dma_start3A_224 = tpu.memref_squeeze %dma_start3A_223 : memref<1x128xi32, #tpu.memory_space<vmem>> -> memref<128xi32, #tpu.memory_space<vmem>>
        %dma_start3A_225 = arith.constant 0 : i32
        %dma_start3A_226 = arith.constant 0 : i32
        %dma_start3A_227 = tpu.memref_slice %arg2[%dma_start3A_225, %dma_start3A_226] : memref<10000x128xf32, #tpu.memory_space<hbm>> -> memref<10000x128xf32, #tpu.memory_space<hbm>>
        tpu.enqueue_indirect_dma source(%dma_start3A_227 : memref<10000x128xf32, #tpu.memory_space<hbm>>) target(%arg9 : memref<128x128xf32, #tpu.memory_space<vmem>>) offsets(%dma_start3A_224 : memref<128xi32, #tpu.memory_space<vmem>>) semaphore(%arg12 : memref<!tpu.dma_semaphore, #tpu.memory_space<semaphore_mem>>)
      } else {
      }
      %add3A_212 = arith.constant 1 : i32
      %add3A_213 = arith.addi %add3A_165, %add3A_212 : i32
      %dma_wait3A_214 = arith.constant 0 : i32
      %dma_wait3A_215 = tpu.memref_slice %arg8[%add3A_213, %dma_wait3A_214] : memref<40x128xi32, #tpu.memory_space<vmem>> -> memref<1x128xi32, #tpu.memory_space<vmem>>
      %dma_wait3A_216 = tpu.memref_squeeze %dma_wait3A_215 : memref<1x128xi32, #tpu.memory_space<vmem>> -> memref<128xi32, #tpu.memory_space<vmem>>
      %dma_wait3A_217 = arith.constant 0 : i32
      %dma_wait3A_218 = arith.constant 0 : i32
      %dma_wait3A_219 = tpu.memref_slice %arg11[%dma_wait3A_217, %dma_wait3A_218] : memref<10240x128xf32, #tpu.memory_space<vmem_shared>> -> memref<10240x128xf32, #tpu.memory_space<vmem_shared>>
      tpu.wait_indirect_dma semaphore(%arg15 : memref<!tpu.dma_semaphore, #tpu.memory_space<semaphore_mem>>) src(%arg10 : memref<128x128xf32, #tpu.memory_space<vmem>>) dst(%dma_wait3A_219 : memref<10240x128xf32, #tpu.memory_space<vmem_shared>>)
    }
    %scan3A_97 = arith.constant 10 : i32
    %barrier3A_98 = arith.constant 0 : index
    tpu.barrier barrier_id(%barrier3A_98)
    "tpu.region"() ({
      %run_scoped3A = tpu.sem_alloc : memref<!tpu.dma_semaphore, #tpu.memory_space<semaphore_mem>>
      %dma_start3A_99 = arith.constant 0 : i32
      %dma_start3A_100 = tpu.memref_slice %arg6[%arg0, %mul3A_2, %dma_start3A_99] : memref<2x10240x128xf32, #tpu.memory_space<hbm>> -> memref<1x640x128xf32, #tpu.memory_space<hbm>>
      %dma_start3A_101 = tpu.memref_squeeze %dma_start3A_100 : memref<1x640x128xf32, #tpu.memory_space<hbm>> -> memref<640x128xf32, #tpu.memory_space<hbm>>
      %dma_start3A_102 = arith.constant 0 : i32
      %dma_start3A_103 = tpu.memref_slice %arg11[%mul3A_2, %dma_start3A_102] : memref<10240x128xf32, #tpu.memory_space<vmem_shared>> -> memref<640x128xf32, #tpu.memory_space<vmem_shared>>
      tpu.enqueue_dma source(%dma_start3A_103 : memref<640x128xf32, #tpu.memory_space<vmem_shared>>) target(%dma_start3A_101 : memref<640x128xf32, #tpu.memory_space<hbm>>) target_semaphore(%run_scoped3A : memref<!tpu.dma_semaphore, #tpu.memory_space<semaphore_mem>>)
      %dma_wait3A_104 = arith.constant 0 : i32
      %dma_wait3A_105 = tpu.memref_slice %arg6[%arg0, %mul3A_2, %dma_wait3A_104] : memref<2x10240x128xf32, #tpu.memory_space<hbm>> -> memref<1x640x128xf32, #tpu.memory_space<hbm>>
      %dma_wait3A_106 = tpu.memref_squeeze %dma_wait3A_105 : memref<1x640x128xf32, #tpu.memory_space<hbm>> -> memref<640x128xf32, #tpu.memory_space<hbm>>
      %dma_wait3A_107 = arith.constant 0 : i32
      %dma_wait3A_108 = tpu.memref_slice %arg11[%mul3A_2, %dma_wait3A_107] : memref<10240x128xf32, #tpu.memory_space<vmem_shared>> -> memref<640x128xf32, #tpu.memory_space<vmem_shared>>
      tpu.wait_dma2 semaphore(%run_scoped3A : memref<!tpu.dma_semaphore, #tpu.memory_space<semaphore_mem>>) src(%dma_wait3A_108 : memref<640x128xf32, #tpu.memory_space<vmem_shared>>) dst(%dma_wait3A_106 : memref<640x128xf32, #tpu.memory_space<hbm>>)
      tpu.yield
    }) : () -> ()
    return
  }
}

module attributes {stable_mosaic.version = 14 : i64} {
  func.func @body(%arg0: memref<10000x128xf32, #tpu.memory_space<vmem>>, %arg1: memref<128x128xf32, #tpu.memory_space<vmem>>, %arg2: memref<1x128xf32, #tpu.memory_space<vmem>>, %arg3: memref<10000x128xf32, #tpu.memory_space<vmem>>) attributes {dimension_semantics = [], scalar_prefetch = 0 : i64, scratch_operands = 0 : i64, tpu.core_type = #tpu.core_type<tc>} {
    %get3A = arith.constant 0 : index
    %get3A_0 = arith.constant 0 : index
    %get3A_1 = vector.load %arg0[%get3A, %get3A_0] : memref<10000x128xf32, #tpu.memory_space<vmem>>, vector<10000x128xf32>
    %get3A_2 = arith.constant 0 : index
    %get3A_3 = arith.constant 0 : index
    %get3A_4 = vector.load %arg1[%get3A_2, %get3A_3] : memref<128x128xf32, #tpu.memory_space<vmem>>, vector<128x128xf32>
    %dot_general3A = arith.constant dense<0.000000e+00> : vector<10000x128xf32>
    %dot_general3A_5 = tpu.matmul %get3A_1, %get3A_4, %dot_general3A {dimension_numbers = #tpu.dot_dimension_numbers<[1], [1], [0], [0], [0, 0, 1, 0], [], []>, transpose_lhs_hint = false} : vector<10000x128xf32>, vector<128x128xf32>, vector<10000x128xf32> -> vector<10000x128xf32>
    %get3A_6 = arith.constant 0 : index
    %get3A_7 = arith.constant 0 : index
    %get3A_8 = vector.load %arg2[%get3A_6, %get3A_7] : memref<1x128xf32, #tpu.memory_space<vmem>>, vector<1x128xf32>
    %add3A = vector.broadcast %get3A_8 : vector<1x128xf32> to vector<10000x128xf32>
    %add3A_9 = arith.addf %dot_general3A_5, %add3A : vector<10000x128xf32>
    %max3A = arith.constant 0.000000e+00 : f32
    %max3A_10 = vector.broadcast %max3A : f32 to vector<10000x128xf32>
    %max3A_11 = arith.maximumf %add3A_9, %max3A_10 : vector<10000x128xf32>
    %swap3A = arith.constant 0 : index
    %swap3A_12 = arith.constant 0 : index
    %swap3A_13 = vector.load %arg3[%swap3A, %swap3A_12] : memref<10000x128xf32, #tpu.memory_space<vmem>>, vector<10000x128xf32>
    tpu.vector_store %arg3[%swap3A, %swap3A_12], %max3A_11 {strides = array<i32>} : memref<10000x128xf32, #tpu.memory_space<vmem>>, vector<10000x128xf32>,
    return
  }
}

module attributes {stable_mosaic.version = 14 : i64} {
  func.func @body(%arg0: memref<10000x128xf32, #tpu.memory_space<vmem>>, %arg1: memref<128x128xf32, #tpu.memory_space<vmem>>, %arg2: memref<32x10240xf32, #tpu.memory_space<vmem>>, %arg3: memref<10000x128xf32, #tpu.memory_space<vmem>>, %arg4: memref<10000x128xf32, #tpu.memory_space<vmem>>, %arg5: memref<10000x1xf32, #tpu.memory_space<vmem>>) attributes {dimension_semantics = [], scalar_prefetch = 0 : i64, scratch_operands = 0 : i64, tpu.core_type = #tpu.core_type<tc>} {
    %get3A = arith.constant 0 : index
    %get3A_0 = arith.constant 0 : index
    %get3A_1 = vector.load %arg0[%get3A, %get3A_0] : memref<10000x128xf32, #tpu.memory_space<vmem>>, vector<10000x128xf32>
    %get3A_2 = arith.constant 0 : index
    %get3A_3 = arith.constant 0 : index
    %get3A_4 = vector.load %arg1[%get3A_2, %get3A_3] : memref<128x128xf32, #tpu.memory_space<vmem>>, vector<128x128xf32>
    %dot_general3A = arith.constant dense<0.000000e+00> : vector<10000x128xf32>
    %dot_general3A_5 = tpu.matmul %get3A_1, %get3A_4, %dot_general3A {dimension_numbers = #tpu.dot_dimension_numbers<[1], [1], [0], [0], [0, 0, 1, 0], [], []>, transpose_lhs_hint = false} : vector<10000x128xf32>, vector<128x128xf32>, vector<10000x128xf32> -> vector<10000x128xf32>
    %broadcast_in_dim3A = arith.constant 1.000000e+00 : f32
    %broadcast_in_dim3A_6 = vector.broadcast %broadcast_in_dim3A : f32 to vector<32x1xf32>
    %get3A_7 = arith.constant 0 : index
    %get3A_8 = arith.constant 0 : index
    %get3A_9 = vector.load %arg2[%get3A_7, %get3A_8] : memref<32x10240xf32, #tpu.memory_space<vmem>>, vector<32x10000xf32>
    %dot_general3A_10 = arith.constant dense<0.000000e+00> : vector<10000x1xf32>
    %dot_general3A_11 = tpu.matmul %get3A_9, %broadcast_in_dim3A_6, %dot_general3A_10 {dimension_numbers = #tpu.dot_dimension_numbers<[0], [0], [1], [1], [0, 1, 1, 1], [], []>, transpose_lhs_hint = false} : vector<32x10000xf32>, vector<32x1xf32>, vector<10000x1xf32> -> vector<10000x1xf32>
    %add3A = arith.constant 1.000000e+00 : f32
    %add3A_12 = vector.broadcast %add3A : f32 to vector<10000x1xf32>
    %add3A_13 = arith.addf %dot_general3A_11, %add3A_12 : vector<10000x1xf32>
    %rsqrt3A = math.rsqrt %add3A_13 : vector<10000x1xf32>
    %swap3A = arith.constant 0 : index
    %swap3A_14 = arith.constant 0 : index
    %swap3A_15 = vector.load %arg3[%swap3A, %swap3A_14] : memref<10000x128xf32, #tpu.memory_space<vmem>>, vector<10000x128xf32>
    tpu.vector_store %arg3[%swap3A, %swap3A_14], %dot_general3A_5 {strides = array<i32>} : memref<10000x128xf32, #tpu.memory_space<vmem>>, vector<10000x128xf32>,
    %mul3A = vector.broadcast %rsqrt3A : vector<10000x1xf32> to vector<10000x128xf32>
    %mul3A_16 = arith.mulf %dot_general3A_5, %mul3A : vector<10000x128xf32>
    %swap3A_17 = arith.constant 0 : index
    %swap3A_18 = arith.constant 0 : index
    %swap3A_19 = vector.load %arg4[%swap3A_17, %swap3A_18] : memref<10000x128xf32, #tpu.memory_space<vmem>>, vector<10000x128xf32>
    tpu.vector_store %arg4[%swap3A_17, %swap3A_18], %mul3A_16 {strides = array<i32>} : memref<10000x128xf32, #tpu.memory_space<vmem>>, vector<10000x128xf32>,
    %swap3A_20 = arith.constant 0 : index
    %swap3A_21 = arith.constant 0 : index
    %swap3A_22 = vector.load %arg5[%swap3A_20, %swap3A_21] : memref<10000x1xf32, #tpu.memory_space<vmem>>, vector<10000x1xf32>
    tpu.vector_store %arg5[%swap3A_20, %swap3A_21], %rsqrt3A {strides = array<i32>} : memref<10000x1xf32, #tpu.memory_space<vmem>>, vector<10000x1xf32>,
    return
  }
}

module attributes {stable_mosaic.version = 14 : i64} {
  func.func @body(%arg0: memref<2x10240x128xf32, #tpu.memory_space<vmem>>, %arg1: memref<10000x128xf32, #tpu.memory_space<vmem>>, %arg2: memref<10000x1xf32, #tpu.memory_space<vmem>>, %arg3: memref<1x128xf32, #tpu.memory_space<vmem>>, %arg4: memref<128x128xf32, #tpu.memory_space<vmem>>, %arg5: memref<10000x128xf32, #tpu.memory_space<vmem>>, %arg6: memref<10000x128xf32, #tpu.memory_space<vmem>>) attributes {dimension_semantics = [], scalar_prefetch = 0 : i64, scratch_operands = 0 : i64, tpu.core_type = #tpu.core_type<tc>} {
    %get3A = arith.constant 0 : index
    %get3A_0 = arith.constant 0 : index
    %get3A_1 = vector.load %arg2[%get3A, %get3A_0] : memref<10000x1xf32, #tpu.memory_space<vmem>>, vector<10000x1xf32>
    %get3A_2 = arith.constant 0 : index
    %get3A_3 = arith.constant 0 : index
    %get3A_4 = arith.constant 0 : index
    %get3A_5 = vector.load %arg0[%get3A_2, %get3A_3, %get3A_4] : memref<2x10240x128xf32, #tpu.memory_space<vmem>>, vector<1x10000x128xf32>
    %get3A_6 = vector.shape_cast %get3A_5 : vector<1x10000x128xf32> to vector<10000x128xf32>
    %get3A_7 = arith.constant 1 : index
    %get3A_8 = arith.constant 0 : index
    %get3A_9 = arith.constant 0 : index
    %get3A_10 = vector.load %arg0[%get3A_7, %get3A_8, %get3A_9] : memref<2x10240x128xf32, #tpu.memory_space<vmem>>, vector<1x10000x128xf32>
    %get3A_11 = vector.shape_cast %get3A_10 : vector<1x10000x128xf32> to vector<10000x128xf32>
    %add3A = arith.addf %get3A_6, %get3A_11 : vector<10000x128xf32>
    %mul3A = vector.broadcast %get3A_1 : vector<10000x1xf32> to vector<10000x128xf32>
    %mul3A_12 = arith.mulf %mul3A, %add3A : vector<10000x128xf32>
    %mul3A_13 = arith.mulf %get3A_1, %get3A_1 : vector<10000x1xf32>
    %get3A_14 = arith.constant 0 : index
    %get3A_15 = arith.constant 0 : index
    %get3A_16 = vector.load %arg1[%get3A_14, %get3A_15] : memref<10000x128xf32, #tpu.memory_space<vmem>>, vector<10000x128xf32>
    %mul3A_17 = vector.broadcast %mul3A_13 : vector<10000x1xf32> to vector<10000x128xf32>
    %mul3A_18 = arith.mulf %mul3A_17, %get3A_16 : vector<10000x128xf32>
    %add3A_19 = arith.addf %mul3A_12, %mul3A_18 : vector<10000x128xf32>
    %get3A_20 = arith.constant 0 : index
    %get3A_21 = arith.constant 0 : index
    %get3A_22 = vector.load %arg3[%get3A_20, %get3A_21] : memref<1x128xf32, #tpu.memory_space<vmem>>, vector<1x128xf32>
    %add3A_23 = vector.broadcast %get3A_22 : vector<1x128xf32> to vector<10000x128xf32>
    %add3A_24 = arith.addf %add3A_19, %add3A_23 : vector<10000x128xf32>
    %max3A = arith.constant 0.000000e+00 : f32
    %max3A_25 = vector.broadcast %max3A : f32 to vector<10000x128xf32>
    %max3A_26 = arith.maximumf %add3A_24, %max3A_25 : vector<10000x128xf32>
    %get3A_27 = arith.constant 0 : index
    %get3A_28 = arith.constant 0 : index
    %get3A_29 = vector.load %arg4[%get3A_27, %get3A_28] : memref<128x128xf32, #tpu.memory_space<vmem>>, vector<128x128xf32>
    %dot_general3A = arith.constant dense<0.000000e+00> : vector<10000x128xf32>
    %dot_general3A_30 = tpu.matmul %max3A_26, %get3A_29, %dot_general3A {dimension_numbers = #tpu.dot_dimension_numbers<[1], [1], [0], [0], [0, 0, 1, 0], [], []>, transpose_lhs_hint = false} : vector<10000x128xf32>, vector<128x128xf32>, vector<10000x128xf32> -> vector<10000x128xf32>
    %swap3A = arith.constant 0 : index
    %swap3A_31 = arith.constant 0 : index
    %swap3A_32 = vector.load %arg5[%swap3A, %swap3A_31] : memref<10000x128xf32, #tpu.memory_space<vmem>>, vector<10000x128xf32>
    tpu.vector_store %arg5[%swap3A, %swap3A_31], %dot_general3A_30 {strides = array<i32>} : memref<10000x128xf32, #tpu.memory_space<vmem>>, vector<10000x128xf32>,
    %mul3A_33 = vector.broadcast %get3A_1 : vector<10000x1xf32> to vector<10000x128xf32>
    %mul3A_34 = arith.mulf %dot_general3A_30, %mul3A_33 : vector<10000x128xf32>
    %swap3A_35 = arith.constant 0 : index
    %swap3A_36 = arith.constant 0 : index
    %swap3A_37 = vector.load %arg6[%swap3A_35, %swap3A_36] : memref<10000x128xf32, #tpu.memory_space<vmem>>, vector<10000x128xf32>
    tpu.vector_store %arg6[%swap3A_35, %swap3A_36], %mul3A_34 {strides = array<i32>} : memref<10000x128xf32, #tpu.memory_space<vmem>>, vector<10000x128xf32>,
    return
  }
}

module attributes {stable_mosaic.version = 14 : i64} {
  func.func @body(%arg0: memref<2x10240x128xf32, #tpu.memory_space<vmem>>, %arg1: memref<10000x128xf32, #tpu.memory_space<vmem>>, %arg2: memref<10000x1xf32, #tpu.memory_space<vmem>>, %arg3: memref<1x128xf32, #tpu.memory_space<vmem>>, %arg4: memref<10000x128xf32, #tpu.memory_space<vmem>>) attributes {dimension_semantics = [], scalar_prefetch = 0 : i64, scratch_operands = 0 : i64, tpu.core_type = #tpu.core_type<tc>} {
    %get3A = arith.constant 0 : index
    %get3A_0 = arith.constant 0 : index
    %get3A_1 = vector.load %arg2[%get3A, %get3A_0] : memref<10000x1xf32, #tpu.memory_space<vmem>>, vector<10000x1xf32>
    %get3A_2 = arith.constant 0 : index
    %get3A_3 = arith.constant 0 : index
    %get3A_4 = arith.constant 0 : index
    %get3A_5 = vector.load %arg0[%get3A_2, %get3A_3, %get3A_4] : memref<2x10240x128xf32, #tpu.memory_space<vmem>>, vector<1x10000x128xf32>
    %get3A_6 = vector.shape_cast %get3A_5 : vector<1x10000x128xf32> to vector<10000x128xf32>
    %get3A_7 = arith.constant 1 : index
    %get3A_8 = arith.constant 0 : index
    %get3A_9 = arith.constant 0 : index
    %get3A_10 = vector.load %arg0[%get3A_7, %get3A_8, %get3A_9] : memref<2x10240x128xf32, #tpu.memory_space<vmem>>, vector<1x10000x128xf32>
    %get3A_11 = vector.shape_cast %get3A_10 : vector<1x10000x128xf32> to vector<10000x128xf32>
    %add3A = arith.addf %get3A_6, %get3A_11 : vector<10000x128xf32>
    %mul3A = vector.broadcast %get3A_1 : vector<10000x1xf32> to vector<10000x128xf32>
    %mul3A_12 = arith.mulf %mul3A, %add3A : vector<10000x128xf32>
    %mul3A_13 = arith.mulf %get3A_1, %get3A_1 : vector<10000x1xf32>
    %get3A_14 = arith.constant 0 : index
    %get3A_15 = arith.constant 0 : index
    %get3A_16 = vector.load %arg1[%get3A_14, %get3A_15] : memref<10000x128xf32, #tpu.memory_space<vmem>>, vector<10000x128xf32>
    %mul3A_17 = vector.broadcast %mul3A_13 : vector<10000x1xf32> to vector<10000x128xf32>
    %mul3A_18 = arith.mulf %mul3A_17, %get3A_16 : vector<10000x128xf32>
    %add3A_19 = arith.addf %mul3A_12, %mul3A_18 : vector<10000x128xf32>
    %get3A_20 = arith.constant 0 : index
    %get3A_21 = arith.constant 0 : index
    %get3A_22 = vector.load %arg3[%get3A_20, %get3A_21] : memref<1x128xf32, #tpu.memory_space<vmem>>, vector<1x128xf32>
    %add3A_23 = vector.broadcast %get3A_22 : vector<1x128xf32> to vector<10000x128xf32>
    %add3A_24 = arith.addf %add3A_19, %add3A_23 : vector<10000x128xf32>
    %reduce_max3A = arith.constant dense<0xFF800000> : vector<10000xf32>
    %reduce_max3A_25 = vector.multi_reduction <maximumf>, %add3A_24, %reduce_max3A [1] : vector<10000x128xf32> to vector<10000xf32>
    %broadcast_in_dim3A = vector.shape_cast %reduce_max3A_25 : vector<10000xf32> to vector<10000x1xf32>
    %sub3A = vector.broadcast %broadcast_in_dim3A : vector<10000x1xf32> to vector<10000x128xf32>
    %sub3A_26 = arith.subf %add3A_24, %sub3A : vector<10000x128xf32>
    %exp3A = math.exp %sub3A_26 : vector<10000x128xf32>
    %reduce_sum3A = arith.constant dense<0.000000e+00> : vector<10000xf32>
    %reduce_sum3A_27 = vector.multi_reduction <add>, %exp3A, %reduce_sum3A [1] : vector<10000x128xf32> to vector<10000xf32>
    %broadcast_in_dim3A_28 = vector.shape_cast %reduce_sum3A_27 : vector<10000xf32> to vector<10000x1xf32>
    %log3A = math.log %broadcast_in_dim3A_28 : vector<10000x1xf32>
    %sub3A_29 = vector.broadcast %log3A : vector<10000x1xf32> to vector<10000x128xf32>
    %sub3A_30 = arith.subf %sub3A_26, %sub3A_29 : vector<10000x128xf32>
    %swap3A = arith.constant 0 : index
    %swap3A_31 = arith.constant 0 : index
    %swap3A_32 = vector.load %arg4[%swap3A, %swap3A_31] : memref<10000x128xf32, #tpu.memory_space<vmem>>, vector<10000x128xf32>
    tpu.vector_store %arg4[%swap3A, %swap3A_31], %sub3A_30 {strides = array<i32>} : memref<10000x128xf32, #tpu.memory_space<vmem>>, vector<10000x128xf32>,
    return
  }
}

</mosaic_0001>

<sc_bundles>
// kernel: kernel.12.cloned.1.call-start
scs
__scs_entry_jumppad:
0x0: {  	(pc) =	sbr.rel $0x88, $3  }
0x1: {  	(tag) =	ssettag $0x0;
	lr =	simm.s32 $0x1  }
0x2: {  	[smem:$0x3F99] =	sst lr;
	_ =	strace $0xD0000000  }
0x3: {  	_ = 	snop  }
0x4: {  	_ = 	snop  }
0x5: {  	_ = 	snop  }
0x6: {  	_ = 	snop  }
0x7: {  	_ = 	snop  }
__scs_overlays_trampoline_lowered:
0x8: {  	[smem:$0x3FA8] =	sst s0  }
0x9: {  	[smem:$0x3FA9] =	sst s1  }
0xa: {  	[smem:$0x3FAA] =	sst s2  }
0xb: {  	[smem:$0x3FAB] =	sst s3  }
0xc: {  	[smem:$0x3FAC] =	sst s4  }
0xd: {  	[smem:$0x3FAD] =	sst s5  }
0xe: {  	[smem:$0x3FAE] =	sst s6  }
0xf: {  	[smem:$0x3FAF] =	sst s7  }
0x10: {  	[smem:$0x3FB0] =	sst s8  }
0x11: {  	[smem:$0x3FB1] =	sst s9;
	s0 =	simm.s32 @!p0 $0x0  }
0x12: {  	s1 =	sld [smem:$0x3F97];
	s0 =	simm.s32 @p0 $0x1  }
0x13: {  	[smem:$0x3FB2] =	sst s0;
	s0 =	simm.s32 @!p1 $0x0  }
0x14: {  	s2 =	sld [smem:$0x3F96];
	s0 =	simm.s32 @p1 $0x1  }
0x15: {  	[smem:$0x3FB3] =	sst s0;
	s0 =	simm.s32 @!p2 $0x0  }
0x16: {  	s3 =	sld [smem:$0x3FDB];
	s0 =	simm.s32 @p2 $0x1  }
0x17: {  	s4 =	simm.s32 $0x1BF5;
	[smem:$0x3FB5] =	sst s0  }
0x18: {  	s0 =	sld [smem:$0x3F98];
	_ =	swait.ge [sflag:s4], $0x0  }
0x19: {  	s7 =	sld [smem:$0x3F99]  }
0x1a: {  	s8 =	sadd.s32 $0xFFFFE003, lr  }
0x1b: {  	s9 =	sadd.s32 $0xFFFFFEF7, lr;
	s5 =	simm.s32 $0xFFFFFFFF;
	p2 =	slt.u32 s8, $0xFFFFF086  }
0x1c: {  	p1 =	slt.u32 s9, $0xF7A;
	s5 =	simm.s32 @!p2 $0x0  }
0x1d: {  	s5 =	simm.s32 @p1 $0x1;
	p0 =	seq.s32 s7, s2  }
0x1e: {  	s7 =	smul.u32 @!p0 $0xF7A, s2;
	p2 =	seq.s32 @!p0 s5, $0x0  }
0x1f: {  	s9 =	smul.u32 $0xF7A, s1;
	s8 =	simm.s32 @!p0 $0x1BF5;
	p2 =	por !p2, p0  }
0x20: {  	[sflag:s8] =	ssyncset.s32 @!p0 $0xFFFFF086;
	s6 =	sadd.s32 @!p0 s3, s7;
	s7 =	simm.s32 @!p0 $0x108  }
0x21: {  	s3 =	sadd.s32 s3, s9;
	s6 =	sadd.s32 @!p0 $0x88, s6;
	s7 =	simm.s32 @p2 $0x1082  }
0x22: {  	[simem:s7], [sflag:s8] =	dma.local @!p0 [hbm:s6], $0xF7A  }
0x23: {  	s9 =	sor.u32 $0xD0000000, s2;
	s6 =	simm.s32 $0x108;
	_ =	swait.ge @!p0 [sflag:s8], $0x0  }
0x24: {  	s3 =	sadd.s32 $0x88, s3;
	s6 =	simm.s32 @!p1 $0x1082;
	[sflag:s4] =	ssyncset.s32 $0xFFFFF086  }
0x25: {  	[simem:s6], [sflag:s4] =	dma.local [hbm:s3], $0xF7A  }
0x26: {  	[smem:$0x3F99] =	sst s1;
	(tag) =	ssettag s2;
	_ =	strace s9  }
0x27: {  	s1 =	sld [smem:$0x3FA9]  }
0x28: {  	s2 =	sld [smem:$0x3FAA]  }
0x29: {  	s4 =	sld [smem:$0x3FAC]  }
0x2a: {  	p0 =	seq.s32 s5, $0x0;
	s5 =	sld [smem:$0x3FAD]  }
0x2b: {  	s6 =	sld [smem:$0x3FAE]  }
0x2c: {  	s7 =	sld [smem:$0x3FAF]  }
0x2d: {  	s3 =	simm.s32 $0x108;
	s8 =	sld [smem:$0x3FB0]  }
0x2e: {  	s3 =	simm.s32 @!p0 $0x1082;
	s9 =	sld [smem:$0x3FB1]  }
0x2f: {  	lr =	sadd.s32 s0, s3;
	s0 =	sld [smem:$0x3FA8]  }
0x30: {  	s3 =	sld [smem:$0x3FAB]  }
0x31: {  	[smem:$0x3FB4] =	sst s10  }
0x32: {  	s10 =	sld [smem:$0x3FB2];
	_ =	sdelay $0x3  }
0x33: {  	p0 =	seq.s32 s10, $0x1;
	s10 =	sld [smem:$0x3FB4];
	_ =	sdelay $0x3  }
0x34: {  	[smem:$0x3FB4] =	sst s10  }
0x35: {  	s10 =	sld [smem:$0x3FB3];
	_ =	sdelay $0x3  }
0x36: {  	p1 =	seq.s32 s10, $0x1;
	s10 =	sld [smem:$0x3FB4];
	_ =	sdelay $0x3  }
0x37: {  	[smem:$0x3FB4] =	sst s10  }
0x38: {  	s10 =	sld [smem:$0x3FB5]  }
0x39: {  	_ = 	snop;
	(pc) =	sbr.ind lr, $3  }
0x3a: {  	_ = 	snop  }
0x3b: {  	_ = 	snop  }
0x3c: {  	p2 =	seq.s32 s10, $0x1;
	s10 =	sld [smem:$0x3FB4]  }
0x3d: {  	_ =	shalt  }
0x3e: {  	_ =	shalt  }
0x3f: {  	_ =	shalt  }
0x40: {  	_ =	shalt  }
0x41: {  	_ =	shalt  }
0x42: {  	_ =	shalt  }
0x43: {  	_ =	shalt  }
0x44: {  	_ =	shalt  }
0x45: {  	_ =	shalt  }
0x46: {  	_ =	shalt  }
0x47: {  	_ =	shalt  }
0x48: {  	_ =	shalt  }
0x49: {  	_ =	shalt  }
0x4a: {  	_ =	shalt  }
0x4b: {  	_ =	shalt  }
0x4c: {  	_ =	shalt  }
0x4d: {  	_ =	shalt  }
0x4e: {  	_ =	shalt  }
0x4f: {  	_ =	shalt  }
0x50: {  	_ =	shalt  }
0x51: {  	_ =	shalt  }
0x52: {  	_ =	shalt  }
0x53: {  	_ =	shalt  }
0x54: {  	_ =	shalt  }
0x55: {  	_ =	shalt  }
0x56: {  	_ =	shalt  }
0x57: {  	_ =	shalt  }
0x58: {  	_ =	shalt  }
0x59: {  	_ =	shalt  }
0x5a: {  	_ =	shalt  }
0x5b: {  	_ =	shalt  }
0x5c: {  	_ =	shalt  }
0x5d: {  	_ =	shalt  }
0x5e: {  	_ =	shalt  }
0x5f: {  	_ =	shalt  }
0x60: {  	_ =	shalt  }
0x61: {  	_ =	shalt  }
0x62: {  	_ =	shalt  }
0x63: {  	_ =	shalt  }
0x64: {  	_ =	shalt  }
0x65: {  	_ =	shalt  }
0x66: {  	_ =	shalt  }
0x67: {  	_ =	shalt  }
0x68: {  	_ =	shalt  }
0x69: {  	_ =	shalt  }
0x6a: {  	_ =	shalt  }
0x6b: {  	_ =	shalt  }
0x6c: {  	_ =	shalt  }
0x6d: {  	_ =	shalt  }
0x6e: {  	_ =	shalt  }
0x6f: {  	_ =	shalt  }
0x70: {  	_ =	shalt  }
0x71: {  	_ =	shalt  }
0x72: {  	_ =	shalt  }
0x73: {  	_ =	shalt  }
0x74: {  	_ =	shalt  }
0x75: {  	_ =	shalt  }
0x76: {  	_ =	shalt  }
0x77: {  	_ =	shalt  }
0x78: {  	_ =	shalt  }
0x79: {  	_ =	shalt  }
0x7a: {  	_ =	shalt  }
0x7b: {  	_ =	shalt  }
0x7c: {  	_ =	shalt  }
0x7d: {  	_ =	shalt  }
0x7e: {  	_ =	shalt  }
0x7f: {  	_ =	shalt  }
0x80: {  	_ =	shalt  }
0x81: {  	_ =	shalt  }
0x82: {  	_ =	shalt  }
0x83: {  	_ =	shalt  }
0x84: {  	_ =	shalt  }
0x85: {  	_ =	shalt  }
0x86: {  	_ =	shalt  }
0x87: {  	_ =	shalt  }
.Lfunc_end0:
.L_simem_size_0:
called_computation.1_lowered:
.L_overlay_start_0:
0x88: {  	s2 =	sld [smem:$0x3FD9]  }
0x89: {  	s3 =	sld [smem:$0x3FFE];
	_ =	sdelay $0x1  }
0x8a: {  	s1 =	srdreg.scid  }
0x8b: {  	s0 =	sand.u32 $0x1, s1  }
0x8c: {  	s17 =	sshll.u32 s0, $0xA;
	s2 =	sadd.s32 s3, s2  }
0x8d: {  	s2 =	sadd.s32 s2, s17  }
0x8e: {  	[smem:$0x3FC0] =	sst s2  }
0x8f: {  	_ = 	snop  }
0x90: {  	s2 =	sld [smem:$0x3FD0];
	(tm) =	ssettm $0x1  }
0x91: {  	s18 =	sld [smem:$0x3FFB];
	_ =	sdelay $0x3  }
0x92: {  	_ =	strace s18  }
0x93: {  	s3 =	sld [smem:$0x3FFC];
	_ =	sdelay $0x3  }
0x94: {  	_ =	strace s3  }
0x95: {  	s3 =	sld [smem:$0x3FFD];
	_ =	sdelay $0x3  }
0x96: {  	_ =	strace s3  }
0x97: {  	_ =	strace $0x8FFFFFFF  }
0x98: {  	s19 =	sld [smem:$0x3FDB];
	_ =	sdelay $0x1  }
0x99: {  	s4 =	simm.s32 $_scs_section_size  }
0x9a: {  	s5 =	simm.s32 $_size__tile_overlayer_lowered;
	s6 =	simm.s32 $_tile_overlayer_lowered  }
0x9b: {  	s22 =	simm.s32 $0x1BFF;
	s21 =	sshll.u32 s6, $0x1;
	s3 =	sadd.s32 s4, s19  }
0x9c: {  	s7 =	simm.s32 $0x0;
	s20 =	sshll.u32 s5, $0x1;
	s5 =	sadd.s32 s21, s3  }
0x9d: {  	[timem:s7], [sflag:s22] =	dma.local [hbm:s5], s20  }
0x9e: {  	_ =	swait.ge [sflag:s22], s20  }
0x9f: {  	s4 =	ssub.s32 $0x0, s20;
	[sflag:s22] =	ssyncset.done $0x0  }
0xa0: {  	[sflag:s22] =	ssyncadd.s32 s4;
	_ =	sdelay $0x1  }
0xa1: {  	s23 =	simm.s32 $0x1B8B  }
0xa2: {  	_ =	swait.ge [sflag:s23], $0x1  }
0xa3: {  	[sflag:s23] =	ssyncset.done $0x0  }
0xa4: {  	s25 =	simm.s32 $0x1B8E;
	s24 =	sld [smem:$0x3FFE];
	[sflag:s23] =	ssyncadd.s32 $0xFFFFFFFF  }
0xa5: {  	s26 =	simm.s32 $execute0_lowered;
	[smem:$0x3FD2] =	sst s25  }
0xa6: {  	s5 =	sshll.u32 s26, $0x1;
	_ =	strace $0x80000049;
	[dreg:$0x1] =	wrdreg $0xFFFFFFFF  }
0xa7: {  	s28 =	simm.s32 $_size_execute0_lowered;
	s3 =	sadd.s32 s3, s5;
	[dreg:$0x0] =	wrdreg $0x0  }
0xa8: {  	s5 =	sshll.u32 s28, $0x1;
	[dreg:$0x2] =	wrdreg s3  }
0xa9: {  	[dreg:$0x3] =	wrdreg s5  }
0xaa: {  	[dreg:$0x4] =	wrdreg $0xC0  }
0xab: {  	_ =	task [dreg:s7], $0x5FFFF  }
0xac: {  	[dreg:$0x1] =	wrdreg $0xFFFFFFFF  }
0xad: {  	[dreg:$0x0] =	wrdreg $0x60  }
0xae: {  	[dreg:$0x2] =	wrdreg s2  }
0xaf: {  	[dreg:$0x3] =	wrdreg s24  }
0xb0: {  	[dreg:$0x4] =	wrdreg $0xA8000  }
0xb1: {  	[dreg:$0x5] =	wrdreg $0x9  }
0xb2: {  	_ =	task.clear_ibuf [dreg:s7], $0x6FFFF;
	_ =	strace $0x90000049  }
0xb3: {  	s29 =	simm.s32 $0x9;
	_ =	strace $0x8000004B  }
0xb4: {  	_ =	swait.ge [sflag:s29], $0x1  }
0xb5: {  	[sflag:s29] =	ssyncadd.s32 $0xFFFFFFFF  }
0xb6: {  	_ =	strace $0x9000004B  }
0xb7: {  	_ =	sfence  }
0xb8: {  	s30 =	sld [smem:$0x0];
	_ =	sdelay $0x2  }
0xb9: {  	s31 =	sshll.u32 s1, $0xD;
	s1 =	sshrl.u32 s1, $0x2  }
0xba: {  	s3 =	sand.u32 $0x4000, s31;
	s1 =	sadd.s32 s1, s30  }
0xbb: {  	s0 =	sor.u32 s3, s0;
	s1 =	sshll.u32 s1, $0x11  }
0xbc: {  	s0 =	sor.u32 s1, s0  }
0xbd: {  	s0 =	sadd.s32 $0x8F2B, s0  }
0xbe: {  	[sflag:s0] =	ssyncadd.remote.s32 $0x1  }
0xbf: {  	_ =	sfence.sel $0xFFFF  }
0xc0: {  	[dreg:$0x0] =	wrdreg $0xFFFFFFFF;
	(pc) =	sbr.abs _section_cstart, $3  }
0xc1: {  	[dreg:$0x1] =	wrdreg $0xFFFFFFFF  }
0xc2: {  	_ =	task.clear_ibuf [dreg:s7], $0x2FFFF;
	_ =	strace $0x9FFFFFFF  }
0xc3: {  	(tm) =	ssettm $0x7FFFFFFF  }
tec
execute0_lowered:
.L_overlay_start_1:
0x0: {  	(tag) =	ssettag $0x1  }
0x1: {  	s1 =	rddreg [dreg:$0x0]  }
0x2: {  	s0 =	rddreg [dreg:$0x1]  }
0x3: {  	s2 =	rddreg [dreg:$0x2];
	s3 =	srdreg.scid  }
0x4: {  	s4 =	simm.s32 $0x0;
	s9 =	stileid.u32;
	s17 =	simm.s32 $0x6800  }
0x5: {  	s18 =	simm.s32 $0x5;
	s28 =	simm.s32 $0x2600;
	s29 =	simm.s32 $0x2680  }
0x6: {  	s30 =	simm.s32 $0x1300;
	s31 =	simm.s32 $0x1380;
	s3 =	sand.u32 $0x1, s3  }
0x7: {  	[smem:$0x7FF] =	sst s4;
	s6 =	smul.u32 $0x14000, s9;
	s7 =	sadd.s32 $0xC800, s0  }
0x8: {  	s20 =	smul.u32 $0x50000, s9;
	s21 =	sadd.s32 $0x2800, s0;
	s10 =	sadd.s32 $0x16800, s0  }
0x9: {  	s5 =	smul.u32 $0x140000, s3;
	_ =	strace $0x8000004A;
	s8 =	sshll.u32 s3, $0x4  }
0xa: {  	[dreg:$0x4] =	wrdreg s10;
	s3 =	ssub.s32 $0x2, s3;
	s19 =	sor.u32 s9, s8  }
0xb: {  	s22 =	sshrl.u32 s3, $0x1;
	s8 =	sshrl.u32 s20, $0x2;
	s20 =	simm.s32 $0x1  }
0xc: {  	s5 =	sadd.s32 s6, s5;
	s6 =	smul.u32 $0x2800, s19;
	s3 =	ssub.s32 s3, s22  }
0xd: {  	s19 =	simm.s32 $0x1400;
	s22 =	simm.s32 $0x80;
	s5 =	sshrl.u32 s5, $0x3  }
0xe: {  	s12 =	smax.u32 s3, $0x1;
	s3 =	simm.s32 $0x2780;
	s23 =	sshrl.u32 s6, $0x3  }
0xf: {  	s0 =	sadd.s32 s5, s0;
	s6 =	sadd.s32 s8, s2;
	s24 =	sadd.s32 $0x280, s23  }
0x10: {  	s25 =	sadd.s32 s7, s23;
	s26 =	sadd.s32 s21, s23;
	s0 =	sadd.s32 $0x17000, s0  }
0x11: {  	s13 =	sadd.s32 $0x4000, s6;
	s14 =	sadd.s32 $0x8000, s6;
	s15 =	sadd.s32 $0xC000, s6  }
0x12: {  	s16 =	sadd.s32 $0x10000, s6;
	s23 =	simm.s32 $0x2800;
	[dreg:$0x5] =	wrdreg s25  }
0x13: {  	[dreg:$0x6] =	wrdreg s26;
	s7 =	sadd.s32 s7, s24;
	s5 =	sadd.s32 s21, s24  }
0x14: {  	[dreg:$0x9] =	wrdreg s0;
	s21 =	simm.s32 $0x2;
	s24 =	simm.s32 $0x3  }
0x15: {  	s25 =	simm.s32 $0x4;
	s26 =	simm.s32 $0x1280;
	[dreg:$0x7] =	wrdreg s7  }
0x16: {  	s0 =	simm.s32 $0x2700;
	[dreg:$0x8] =	wrdreg s5;
	s5 =	simm.s32 $0x0  }
.LBB2_1:
0x17: {  	s7 =	rddreg [dreg:$0x4]  }
0x18: {  	[tilespmem:s17], [sflag:$0x5] =	stream.linear.gather [hbm4b:s7+s4], $0x4000, $0x38;
	[tilespmem:$0x1E800] =	vst v63  }
0x19: {  	_ =	swait.ge [sflag:s18], $0x4000  }
0x1a: {  	[sflag:s18] =	ssyncset.done $0x0  }
0x1b: {  	[sflag:s18] =	ssyncadd.s32 $0xFFFFC000  }
0x1c: {  	[spmem:s6] =	stream.linear.scatter [tilespmem:s17], [sflag:$0x3], $0x4000, $0x38;
	[tilespmem:$0x1E800] =	vst v63  }
0x1d: {  	_ = 	snop  }
0x1e: {  	[spmem:s13] =	stream.linear.scatter [tilespmem:s17], [sflag:$0x3], $0x4000, $0x38;
	[tilespmem:$0x1E800] =	vst v63  }
0x1f: {  	_ = 	snop  }
0x20: {  	[spmem:s14] =	stream.linear.scatter [tilespmem:s17], [sflag:$0x3], $0x4000, $0x38;
	[tilespmem:$0x1E800] =	vst v63  }
0x21: {  	_ = 	snop  }
0x22: {  	[spmem:s15] =	stream.linear.scatter [tilespmem:s17], [sflag:$0x3], $0x4000, $0x38;
	[tilespmem:$0x1E800] =	vst v63  }
0x23: {  	_ = 	snop  }
0x24: {  	[spmem:s16] =	stream.linear.scatter [tilespmem:s17], [sflag:$0x3], $0x4000, $0x38;
	[tilespmem:$0x1E800] =	vst v63  }
0x25: {  	s10 =	rddreg [dreg:$0x5]  }
0x26: {  	[tilespmem:s4], [sflag:$0x1] =	stream.linear.gather [hbm4b:s10+s4], $0x1400, $0x38;
	[tilespmem:$0x1E800] =	vst v63  }
0x27: {  	s11 =	rddreg [dreg:$0x6]  }
0x28: {  	[tilespmem:s19], [sflag:$0x2] =	stream.linear.gather [hbm4b:s11+s4], $0x1400, $0x38;
	[tilespmem:$0x1E800] =	vst v63  }
0x29: {  	_ =	swait.ge [sflag:s20], $0x1400  }
0x2a: {  	[sflag:s20] =	ssyncset.done $0x0  }
0x2b: {  	[sflag:s20] =	ssyncadd.s32 $0xFFFFEC00  }
0x2c: {  	_ =	swait.ge [sflag:s21], $0x1400  }
0x2d: {  	[sflag:s21] =	ssyncset.done $0x0  }
0x2e: {  	[sflag:s21] =	ssyncadd.s32 $0xFFFFEC00  }
0x2f: {  	[tilespmem:s23], [sflag:$0x1] =	stream.indirect.gather [hbm4b:s1+s22], $0x80, s4, s22, $0xb8;
	[tilespmem:$0x1E800] =	vst v63  }
0x30: {  	_ =	swait.ge [sflag:s24], $0x4000  }
0x31: {  	[sflag:s24] =	ssyncset.done $0x0  }
0x32: {  	[sflag:s24] =	ssyncadd.s32 $0xFFFFC000  }
0x33: {  	_ =	swait.ge [sflag:s24], $0x4000  }
0x34: {  	[sflag:s24] =	ssyncset.done $0x0  }
0x35: {  	[sflag:s24] =	ssyncadd.s32 $0xFFFFC000  }
0x36: {  	_ =	swait.ge [sflag:s24], $0x4000  }
0x37: {  	[sflag:s24] =	ssyncset.done $0x0  }
0x38: {  	[sflag:s24] =	ssyncadd.s32 $0xFFFFC000  }
0x39: {  	_ =	swait.ge [sflag:s24], $0x4000  }
0x3a: {  	[sflag:s24] =	ssyncset.done $0x0  }
0x3b: {  	[sflag:s24] =	ssyncadd.s32 $0xFFFFC000  }
0x3c: {  	_ =	swait.ge [sflag:s24], $0x4000  }
0x3d: {  	[sflag:s24] =	ssyncset.done $0x0  }
0x3e: {  	[sflag:s24] =	ssyncadd.s32 $0xFFFFC000  }
0x3f: {  	s8 =	simm.s32 $0x80;
	[bflag:$0x0] =	sbarrier.arrive $0xFFFF  }
0x40: {  	[tilespmem:s17], [sflag:$0x2] =	stream.indirect.gather [hbm4b:s1+s22], $0x80, s8, s22, $0xb8;
	[tilespmem:$0x1E800] =	vst v63  }
0x41: {  	_ =	swait.ge [sflag:s20], $0x4000  }
0x42: {  	[sflag:s20] =	ssyncset.done $0x0  }
0x43: {  	s9 =	simm.s32 $0x1400;
	[sflag:s20] =	ssyncadd.s32 $0xFFFFC000  }
0x44: {  	[spmem:s2] =	stream.indirect.scatter.add.f32 [tilespmem:s23], [sflag:$0x3], $0x80, s9, s22, $0xb8;
	[tilespmem:$0x1E800] =	vst v63  }
0x45: {  	_ =	swait.ge [sflag:s21], $0x4000  }
0x46: {  	[sflag:s21] =	ssyncset.done $0x0  }
0x47: {  	s10 =	simm.s32 $0x1480;
	[sflag:s21] =	ssyncadd.s32 $0xFFFFC000  }
0x48: {  	[spmem:s2] =	stream.indirect.scatter.add.f32 [tilespmem:s17], [sflag:$0x4], $0x80, s10, s22, $0xb8;
	[tilespmem:$0x1E800] =	vst v63  }
0x49: {  	_ =	swait.ge [sflag:s24], $0x4000  }
0x4a: {  	[sflag:s24] =	ssyncset.done $0x0  }
0x4b: {  	s11 =	simm.s32 $0x100;
	[sflag:s24] =	ssyncadd.s32 $0xFFFFC000  }
0x4c: {  	[tilespmem:s23], [sflag:$0x1] =	stream.indirect.gather [hbm4b:s1+s22], $0x80, s11, s22, $0xb8;
	[tilespmem:$0x1E800] =	vst v63  }
0x4d: {  	_ =	swait.ge [sflag:s25], $0x4000  }
0x4e: {  	[sflag:s25] =	ssyncset.done $0x0  }
0x4f: {  	s8 =	simm.s32 $0x180;
	[sflag:s25] =	ssyncadd.s32 $0xFFFFC000  }
0x50: {  	[tilespmem:s17], [sflag:$0x2] =	stream.indirect.gather [hbm4b:s1+s22], $0x80, s8, s22, $0xb8;
	[tilespmem:$0x1E800] =	vst v63  }
0x51: {  	_ =	swait.ge [sflag:s20], $0x4000  }
0x52: {  	[sflag:s20] =	ssyncset.done $0x0  }
0x53: {  	s9 =	simm.s32 $0x1500;
	[sflag:s20] =	ssyncadd.s32 $0xFFFFC000  }
0x54: {  	[spmem:s2] =	stream.indirect.scatter.add.f32 [tilespmem:s23], [sflag:$0x3], $0x80, s9, s22, $0xb8;
	[tilespmem:$0x1E800] =	vst v63  }
0x55: {  	_ =	swait.ge [sflag:s21], $0x4000  }
0x56: {  	[sflag:s21] =	ssyncset.done $0x0  }
0x57: {  	s10 =	simm.s32 $0x1580;
	[sflag:s21] =	ssyncadd.s32 $0xFFFFC000  }
0x58: {  	[spmem:s2] =	stream.indirect.scatter.add.f32 [tilespmem:s17], [sflag:$0x4], $0x80, s10, s22, $0xb8;
	[tilespmem:$0x1E800] =	vst v63  }
0x59: {  	_ =	swait.ge [sflag:s24], $0x4000  }
0x5a: {  	[sflag:s24] =	ssyncset.done $0x0  }
0x5b: {  	s11 =	simm.s32 $0x200;
	[sflag:s24] =	ssyncadd.s32 $0xFFFFC000  }
0x5c: {  	[tilespmem:s23], [sflag:$0x1] =	stream.indirect.gather [hbm4b:s1+s22], $0x80, s11, s22, $0xb8;
	[tilespmem:$0x1E800] =	vst v63  }
0x5d: {  	_ =	swait.ge [sflag:s25], $0x4000  }
0x5e: {  	s7 =	simm.s32 $0x200;
	s8 =	simm.s32 $0x1000;
	[sflag:s25] =	ssyncset.done $0x0  }
.LBB2_2:
0x5f: {  	s11 =	sadd.s32 $0x80, s7  }
0x60: {  	[sflag:s25] =	ssyncadd.s32 $0xFFFFC000;
	s9 =	smov.u32 s8;
	s10 =	sadd.s32 $0x800, s8  }
0x61: {  	[tilespmem:s17], [sflag:$0x2] =	stream.indirect.gather [hbm4b:s1+s22], $0x80, s11, s22, $0xb8;
	[tilespmem:$0x1E800] =	vst v63  }
0x62: {  	p0 =	sne.s32 s8, $0x4000;
	_ =	swait.ge [sflag:s20], $0x4000  }
0x63: {  	[sflag:s20] =	ssyncset.done $0x0  }
0x64: {  	s8 =	sadd.s32 $0x1400, s7;
	[sflag:s20] =	ssyncadd.s32 $0xFFFFC000  }
0x65: {  	[spmem:s2] =	stream.indirect.scatter.add.f32 [tilespmem:s23], [sflag:$0x3], $0x80, s8, s22, $0xb8;
	[tilespmem:$0x1E800] =	vst v63  }
0x66: {  	_ =	swait.ge [sflag:s21], $0x4000  }
0x67: {  	[sflag:s21] =	ssyncset.done $0x0  }
0x68: {  	s8 =	sadd.s32 $0x1480, s7;
	[sflag:s21] =	ssyncadd.s32 $0xFFFFC000  }
0x69: {  	[spmem:s2] =	stream.indirect.scatter.add.f32 [tilespmem:s17], [sflag:$0x4], $0x80, s8, s22, $0xb8;
	[tilespmem:$0x1E800] =	vst v63  }
0x6a: {  	_ =	swait.ge [sflag:s24], $0x4000  }
0x6b: {  	[sflag:s24] =	ssyncset.done $0x0  }
0x6c: {  	s8 =	sadd.s32 $0x100, s7;
	[sflag:s24] =	ssyncadd.s32 $0xFFFFC000  }
0x6d: {  	[tilespmem:s23], [sflag:$0x1] =	stream.indirect.gather [hbm4b:s1+s22], $0x80, s8, s22, $0xb8;
	[tilespmem:$0x1E800] =	vst v63  }
0x6e: {  	_ =	swait.ge [sflag:s25], $0x4000  }
0x6f: {  	[sflag:s25] =	ssyncset.done $0x0  }
0x70: {  	s8 =	sadd.s32 $0x180, s7;
	[sflag:s25] =	ssyncadd.s32 $0xFFFFC000  }
0x71: {  	[tilespmem:s17], [sflag:$0x2] =	stream.indirect.gather [hbm4b:s1+s22], $0x80, s8, s22, $0xb8;
	[tilespmem:$0x1E800] =	vst v63  }
0x72: {  	_ =	swait.ge [sflag:s20], $0x4000  }
0x73: {  	[sflag:s20] =	ssyncset.done $0x0  }
0x74: {  	s8 =	sadd.s32 $0x1500, s7;
	[sflag:s20] =	ssyncadd.s32 $0xFFFFC000  }
0x75: {  	[spmem:s2] =	stream.indirect.scatter.add.f32 [tilespmem:s23], [sflag:$0x3], $0x80, s8, s22, $0xb8;
	[tilespmem:$0x1E800] =	vst v63  }
0x76: {  	_ =	swait.ge [sflag:s21], $0x4000  }
0x77: {  	[sflag:s21] =	ssyncset.done $0x0  }
0x78: {  	s8 =	sadd.s32 $0x1580, s7;
	[sflag:s21] =	ssyncadd.s32 $0xFFFFC000  }
0x79: {  	[spmem:s2] =	stream.indirect.scatter.add.f32 [tilespmem:s17], [sflag:$0x4], $0x80, s8, s22, $0xb8;
	[tilespmem:$0x1E800] =	vst v63  }
0x7a: {  	_ =	swait.ge [sflag:s24], $0x4000  }
.Ltmp0:
0x7b: {  	[sflag:s24] =	ssyncset.done $0x0;
	(pc) =	sbr.rel @p0 .LBB2_2-.Ltmp0, $4  }
0x7c: {  	s7 =	sadd.s32 $0x200, s7;
	[sflag:s24] =	ssyncadd.s32 $0xFFFFC000  }
0x7d: {  	[tilespmem:s23], [sflag:$0x1] =	stream.indirect.gather [hbm4b:s1+s22], $0x80, s7, s22, $0xb8;
	[tilespmem:$0x1E800] =	vst v63  }
0x7e: {  	_ =	swait.ge [sflag:s25], $0x4000  }
0x7f: {  	s8 =	smov.u32 s10;
	s7 =	sshra.s32 s9, $0x2;
	[sflag:s25] =	ssyncset.done $0x0  }
0x80: {  	s8 =	sadd.s32 $0x80, s7;
	[sflag:s25] =	ssyncadd.s32 $0xFFFFC000  }
0x81: {  	[tilespmem:s17], [sflag:$0x2] =	stream.indirect.gather [hbm4b:s1+s22], $0x80, s8, s22, $0xb8;
	[tilespmem:$0x1E800] =	vst v63  }
0x82: {  	_ =	swait.ge [sflag:s20], $0x4000  }
0x83: {  	[sflag:s20] =	ssyncset.done $0x0  }
0x84: {  	s9 =	sadd.s32 $0x1400, s7;
	[sflag:s20] =	ssyncadd.s32 $0xFFFFC000  }
0x85: {  	[spmem:s2] =	stream.indirect.scatter.add.f32 [tilespmem:s23], [sflag:$0x3], $0x80, s9, s22, $0xb8;
	[tilespmem:$0x1E800] =	vst v63  }
0x86: {  	_ =	swait.ge [sflag:s21], $0x4000  }
0x87: {  	[sflag:s21] =	ssyncset.done $0x0  }
0x88: {  	s10 =	sadd.s32 $0x1480, s7;
	[sflag:s21] =	ssyncadd.s32 $0xFFFFC000  }
0x89: {  	[spmem:s2] =	stream.indirect.scatter.add.f32 [tilespmem:s17], [sflag:$0x4], $0x80, s10, s22, $0xb8;
	[tilespmem:$0x1E800] =	vst v63  }
0x8a: {  	_ =	swait.ge [sflag:s24], $0x4000  }
0x8b: {  	[sflag:s24] =	ssyncset.done $0x0  }
0x8c: {  	s11 =	sadd.s32 $0x100, s7;
	[sflag:s24] =	ssyncadd.s32 $0xFFFFC000  }
0x8d: {  	[tilespmem:s23], [sflag:$0x1] =	stream.indirect.gather [hbm4b:s1+s22], $0x80, s11, s22, $0xb8;
	[tilespmem:$0x1E800] =	vst v63  }
0x8e: {  	_ =	swait.ge [sflag:s25], $0x4000  }
0x8f: {  	[sflag:s25] =	ssyncset.done $0x0  }
0x90: {  	s9 =	sadd.s32 $0x180, s7;
	[sflag:s25] =	ssyncadd.s32 $0xFFFFC000  }
0x91: {  	[tilespmem:s17], [sflag:$0x2] =	stream.indirect.gather [hbm4b:s1+s22], $0x80, s9, s22, $0xb8;
	[tilespmem:$0x1E800] =	vst v63  }
0x92: {  	_ =	swait.ge [sflag:s20], $0x4000  }
0x93: {  	[sflag:s20] =	ssyncset.done $0x0  }
0x94: {  	s10 =	sadd.s32 $0x1500, s7;
	[sflag:s20] =	ssyncadd.s32 $0xFFFFC000  }
0x95: {  	[spmem:s2] =	stream.indirect.scatter.add.f32 [tilespmem:s23], [sflag:$0x3], $0x80, s10, s22, $0xb8;
	[tilespmem:$0x1E800] =	vst v63  }
0x96: {  	_ =	swait.ge [sflag:s21], $0x4000  }
0x97: {  	[sflag:s21] =	ssyncset.done $0x0  }
0x98: {  	s11 =	sadd.s32 $0x1580, s7;
	[sflag:s21] =	ssyncadd.s32 $0xFFFFC000  }
0x99: {  	[spmem:s2] =	stream.indirect.scatter.add.f32 [tilespmem:s17], [sflag:$0x4], $0x80, s11, s22, $0xb8;
	[tilespmem:$0x1E800] =	vst v63  }
0x9a: {  	_ =	swait.ge [sflag:s24], $0x4000  }
0x9b: {  	[sflag:s24] =	ssyncset.done $0x0  }
0x9c: {  	s8 =	sadd.s32 $0x200, s7;
	[sflag:s24] =	ssyncadd.s32 $0xFFFFC000  }
0x9d: {  	[tilespmem:s23], [sflag:$0x1] =	stream.indirect.gather [hbm4b:s1+s22], $0x80, s8, s22, $0xb8;
	[tilespmem:$0x1E800] =	vst v63  }
0x9e: {  	_ =	swait.ge [sflag:s25], $0x4000  }
0x9f: {  	[sflag:s25] =	ssyncset.done $0x0  }
0xa0: {  	[sflag:s25] =	ssyncadd.s32 $0xFFFFC000  }
0xa1: {  	[tilespmem:s17], [sflag:$0x2] =	stream.indirect.gather [hbm4b:s1+s22], $0x80, s26, s22, $0xb8;
	[tilespmem:$0x1E800] =	vst v63  }
0xa2: {  	_ =	swait.ge [sflag:s20], $0x4000  }
0xa3: {  	[sflag:s20] =	ssyncset.done $0x0  }
0xa4: {  	[sflag:s20] =	ssyncadd.s32 $0xFFFFC000  }
0xa5: {  	[spmem:s2] =	stream.indirect.scatter.add.f32 [tilespmem:s23], [sflag:$0x3], $0x80, s28, s22, $0xb8;
	[tilespmem:$0x1E800] =	vst v63  }
0xa6: {  	_ =	swait.ge [sflag:s21], $0x4000  }
0xa7: {  	[sflag:s21] =	ssyncset.done $0x0  }
0xa8: {  	[sflag:s21] =	ssyncadd.s32 $0xFFFFC000  }
0xa9: {  	[spmem:s2] =	stream.indirect.scatter.add.f32 [tilespmem:s17], [sflag:$0x4], $0x80, s29, s22, $0xb8;
	[tilespmem:$0x1E800] =	vst v63  }
0xaa: {  	_ =	swait.ge [sflag:s24], $0x4000  }
0xab: {  	[sflag:s24] =	ssyncset.done $0x0  }
0xac: {  	[sflag:s24] =	ssyncadd.s32 $0xFFFFC000  }
0xad: {  	[tilespmem:s23], [sflag:$0x1] =	stream.indirect.gather [hbm4b:s1+s22], $0x80, s30, s22, $0xb8;
	[tilespmem:$0x1E800] =	vst v63  }
0xae: {  	_ =	swait.ge [sflag:s25], $0x4000  }
0xaf: {  	[sflag:s25] =	ssyncset.done $0x0  }
0xb0: {  	[sflag:s25] =	ssyncadd.s32 $0xFFFFC000  }
0xb1: {  	[tilespmem:s17], [sflag:$0x2] =	stream.indirect.gather [hbm4b:s1+s22], $0x80, s31, s22, $0xb8;
	[tilespmem:$0x1E800] =	vst v63  }
0xb2: {  	_ =	swait.ge [sflag:s20], $0x4000  }
0xb3: {  	[sflag:s20] =	ssyncset.done $0x0  }
0xb4: {  	[sflag:s20] =	ssyncadd.s32 $0xFFFFC000  }
0xb5: {  	[spmem:s2] =	stream.indirect.scatter.add.f32 [tilespmem:s23], [sflag:$0x3], $0x80, s0, s22, $0xb8;
	[tilespmem:$0x1E800] =	vst v63  }
0xb6: {  	_ =	swait.ge [sflag:s21], $0x4000  }
0xb7: {  	[sflag:s21] =	ssyncset.done $0x0  }
0xb8: {  	[sflag:s21] =	ssyncadd.s32 $0xFFFFC000  }
0xb9: {  	[spmem:s2] =	stream.indirect.scatter.add.f32 [tilespmem:s17], [sflag:$0x4], $0x80, s3, s22, $0xb8;
	[tilespmem:$0x1E800] =	vst v63  }
0xba: {  	_ =	swait.ge [sflag:s24], $0x4000  }
0xbb: {  	[sflag:s24] =	ssyncset.done $0x0  }
0xbc: {  	[sflag:s24] =	ssyncadd.s32 $0xFFFFC000  }
0xbd: {  	_ =	swait.ge [sflag:s25], $0x4000  }
0xbe: {  	[sflag:s25] =	ssyncset.done $0x0  }
0xbf: {  	s9 =	simm.s32 $0x0;
	s10 =	rddreg [dreg:$0x7];
	[sflag:s25] =	ssyncadd.s32 $0xFFFFC000  }
0xc0: {  	[tilespmem:s9], [sflag:$0x1] =	stream.linear.gather [hbm4b:s10+s9], $0x1400, $0x38;
	[tilespmem:$0x1E800] =	vst v63  }
0xc1: {  	s11 =	rddreg [dreg:$0x8]  }
0xc2: {  	[tilespmem:s19], [sflag:$0x2] =	stream.linear.gather [hbm4b:s11+s9], $0x1400, $0x38;
	[tilespmem:$0x1E800] =	vst v63  }
0xc3: {  	_ =	swait.ge [sflag:s20], $0x1400  }
0xc4: {  	[sflag:s20] =	ssyncset.done $0x0  }
0xc5: {  	[sflag:s20] =	ssyncadd.s32 $0xFFFFEC00  }
0xc6: {  	_ =	swait.ge [sflag:s21], $0x1400  }
0xc7: {  	[sflag:s21] =	ssyncset.done $0x0  }
0xc8: {  	[sflag:s21] =	ssyncadd.s32 $0xFFFFEC00  }
0xc9: {  	[tilespmem:s23], [sflag:$0x1] =	stream.indirect.gather [hbm4b:s1+s22], $0x80, s9, s22, $0xb8;
	[tilespmem:$0x1E800] =	vst v63  }
0xca: {  	s8 =	simm.s32 $0x80  }
0xcb: {  	[tilespmem:s17], [sflag:$0x2] =	stream.indirect.gather [hbm4b:s1+s22], $0x80, s8, s22, $0xb8;
	[tilespmem:$0x1E800] =	vst v63  }
0xcc: {  	_ =	swait.ge [sflag:s20], $0x4000  }
0xcd: {  	[sflag:s20] =	ssyncset.done $0x0  }
0xce: {  	s9 =	simm.s32 $0x1400;
	[sflag:s20] =	ssyncadd.s32 $0xFFFFC000  }
0xcf: {  	[spmem:s2] =	stream.indirect.scatter.add.f32 [tilespmem:s23], [sflag:$0x3], $0x80, s9, s22, $0xb8;
	[tilespmem:$0x1E800] =	vst v63  }
0xd0: {  	_ =	swait.ge [sflag:s21], $0x4000  }
0xd1: {  	[sflag:s21] =	ssyncset.done $0x0  }
0xd2: {  	s10 =	simm.s32 $0x1480;
	[sflag:s21] =	ssyncadd.s32 $0xFFFFC000  }
0xd3: {  	[spmem:s2] =	stream.indirect.scatter.add.f32 [tilespmem:s17], [sflag:$0x4], $0x80, s10, s22, $0xb8;
	[tilespmem:$0x1E800] =	vst v63  }
0xd4: {  	_ =	swait.ge [sflag:s24], $0x4000  }
0xd5: {  	[sflag:s24] =	ssyncset.done $0x0  }
0xd6: {  	s11 =	simm.s32 $0x100;
	[sflag:s24] =	ssyncadd.s32 $0xFFFFC000  }
0xd7: {  	[tilespmem:s23], [sflag:$0x1] =	stream.indirect.gather [hbm4b:s1+s22], $0x80, s11, s22, $0xb8;
	[tilespmem:$0x1E800] =	vst v63  }
0xd8: {  	_ =	swait.ge [sflag:s25], $0x4000  }
0xd9: {  	[sflag:s25] =	ssyncset.done $0x0  }
0xda: {  	s8 =	simm.s32 $0x180;
	[sflag:s25] =	ssyncadd.s32 $0xFFFFC000  }
0xdb: {  	[tilespmem:s17], [sflag:$0x2] =	stream.indirect.gather [hbm4b:s1+s22], $0x80, s8, s22, $0xb8;
	[tilespmem:$0x1E800] =	vst v63  }
0xdc: {  	_ =	swait.ge [sflag:s20], $0x4000  }
0xdd: {  	[sflag:s20] =	ssyncset.done $0x0  }
0xde: {  	s9 =	simm.s32 $0x1500;
	[sflag:s20] =	ssyncadd.s32 $0xFFFFC000  }
0xdf: {  	[spmem:s2] =	stream.indirect.scatter.add.f32 [tilespmem:s23], [sflag:$0x3], $0x80, s9, s22, $0xb8;
	[tilespmem:$0x1E800] =	vst v63  }
0xe0: {  	_ =	swait.ge [sflag:s21], $0x4000  }
0xe1: {  	[sflag:s21] =	ssyncset.done $0x0  }
0xe2: {  	s10 =	simm.s32 $0x1580;
	[sflag:s21] =	ssyncadd.s32 $0xFFFFC000  }
0xe3: {  	[spmem:s2] =	stream.indirect.scatter.add.f32 [tilespmem:s17], [sflag:$0x4], $0x80, s10, s22, $0xb8;
	[tilespmem:$0x1E800] =	vst v63  }
0xe4: {  	_ =	swait.ge [sflag:s24], $0x4000  }
0xe5: {  	[sflag:s24] =	ssyncset.done $0x0  }
0xe6: {  	s11 =	simm.s32 $0x200;
	[sflag:s24] =	ssyncadd.s32 $0xFFFFC000  }
0xe7: {  	[tilespmem:s23], [sflag:$0x1] =	stream.indirect.gather [hbm4b:s1+s22], $0x80, s11, s22, $0xb8;
	[tilespmem:$0x1E800] =	vst v63  }
0xe8: {  	_ =	swait.ge [sflag:s25], $0x4000  }
0xe9: {  	s7 =	simm.s32 $0x200;
	s10 =	simm.s32 $0x1000;
	[sflag:s25] =	ssyncset.done $0x0  }
.LBB2_4:
0xea: {  	s11 =	sadd.s32 $0x80, s7  }
0xeb: {  	[sflag:s25] =	ssyncadd.s32 $0xFFFFC000;
	s9 =	smov.u32 s10;
	s8 =	sadd.s32 $0x800, s10  }
0xec: {  	[tilespmem:s17], [sflag:$0x2] =	stream.indirect.gather [hbm4b:s1+s22], $0x80, s11, s22, $0xb8;
	[tilespmem:$0x1E800] =	vst v63  }
0xed: {  	p0 =	sne.s32 s10, $0x4000;
	_ =	swait.ge [sflag:s20], $0x4000  }
0xee: {  	[sflag:s20] =	ssyncset.done $0x0  }
0xef: {  	s10 =	sadd.s32 $0x1400, s7;
	[sflag:s20] =	ssyncadd.s32 $0xFFFFC000  }
0xf0: {  	[spmem:s2] =	stream.indirect.scatter.add.f32 [tilespmem:s23], [sflag:$0x3], $0x80, s10, s22, $0xb8;
	[tilespmem:$0x1E800] =	vst v63  }
0xf1: {  	_ =	swait.ge [sflag:s21], $0x4000  }
0xf2: {  	[sflag:s21] =	ssyncset.done $0x0  }
0xf3: {  	s10 =	sadd.s32 $0x1480, s7;
	[sflag:s21] =	ssyncadd.s32 $0xFFFFC000  }
0xf4: {  	[spmem:s2] =	stream.indirect.scatter.add.f32 [tilespmem:s17], [sflag:$0x4], $0x80, s10, s22, $0xb8;
	[tilespmem:$0x1E800] =	vst v63  }
0xf5: {  	_ =	swait.ge [sflag:s24], $0x4000  }
0xf6: {  	[sflag:s24] =	ssyncset.done $0x0  }
0xf7: {  	s10 =	sadd.s32 $0x100, s7;
	[sflag:s24] =	ssyncadd.s32 $0xFFFFC000  }
0xf8: {  	[tilespmem:s23], [sflag:$0x1] =	stream.indirect.gather [hbm4b:s1+s22], $0x80, s10, s22, $0xb8;
	[tilespmem:$0x1E800] =	vst v63  }
0xf9: {  	_ =	swait.ge [sflag:s25], $0x4000  }
0xfa: {  	[sflag:s25] =	ssyncset.done $0x0  }
0xfb: {  	s10 =	sadd.s32 $0x180, s7;
	[sflag:s25] =	ssyncadd.s32 $0xFFFFC000  }
0xfc: {  	[tilespmem:s17], [sflag:$0x2] =	stream.indirect.gather [hbm4b:s1+s22], $0x80, s10, s22, $0xb8;
	[tilespmem:$0x1E800] =	vst v63  }
0xfd: {  	_ =	swait.ge [sflag:s20], $0x4000  }
0xfe: {  	[sflag:s20] =	ssyncset.done $0x0  }
0xff: {  	s10 =	sadd.s32 $0x1500, s7;
	[sflag:s20] =	ssyncadd.s32 $0xFFFFC000  }
0x100: {  	[spmem:s2] =	stream.indirect.scatter.add.f32 [tilespmem:s23], [sflag:$0x3], $0x80, s10, s22, $0xb8;
	[tilespmem:$0x1E800] =	vst v63  }
0x101: {  	_ =	swait.ge [sflag:s21], $0x4000  }
0x102: {  	[sflag:s21] =	ssyncset.done $0x0  }
0x103: {  	s10 =	sadd.s32 $0x1580, s7;
	[sflag:s21] =	ssyncadd.s32 $0xFFFFC000  }
0x104: {  	[spmem:s2] =	stream.indirect.scatter.add.f32 [tilespmem:s17], [sflag:$0x4], $0x80, s10, s22, $0xb8;
	[tilespmem:$0x1E800] =	vst v63  }
0x105: {  	_ =	swait.ge [sflag:s24], $0x4000  }
.Ltmp1:
0x106: {  	[sflag:s24] =	ssyncset.done $0x0;
	(pc) =	sbr.rel @p0 .LBB2_4-.Ltmp1, $4  }
0x107: {  	s7 =	sadd.s32 $0x200, s7;
	[sflag:s24] =	ssyncadd.s32 $0xFFFFC000  }
0x108: {  	[tilespmem:s23], [sflag:$0x1] =	stream.indirect.gather [hbm4b:s1+s22], $0x80, s7, s22, $0xb8;
	[tilespmem:$0x1E800] =	vst v63  }
0x109: {  	_ =	swait.ge [sflag:s25], $0x4000  }
0x10a: {  	s10 =	smov.u32 s8;
	s7 =	sshra.s32 s9, $0x2;
	[sflag:s25] =	ssyncset.done $0x0  }
0x10b: {  	s8 =	sadd.s32 $0x80, s7;
	[sflag:s25] =	ssyncadd.s32 $0xFFFFC000  }
0x10c: {  	[tilespmem:s17], [sflag:$0x2] =	stream.indirect.gather [hbm4b:s1+s22], $0x80, s8, s22, $0xb8;
	[tilespmem:$0x1E800] =	vst v63  }
0x10d: {  	_ =	swait.ge [sflag:s20], $0x4000  }
0x10e: {  	[sflag:s20] =	ssyncset.done $0x0  }
0x10f: {  	s9 =	sadd.s32 $0x1400, s7;
	[sflag:s20] =	ssyncadd.s32 $0xFFFFC000  }
0x110: {  	[spmem:s2] =	stream.indirect.scatter.add.f32 [tilespmem:s23], [sflag:$0x3], $0x80, s9, s22, $0xb8;
	[tilespmem:$0x1E800] =	vst v63  }
0x111: {  	_ =	swait.ge [sflag:s21], $0x4000  }
0x112: {  	[sflag:s21] =	ssyncset.done $0x0  }
0x113: {  	s10 =	sadd.s32 $0x1480, s7;
	[sflag:s21] =	ssyncadd.s32 $0xFFFFC000  }
0x114: {  	[spmem:s2] =	stream.indirect.scatter.add.f32 [tilespmem:s17], [sflag:$0x4], $0x80, s10, s22, $0xb8;
	[tilespmem:$0x1E800] =	vst v63  }
0x115: {  	_ =	swait.ge [sflag:s24], $0x4000  }
0x116: {  	[sflag:s24] =	ssyncset.done $0x0  }
0x117: {  	s11 =	sadd.s32 $0x100, s7;
	[sflag:s24] =	ssyncadd.s32 $0xFFFFC000  }
0x118: {  	[tilespmem:s23], [sflag:$0x1] =	stream.indirect.gather [hbm4b:s1+s22], $0x80, s11, s22, $0xb8;
	[tilespmem:$0x1E800] =	vst v63  }
0x119: {  	_ =	swait.ge [sflag:s25], $0x4000  }
0x11a: {  	[sflag:s25] =	ssyncset.done $0x0  }
0x11b: {  	s9 =	sadd.s32 $0x180, s7;
	[sflag:s25] =	ssyncadd.s32 $0xFFFFC000  }
0x11c: {  	[tilespmem:s17], [sflag:$0x2] =	stream.indirect.gather [hbm4b:s1+s22], $0x80, s9, s22, $0xb8;
	[tilespmem:$0x1E800] =	vst v63  }
0x11d: {  	_ =	swait.ge [sflag:s20], $0x4000  }
0x11e: {  	[sflag:s20] =	ssyncset.done $0x0  }
0x11f: {  	s10 =	sadd.s32 $0x1500, s7;
	[sflag:s20] =	ssyncadd.s32 $0xFFFFC000  }
0x120: {  	[spmem:s2] =	stream.indirect.scatter.add.f32 [tilespmem:s23], [sflag:$0x3], $0x80, s10, s22, $0xb8;
	[tilespmem:$0x1E800] =	vst v63  }
0x121: {  	_ =	swait.ge [sflag:s21], $0x4000  }
0x122: {  	[sflag:s21] =	ssyncset.done $0x0  }
0x123: {  	s11 =	sadd.s32 $0x1580, s7;
	[sflag:s21] =	ssyncadd.s32 $0xFFFFC000  }
0x124: {  	[spmem:s2] =	stream.indirect.scatter.add.f32 [tilespmem:s17], [sflag:$0x4], $0x80, s11, s22, $0xb8;
	[tilespmem:$0x1E800] =	vst v63  }
0x125: {  	_ =	swait.ge [sflag:s24], $0x4000  }
0x126: {  	[sflag:s24] =	ssyncset.done $0x0  }
0x127: {  	s9 =	sadd.s32 $0x200, s7;
	[sflag:s24] =	ssyncadd.s32 $0xFFFFC000  }
0x128: {  	[tilespmem:s23], [sflag:$0x1] =	stream.indirect.gather [hbm4b:s1+s22], $0x80, s9, s22, $0xb8;
	[tilespmem:$0x1E800] =	vst v63  }
0x129: {  	_ =	swait.ge [sflag:s25], $0x4000  }
0x12a: {  	[sflag:s25] =	ssyncset.done $0x0  }
0x12b: {  	[sflag:s25] =	ssyncadd.s32 $0xFFFFC000  }
0x12c: {  	[tilespmem:s17], [sflag:$0x2] =	stream.indirect.gather [hbm4b:s1+s22], $0x80, s26, s22, $0xb8;
	[tilespmem:$0x1E800] =	vst v63  }
0x12d: {  	_ =	swait.ge [sflag:s20], $0x4000  }
0x12e: {  	[sflag:s20] =	ssyncset.done $0x0  }
0x12f: {  	[sflag:s20] =	ssyncadd.s32 $0xFFFFC000  }
0x130: {  	[spmem:s2] =	stream.indirect.scatter.add.f32 [tilespmem:s23], [sflag:$0x3], $0x80, s28, s22, $0xb8;
	[tilespmem:$0x1E800] =	vst v63  }
0x131: {  	_ =	swait.ge [sflag:s21], $0x4000  }
0x132: {  	[sflag:s21] =	ssyncset.done $0x0  }
0x133: {  	[sflag:s21] =	ssyncadd.s32 $0xFFFFC000  }
0x134: {  	[spmem:s2] =	stream.indirect.scatter.add.f32 [tilespmem:s17], [sflag:$0x4], $0x80, s29, s22, $0xb8;
	[tilespmem:$0x1E800] =	vst v63  }
0x135: {  	_ =	swait.ge [sflag:s24], $0x4000  }
0x136: {  	[sflag:s24] =	ssyncset.done $0x0  }
0x137: {  	[sflag:s24] =	ssyncadd.s32 $0xFFFFC000  }
0x138: {  	[tilespmem:s23], [sflag:$0x1] =	stream.indirect.gather [hbm4b:s1+s22], $0x80, s30, s22, $0xb8;
	[tilespmem:$0x1E800] =	vst v63  }
0x139: {  	_ =	swait.ge [sflag:s25], $0x4000  }
0x13a: {  	[sflag:s25] =	ssyncset.done $0x0  }
0x13b: {  	[sflag:s25] =	ssyncadd.s32 $0xFFFFC000  }
0x13c: {  	[tilespmem:s17], [sflag:$0x2] =	stream.indirect.gather [hbm4b:s1+s22], $0x80, s31, s22, $0xb8;
	[tilespmem:$0x1E800] =	vst v63  }
0x13d: {  	_ =	swait.ge [sflag:s20], $0x4000  }
0x13e: {  	[sflag:s20] =	ssyncset.done $0x0  }
0x13f: {  	[sflag:s20] =	ssyncadd.s32 $0xFFFFC000  }
0x140: {  	[spmem:s2] =	stream.indirect.scatter.add.f32 [tilespmem:s23], [sflag:$0x3], $0x80, s0, s22, $0xb8;
	[tilespmem:$0x1E800] =	vst v63  }
0x141: {  	_ =	swait.ge [sflag:s21], $0x4000  }
0x142: {  	[sflag:s21] =	ssyncset.done $0x0  }
0x143: {  	[sflag:s21] =	ssyncadd.s32 $0xFFFFC000  }
0x144: {  	[spmem:s2] =	stream.indirect.scatter.add.f32 [tilespmem:s17], [sflag:$0x4], $0x80, s3, s22, $0xb8;
	[tilespmem:$0x1E800] =	vst v63  }
0x145: {  	_ =	swait.ge [sflag:s24], $0x4000  }
0x146: {  	[sflag:s24] =	ssyncset.done $0x0  }
0x147: {  	[sflag:s24] =	ssyncadd.s32 $0xFFFFC000  }
0x148: {  	_ =	swait.ge [sflag:s25], $0x4000  }
0x149: {  	s10 =	stileid.u32;
	[sflag:s25] =	ssyncset.done $0x0  }
0x14a: {  	s5 =	sadd.s32 $0x1, s5;
	s7 =	sshll.u32 s10, $0x6;
	[sflag:s25] =	ssyncadd.s32 $0xFFFFC000  }
0x14b: {  	p0 =	sne.s32 s5, s12;
	s7 =	sor.u32 $0x1C05, s7;
	[bflag:$0x0] =	sbarrier.arrive $0xFFFF  }
.Ltmp2:
0x14c: {  	s11 =	sshrl.u32 s6, $0x3;
	s9 =	rddreg [dreg:$0x9];
	(pc) =	sbr.rel @p0 .LBB2_1-.Ltmp2, $4  }
0x14d: {  	[hbm:s9], [sflag:s7] =	dma.local [spmem:s11], $0x2800  }
0x14e: {  	_ =	swait.ge [sflag:s18], $0x2800  }
0x14f: {  	[sflag:s18] =	ssyncset.done $0x0  }
0x150: {  	[sflag:s18] =	ssyncadd.s32 $0xFFFFD800  }
0x151: {  	_ =	sfence.sel $0x180000  }
0x152: {  	[bflag:$0x0] =	sbarrier.arrive $0xFFFF  }
0x153: {  	_ =	strace $0x9000004A  }
0x154: {  	s0 =	stileid.u32;
	[bflag:$0x2] =	sbarrier.arrive $0xFFFF  }
0x155: {  	p0 =	sne.s32 s0, $0x0;
	s0 =	rddreg [dreg:$0x3]  }
0x156: {  	s0 =	sadd.s32 @!p0 $0x100000, s0  }
0x157: {  	[sflag:s0] =	ssyncadd.tile.s32 @!p0 $0x1;
	_ =	shalt  }
.Lfunc_end2:
_tile_overlayer_lowered:
.L_overlay_start_2:
0x158: {  	(tag) =	ssettag $0x2  }
0x159: {  	s0 =	rddreg [dreg:$0x0];
	s2 =	stileid.u32  }
0x15a: {  	s1 =	rddreg [dreg:$0x1];
	p0 =	sne.s32 s2, $0x0  }
0x15b: {  	s3 =	rddreg [dreg:$0x2];
	[bflag:$0x3] =	sbarrier.arrive $0xFFFF;
	s2 =	simm.s32 @!p0 $0x1C05  }
0x15c: {  	[timem:s3], [sflag:s2] =	dma.local @!p0 [hbm:s0], s1  }
0x15d: {  	s0 =	simm.s32 @!p0 $0x5  }
0x15e: {  	_ =	swait.ge @!p0 [sflag:s0], s1  }
0x15f: {  	s1 =	ssub.s32 @!p0 $0x0, s1;
	[sflag:s0] =	ssyncset.done @!p0 $0x0  }
0x160: {  	[sflag:s0] =	ssyncadd.s32 @!p0 s1  }
0x161: {  	[bflag:$0x3] =	sbarrier.arrive $0xFFFF  }
0x162: {  	_ =	shalt  }

// kernel: kernel.15.cloned.1.call-start
scs
__scs_entry_jumppad:
0x0: {  	(pc) =	sbr.rel $0x88, $3  }
0x1: {  	(tag) =	ssettag $0x0;
	lr =	simm.s32 $0x1  }
0x2: {  	[smem:$0x3F99] =	sst lr;
	_ =	strace $0xD0000000  }
0x3: {  	_ = 	snop  }
0x4: {  	_ = 	snop  }
0x5: {  	_ = 	snop  }
0x6: {  	_ = 	snop  }
0x7: {  	_ = 	snop  }
__scs_overlays_trampoline_lowered:
0x8: {  	[smem:$0x3FA8] =	sst s0  }
0x9: {  	[smem:$0x3FA9] =	sst s1  }
0xa: {  	[smem:$0x3FAA] =	sst s2  }
0xb: {  	[smem:$0x3FAB] =	sst s3  }
0xc: {  	[smem:$0x3FAC] =	sst s4  }
0xd: {  	[smem:$0x3FAD] =	sst s5  }
0xe: {  	[smem:$0x3FAE] =	sst s6  }
0xf: {  	[smem:$0x3FAF] =	sst s7  }
0x10: {  	[smem:$0x3FB0] =	sst s8  }
0x11: {  	[smem:$0x3FB1] =	sst s9;
	s0 =	simm.s32 @!p0 $0x0  }
0x12: {  	s1 =	sld [smem:$0x3F97];
	s0 =	simm.s32 @p0 $0x1  }
0x13: {  	[smem:$0x3FB2] =	sst s0;
	s0 =	simm.s32 @!p1 $0x0  }
0x14: {  	s2 =	sld [smem:$0x3F96];
	s0 =	simm.s32 @p1 $0x1  }
0x15: {  	[smem:$0x3FB3] =	sst s0;
	s0 =	simm.s32 @!p2 $0x0  }
0x16: {  	s3 =	sld [smem:$0x3FDB];
	s0 =	simm.s32 @p2 $0x1  }
0x17: {  	s4 =	simm.s32 $0x1BF5;
	[smem:$0x3FB5] =	sst s0  }
0x18: {  	s0 =	sld [smem:$0x3F98];
	_ =	swait.ge [sflag:s4], $0x0  }
0x19: {  	s7 =	sld [smem:$0x3F99]  }
0x1a: {  	s8 =	sadd.s32 $0xFFFFE003, lr  }
0x1b: {  	s9 =	sadd.s32 $0xFFFFFEF7, lr;
	s5 =	simm.s32 $0xFFFFFFFF;
	p2 =	slt.u32 s8, $0xFFFFF086  }
0x1c: {  	p1 =	slt.u32 s9, $0xF7A;
	s5 =	simm.s32 @!p2 $0x0  }
0x1d: {  	s5 =	simm.s32 @p1 $0x1;
	p0 =	seq.s32 s7, s2  }
0x1e: {  	s7 =	smul.u32 @!p0 $0xF7A, s2;
	p2 =	seq.s32 @!p0 s5, $0x0  }
0x1f: {  	s9 =	smul.u32 $0xF7A, s1;
	s8 =	simm.s32 @!p0 $0x1BF5;
	p2 =	por !p2, p0  }
0x20: {  	[sflag:s8] =	ssyncset.s32 @!p0 $0xFFFFF086;
	s6 =	sadd.s32 @!p0 s3, s7;
	s7 =	simm.s32 @!p0 $0x108  }
0x21: {  	s3 =	sadd.s32 s3, s9;
	s6 =	sadd.s32 @!p0 $0x88, s6;
	s7 =	simm.s32 @p2 $0x1082  }
0x22: {  	[simem:s7], [sflag:s8] =	dma.local @!p0 [hbm:s6], $0xF7A  }
0x23: {  	s9 =	sor.u32 $0xD0000000, s2;
	s6 =	simm.s32 $0x108;
	_ =	swait.ge @!p0 [sflag:s8], $0x0  }
0x24: {  	s3 =	sadd.s32 $0x88, s3;
	s6 =	simm.s32 @!p1 $0x1082;
	[sflag:s4] =	ssyncset.s32 $0xFFFFF086  }
0x25: {  	[simem:s6], [sflag:s4] =	dma.local [hbm:s3], $0xF7A  }
0x26: {  	[smem:$0x3F99] =	sst s1;
	(tag) =	ssettag s2;
	_ =	strace s9  }
0x27: {  	s1 =	sld [smem:$0x3FA9]  }
0x28: {  	s2 =	sld [smem:$0x3FAA]  }
0x29: {  	s4 =	sld [smem:$0x3FAC]  }
0x2a: {  	p0 =	seq.s32 s5, $0x0;
	s5 =	sld [smem:$0x3FAD]  }
0x2b: {  	s6 =	sld [smem:$0x3FAE]  }
0x2c: {  	s7 =	sld [smem:$0x3FAF]  }
0x2d: {  	s3 =	simm.s32 $0x108;
	s8 =	sld [smem:$0x3FB0]  }
0x2e: {  	s3 =	simm.s32 @!p0 $0x1082;
	s9 =	sld [smem:$0x3FB1]  }
0x2f: {  	lr =	sadd.s32 s0, s3;
	s0 =	sld [smem:$0x3FA8]  }
0x30: {  	s3 =	sld [smem:$0x3FAB]  }
0x31: {  	[smem:$0x3FB4] =	sst s10  }
0x32: {  	s10 =	sld [smem:$0x3FB2];
	_ =	sdelay $0x3  }
0x33: {  	p0 =	seq.s32 s10, $0x1;
	s10 =	sld [smem:$0x3FB4];
	_ =	sdelay $0x3  }
0x34: {  	[smem:$0x3FB4] =	sst s10  }
0x35: {  	s10 =	sld [smem:$0x3FB3];
	_ =	sdelay $0x3  }
0x36: {  	p1 =	seq.s32 s10, $0x1;
	s10 =	sld [smem:$0x3FB4];
	_ =	sdelay $0x3  }
0x37: {  	[smem:$0x3FB4] =	sst s10  }
0x38: {  	s10 =	sld [smem:$0x3FB5]  }
0x39: {  	_ = 	snop;
	(pc) =	sbr.ind lr, $3  }
0x3a: {  	_ = 	snop  }
0x3b: {  	_ = 	snop  }
0x3c: {  	p2 =	seq.s32 s10, $0x1;
	s10 =	sld [smem:$0x3FB4]  }
0x3d: {  	_ =	shalt  }
0x3e: {  	_ =	shalt  }
0x3f: {  	_ =	shalt  }
0x40: {  	_ =	shalt  }
0x41: {  	_ =	shalt  }
0x42: {  	_ =	shalt  }
0x43: {  	_ =	shalt  }
0x44: {  	_ =	shalt  }
0x45: {  	_ =	shalt  }
0x46: {  	_ =	shalt  }
0x47: {  	_ =	shalt  }
0x48: {  	_ =	shalt  }
0x49: {  	_ =	shalt  }
0x4a: {  	_ =	shalt  }
0x4b: {  	_ =	shalt  }
0x4c: {  	_ =	shalt  }
0x4d: {  	_ =	shalt  }
0x4e: {  	_ =	shalt  }
0x4f: {  	_ =	shalt  }
0x50: {  	_ =	shalt  }
0x51: {  	_ =	shalt  }
0x52: {  	_ =	shalt  }
0x53: {  	_ =	shalt  }
0x54: {  	_ =	shalt  }
0x55: {  	_ =	shalt  }
0x56: {  	_ =	shalt  }
0x57: {  	_ =	shalt  }
0x58: {  	_ =	shalt  }
0x59: {  	_ =	shalt  }
0x5a: {  	_ =	shalt  }
0x5b: {  	_ =	shalt  }
0x5c: {  	_ =	shalt  }
0x5d: {  	_ =	shalt  }
0x5e: {  	_ =	shalt  }
0x5f: {  	_ =	shalt  }
0x60: {  	_ =	shalt  }
0x61: {  	_ =	shalt  }
0x62: {  	_ =	shalt  }
0x63: {  	_ =	shalt  }
0x64: {  	_ =	shalt  }
0x65: {  	_ =	shalt  }
0x66: {  	_ =	shalt  }
0x67: {  	_ =	shalt  }
0x68: {  	_ =	shalt  }
0x69: {  	_ =	shalt  }
0x6a: {  	_ =	shalt  }
0x6b: {  	_ =	shalt  }
0x6c: {  	_ =	shalt  }
0x6d: {  	_ =	shalt  }
0x6e: {  	_ =	shalt  }
0x6f: {  	_ =	shalt  }
0x70: {  	_ =	shalt  }
0x71: {  	_ =	shalt  }
0x72: {  	_ =	shalt  }
0x73: {  	_ =	shalt  }
0x74: {  	_ =	shalt  }
0x75: {  	_ =	shalt  }
0x76: {  	_ =	shalt  }
0x77: {  	_ =	shalt  }
0x78: {  	_ =	shalt  }
0x79: {  	_ =	shalt  }
0x7a: {  	_ =	shalt  }
0x7b: {  	_ =	shalt  }
0x7c: {  	_ =	shalt  }
0x7d: {  	_ =	shalt  }
0x7e: {  	_ =	shalt  }
0x7f: {  	_ =	shalt  }
0x80: {  	_ =	shalt  }
0x81: {  	_ =	shalt  }
0x82: {  	_ =	shalt  }
0x83: {  	_ =	shalt  }
0x84: {  	_ =	shalt  }
0x85: {  	_ =	shalt  }
0x86: {  	_ =	shalt  }
0x87: {  	_ =	shalt  }
.Lfunc_end0:
.L_simem_size_0:
called_computation.2_lowered:
.L_overlay_start_0:
0x88: {  	s2 =	sld [smem:$0x3FD9]  }
0x89: {  	s3 =	sld [smem:$0x3FFE];
	_ =	sdelay $0x1  }
0x8a: {  	s1 =	srdreg.scid  }
0x8b: {  	s0 =	sand.u32 $0x1, s1  }
0x8c: {  	s17 =	sshll.u32 s0, $0xA;
	s2 =	sadd.s32 s3, s2  }
0x8d: {  	s2 =	sadd.s32 s2, s17  }
0x8e: {  	[smem:$0x3FC0] =	sst s2  }
0x8f: {  	_ = 	snop  }
0x90: {  	s2 =	sld [smem:$0x3FD0];
	(tm) =	ssettm $0x1  }
0x91: {  	s18 =	sld [smem:$0x3FFB];
	_ =	sdelay $0x3  }
0x92: {  	_ =	strace s18  }
0x93: {  	s3 =	sld [smem:$0x3FFC];
	_ =	sdelay $0x3  }
0x94: {  	_ =	strace s3  }
0x95: {  	s3 =	sld [smem:$0x3FFD];
	_ =	sdelay $0x3  }
0x96: {  	_ =	strace s3  }
0x97: {  	_ =	strace $0x8FFFFFFF  }
0x98: {  	s19 =	sld [smem:$0x3FDB];
	_ =	sdelay $0x1  }
0x99: {  	s4 =	simm.s32 $_scs_section_size  }
0x9a: {  	s5 =	simm.s32 $_size__tile_overlayer_lowered;
	s6 =	simm.s32 $_tile_overlayer_lowered  }
0x9b: {  	s22 =	simm.s32 $0x1BFF;
	s21 =	sshll.u32 s6, $0x1;
	s3 =	sadd.s32 s4, s19  }
0x9c: {  	s7 =	simm.s32 $0x0;
	s20 =	sshll.u32 s5, $0x1;
	s5 =	sadd.s32 s21, s3  }
0x9d: {  	[timem:s7], [sflag:s22] =	dma.local [hbm:s5], s20  }
0x9e: {  	_ =	swait.ge [sflag:s22], s20  }
0x9f: {  	s4 =	ssub.s32 $0x0, s20;
	[sflag:s22] =	ssyncset.done $0x0  }
0xa0: {  	[sflag:s22] =	ssyncadd.s32 s4;
	_ =	sdelay $0x1  }
0xa1: {  	s23 =	simm.s32 $0x1B8B  }
0xa2: {  	_ =	swait.ge [sflag:s23], $0x1  }
0xa3: {  	[sflag:s23] =	ssyncset.done $0x0  }
0xa4: {  	s25 =	simm.s32 $0x1B8E;
	s24 =	sld [smem:$0x3FFE];
	[sflag:s23] =	ssyncadd.s32 $0xFFFFFFFF  }
0xa5: {  	s26 =	simm.s32 $execute0_lowered;
	[smem:$0x3FD2] =	sst s25  }
0xa6: {  	s5 =	sshll.u32 s26, $0x1;
	_ =	strace $0x8000004C;
	[dreg:$0x1] =	wrdreg $0xFFFFFFFF  }
0xa7: {  	s28 =	simm.s32 $_size_execute0_lowered;
	s3 =	sadd.s32 s3, s5;
	[dreg:$0x0] =	wrdreg $0x0  }
0xa8: {  	s5 =	sshll.u32 s28, $0x1;
	[dreg:$0x2] =	wrdreg s3  }
0xa9: {  	[dreg:$0x3] =	wrdreg s5  }
0xaa: {  	[dreg:$0x4] =	wrdreg $0xC0  }
0xab: {  	_ =	task [dreg:s7], $0x5FFFF  }
0xac: {  	[dreg:$0x1] =	wrdreg $0xFFFFFFFF  }
0xad: {  	[dreg:$0x0] =	wrdreg $0x60  }
0xae: {  	[dreg:$0x2] =	wrdreg s2  }
0xaf: {  	[dreg:$0x3] =	wrdreg s24  }
0xb0: {  	[dreg:$0x4] =	wrdreg $0xA8000  }
0xb1: {  	[dreg:$0x5] =	wrdreg $0x9  }
0xb2: {  	_ =	task.clear_ibuf [dreg:s7], $0x6FFFF;
	_ =	strace $0x9000004C  }
0xb3: {  	s29 =	simm.s32 $0x9;
	_ =	strace $0x8000004E  }
0xb4: {  	_ =	swait.ge [sflag:s29], $0x1  }
0xb5: {  	[sflag:s29] =	ssyncadd.s32 $0xFFFFFFFF  }
0xb6: {  	_ =	strace $0x9000004E  }
0xb7: {  	_ =	sfence  }
0xb8: {  	s30 =	sld [smem:$0x0];
	_ =	sdelay $0x2  }
0xb9: {  	s31 =	sshll.u32 s1, $0xD;
	s1 =	sshrl.u32 s1, $0x2  }
0xba: {  	s3 =	sand.u32 $0x4000, s31;
	s1 =	sadd.s32 s1, s30  }
0xbb: {  	s0 =	sor.u32 s3, s0;
	s1 =	sshll.u32 s1, $0x11  }
0xbc: {  	s0 =	sor.u32 s1, s0  }
0xbd: {  	s0 =	sadd.s32 $0x8F2B, s0  }
0xbe: {  	[sflag:s0] =	ssyncadd.remote.s32 $0x1  }
0xbf: {  	_ =	sfence.sel $0xFFFF  }
0xc0: {  	[dreg:$0x0] =	wrdreg $0xFFFFFFFF;
	(pc) =	sbr.abs _section_cstart, $3  }
0xc1: {  	[dreg:$0x1] =	wrdreg $0xFFFFFFFF  }
0xc2: {  	_ =	task.clear_ibuf [dreg:s7], $0x2FFFF;
	_ =	strace $0x9FFFFFFF  }
0xc3: {  	(tm) =	ssettm $0x7FFFFFFF  }
tec
execute0_lowered:
.L_overlay_start_1:
0x0: {  	(tag) =	ssettag $0x1  }
0x1: {  	s1 =	rddreg [dreg:$0x0]  }
0x2: {  	s0 =	rddreg [dreg:$0x1]  }
0x3: {  	s2 =	rddreg [dreg:$0x2];
	s3 =	srdreg.scid  }
0x4: {  	s4 =	simm.s32 $0x0;
	s9 =	stileid.u32;
	s17 =	simm.s32 $0x6800  }
0x5: {  	s18 =	simm.s32 $0x5;
	s28 =	simm.s32 $0x2600;
	s29 =	simm.s32 $0x2680  }
0x6: {  	s30 =	simm.s32 $0x1300;
	s31 =	simm.s32 $0x1380;
	s3 =	sand.u32 $0x1, s3  }
0x7: {  	[smem:$0x7FF] =	sst s4;
	s6 =	smul.u32 $0x14000, s9;
	s7 =	sadd.s32 $0xC800, s0  }
0x8: {  	s20 =	smul.u32 $0x50000, s9;
	s21 =	sadd.s32 $0x2800, s0;
	s10 =	sadd.s32 $0x16800, s0  }
0x9: {  	s5 =	smul.u32 $0x140000, s3;
	_ =	strace $0x8000004D;
	s8 =	sshll.u32 s3, $0x4  }
0xa: {  	[dreg:$0x4] =	wrdreg s10;
	s3 =	ssub.s32 $0x2, s3;
	s19 =	sor.u32 s9, s8  }
0xb: {  	s22 =	sshrl.u32 s3, $0x1;
	s8 =	sshrl.u32 s20, $0x2;
	s20 =	simm.s32 $0x1  }
0xc: {  	s5 =	sadd.s32 s6, s5;
	s6 =	smul.u32 $0x2800, s19;
	s3 =	ssub.s32 s3, s22  }
0xd: {  	s19 =	simm.s32 $0x1400;
	s22 =	simm.s32 $0x80;
	s5 =	sshrl.u32 s5, $0x3  }
0xe: {  	s12 =	smax.u32 s3, $0x1;
	s3 =	simm.s32 $0x2780;
	s23 =	sshrl.u32 s6, $0x3  }
0xf: {  	s0 =	sadd.s32 s5, s0;
	s6 =	sadd.s32 s8, s2;
	s24 =	sadd.s32 $0x280, s23  }
0x10: {  	s25 =	sadd.s32 s7, s23;
	s26 =	sadd.s32 s21, s23;
	s0 =	sadd.s32 $0x17000, s0  }
0x11: {  	s13 =	sadd.s32 $0x4000, s6;
	s14 =	sadd.s32 $0x8000, s6;
	s15 =	sadd.s32 $0xC000, s6  }
0x12: {  	s16 =	sadd.s32 $0x10000, s6;
	s23 =	simm.s32 $0x2800;
	[dreg:$0x5] =	wrdreg s25  }
0x13: {  	[dreg:$0x6] =	wrdreg s26;
	s7 =	sadd.s32 s7, s24;
	s5 =	sadd.s32 s21, s24  }
0x14: {  	[dreg:$0x9] =	wrdreg s0;
	s21 =	simm.s32 $0x2;
	s24 =	simm.s32 $0x3  }
0x15: {  	s25 =	simm.s32 $0x4;
	s26 =	simm.s32 $0x1280;
	[dreg:$0x7] =	wrdreg s7  }
0x16: {  	s0 =	simm.s32 $0x2700;
	[dreg:$0x8] =	wrdreg s5;
	s5 =	simm.s32 $0x0  }
.LBB2_1:
0x17: {  	s7 =	rddreg [dreg:$0x4]  }
0x18: {  	[tilespmem:s17], [sflag:$0x5] =	stream.linear.gather [hbm4b:s7+s4], $0x4000, $0x38;
	[tilespmem:$0x1E800] =	vst v63  }
0x19: {  	_ =	swait.ge [sflag:s18], $0x4000  }
0x1a: {  	[sflag:s18] =	ssyncset.done $0x0  }
0x1b: {  	[sflag:s18] =	ssyncadd.s32 $0xFFFFC000  }
0x1c: {  	[spmem:s6] =	stream.linear.scatter [tilespmem:s17], [sflag:$0x3], $0x4000, $0x38;
	[tilespmem:$0x1E800] =	vst v63  }
0x1d: {  	_ = 	snop  }
0x1e: {  	[spmem:s13] =	stream.linear.scatter [tilespmem:s17], [sflag:$0x3], $0x4000, $0x38;
	[tilespmem:$0x1E800] =	vst v63  }
0x1f: {  	_ = 	snop  }
0x20: {  	[spmem:s14] =	stream.linear.scatter [tilespmem:s17], [sflag:$0x3], $0x4000, $0x38;
	[tilespmem:$0x1E800] =	vst v63  }
0x21: {  	_ = 	snop  }
0x22: {  	[spmem:s15] =	stream.linear.scatter [tilespmem:s17], [sflag:$0x3], $0x4000, $0x38;
	[tilespmem:$0x1E800] =	vst v63  }
0x23: {  	_ = 	snop  }
0x24: {  	[spmem:s16] =	stream.linear.scatter [tilespmem:s17], [sflag:$0x3], $0x4000, $0x38;
	[tilespmem:$0x1E800] =	vst v63  }
0x25: {  	s10 =	rddreg [dreg:$0x5]  }
0x26: {  	[tilespmem:s4], [sflag:$0x1] =	stream.linear.gather [hbm4b:s10+s4], $0x1400, $0x38;
	[tilespmem:$0x1E800] =	vst v63  }
0x27: {  	s11 =	rddreg [dreg:$0x6]  }
0x28: {  	[tilespmem:s19], [sflag:$0x2] =	stream.linear.gather [hbm4b:s11+s4], $0x1400, $0x38;
	[tilespmem:$0x1E800] =	vst v63  }
0x29: {  	_ =	swait.ge [sflag:s20], $0x1400  }
0x2a: {  	[sflag:s20] =	ssyncset.done $0x0  }
0x2b: {  	[sflag:s20] =	ssyncadd.s32 $0xFFFFEC00  }
0x2c: {  	_ =	swait.ge [sflag:s21], $0x1400  }
0x2d: {  	[sflag:s21] =	ssyncset.done $0x0  }
0x2e: {  	[sflag:s21] =	ssyncadd.s32 $0xFFFFEC00  }
0x2f: {  	[tilespmem:s23], [sflag:$0x1] =	stream.indirect.gather [hbm4b:s1+s22], $0x80, s4, s22, $0xb8;
	[tilespmem:$0x1E800] =	vst v63  }
0x30: {  	_ =	swait.ge [sflag:s24], $0x4000  }
0x31: {  	[sflag:s24] =	ssyncset.done $0x0  }
0x32: {  	[sflag:s24] =	ssyncadd.s32 $0xFFFFC000  }
0x33: {  	_ =	swait.ge [sflag:s24], $0x4000  }
0x34: {  	[sflag:s24] =	ssyncset.done $0x0  }
0x35: {  	[sflag:s24] =	ssyncadd.s32 $0xFFFFC000  }
0x36: {  	_ =	swait.ge [sflag:s24], $0x4000  }
0x37: {  	[sflag:s24] =	ssyncset.done $0x0  }
0x38: {  	[sflag:s24] =	ssyncadd.s32 $0xFFFFC000  }
0x39: {  	_ =	swait.ge [sflag:s24], $0x4000  }
0x3a: {  	[sflag:s24] =	ssyncset.done $0x0  }
0x3b: {  	[sflag:s24] =	ssyncadd.s32 $0xFFFFC000  }
0x3c: {  	_ =	swait.ge [sflag:s24], $0x4000  }
0x3d: {  	[sflag:s24] =	ssyncset.done $0x0  }
0x3e: {  	[sflag:s24] =	ssyncadd.s32 $0xFFFFC000  }
0x3f: {  	s8 =	simm.s32 $0x80;
	[bflag:$0x0] =	sbarrier.arrive $0xFFFF  }
0x40: {  	[tilespmem:s17], [sflag:$0x2] =	stream.indirect.gather [hbm4b:s1+s22], $0x80, s8, s22, $0xb8;
	[tilespmem:$0x1E800] =	vst v63  }
0x41: {  	_ =	swait.ge [sflag:s20], $0x4000  }
0x42: {  	[sflag:s20] =	ssyncset.done $0x0  }
0x43: {  	s9 =	simm.s32 $0x1400;
	[sflag:s20] =	ssyncadd.s32 $0xFFFFC000  }
0x44: {  	[spmem:s2] =	stream.indirect.scatter.add.f32 [tilespmem:s23], [sflag:$0x3], $0x80, s9, s22, $0xb8;
	[tilespmem:$0x1E800] =	vst v63  }
0x45: {  	_ =	swait.ge [sflag:s21], $0x4000  }
0x46: {  	[sflag:s21] =	ssyncset.done $0x0  }
0x47: {  	s10 =	simm.s32 $0x1480;
	[sflag:s21] =	ssyncadd.s32 $0xFFFFC000  }
0x48: {  	[spmem:s2] =	stream.indirect.scatter.add.f32 [tilespmem:s17], [sflag:$0x4], $0x80, s10, s22, $0xb8;
	[tilespmem:$0x1E800] =	vst v63  }
0x49: {  	_ =	swait.ge [sflag:s24], $0x4000  }
0x4a: {  	[sflag:s24] =	ssyncset.done $0x0  }
0x4b: {  	s11 =	simm.s32 $0x100;
	[sflag:s24] =	ssyncadd.s32 $0xFFFFC000  }
0x4c: {  	[tilespmem:s23], [sflag:$0x1] =	stream.indirect.gather [hbm4b:s1+s22], $0x80, s11, s22, $0xb8;
	[tilespmem:$0x1E800] =	vst v63  }
0x4d: {  	_ =	swait.ge [sflag:s25], $0x4000  }
0x4e: {  	[sflag:s25] =	ssyncset.done $0x0  }
0x4f: {  	s8 =	simm.s32 $0x180;
	[sflag:s25] =	ssyncadd.s32 $0xFFFFC000  }
0x50: {  	[tilespmem:s17], [sflag:$0x2] =	stream.indirect.gather [hbm4b:s1+s22], $0x80, s8, s22, $0xb8;
	[tilespmem:$0x1E800] =	vst v63  }
0x51: {  	_ =	swait.ge [sflag:s20], $0x4000  }
0x52: {  	[sflag:s20] =	ssyncset.done $0x0  }
0x53: {  	s9 =	simm.s32 $0x1500;
	[sflag:s20] =	ssyncadd.s32 $0xFFFFC000  }
0x54: {  	[spmem:s2] =	stream.indirect.scatter.add.f32 [tilespmem:s23], [sflag:$0x3], $0x80, s9, s22, $0xb8;
	[tilespmem:$0x1E800] =	vst v63  }
0x55: {  	_ =	swait.ge [sflag:s21], $0x4000  }
0x56: {  	[sflag:s21] =	ssyncset.done $0x0  }
0x57: {  	s10 =	simm.s32 $0x1580;
	[sflag:s21] =	ssyncadd.s32 $0xFFFFC000  }
0x58: {  	[spmem:s2] =	stream.indirect.scatter.add.f32 [tilespmem:s17], [sflag:$0x4], $0x80, s10, s22, $0xb8;
	[tilespmem:$0x1E800] =	vst v63  }
0x59: {  	_ =	swait.ge [sflag:s24], $0x4000  }
0x5a: {  	[sflag:s24] =	ssyncset.done $0x0  }
0x5b: {  	s11 =	simm.s32 $0x200;
	[sflag:s24] =	ssyncadd.s32 $0xFFFFC000  }
0x5c: {  	[tilespmem:s23], [sflag:$0x1] =	stream.indirect.gather [hbm4b:s1+s22], $0x80, s11, s22, $0xb8;
	[tilespmem:$0x1E800] =	vst v63  }
0x5d: {  	_ =	swait.ge [sflag:s25], $0x4000  }
0x5e: {  	s7 =	simm.s32 $0x200;
	s8 =	simm.s32 $0x1000;
	[sflag:s25] =	ssyncset.done $0x0  }
.LBB2_2:
0x5f: {  	s11 =	sadd.s32 $0x80, s7  }
0x60: {  	[sflag:s25] =	ssyncadd.s32 $0xFFFFC000;
	s9 =	smov.u32 s8;
	s10 =	sadd.s32 $0x800, s8  }
0x61: {  	[tilespmem:s17], [sflag:$0x2] =	stream.indirect.gather [hbm4b:s1+s22], $0x80, s11, s22, $0xb8;
	[tilespmem:$0x1E800] =	vst v63  }
0x62: {  	p0 =	sne.s32 s8, $0x4000;
	_ =	swait.ge [sflag:s20], $0x4000  }
0x63: {  	[sflag:s20] =	ssyncset.done $0x0  }
0x64: {  	s8 =	sadd.s32 $0x1400, s7;
	[sflag:s20] =	ssyncadd.s32 $0xFFFFC000  }
0x65: {  	[spmem:s2] =	stream.indirect.scatter.add.f32 [tilespmem:s23], [sflag:$0x3], $0x80, s8, s22, $0xb8;
	[tilespmem:$0x1E800] =	vst v63  }
0x66: {  	_ =	swait.ge [sflag:s21], $0x4000  }
0x67: {  	[sflag:s21] =	ssyncset.done $0x0  }
0x68: {  	s8 =	sadd.s32 $0x1480, s7;
	[sflag:s21] =	ssyncadd.s32 $0xFFFFC000  }
0x69: {  	[spmem:s2] =	stream.indirect.scatter.add.f32 [tilespmem:s17], [sflag:$0x4], $0x80, s8, s22, $0xb8;
	[tilespmem:$0x1E800] =	vst v63  }
0x6a: {  	_ =	swait.ge [sflag:s24], $0x4000  }
0x6b: {  	[sflag:s24] =	ssyncset.done $0x0  }
0x6c: {  	s8 =	sadd.s32 $0x100, s7;
	[sflag:s24] =	ssyncadd.s32 $0xFFFFC000  }
0x6d: {  	[tilespmem:s23], [sflag:$0x1] =	stream.indirect.gather [hbm4b:s1+s22], $0x80, s8, s22, $0xb8;
	[tilespmem:$0x1E800] =	vst v63  }
0x6e: {  	_ =	swait.ge [sflag:s25], $0x4000  }
0x6f: {  	[sflag:s25] =	ssyncset.done $0x0  }
0x70: {  	s8 =	sadd.s32 $0x180, s7;
	[sflag:s25] =	ssyncadd.s32 $0xFFFFC000  }
0x71: {  	[tilespmem:s17], [sflag:$0x2] =	stream.indirect.gather [hbm4b:s1+s22], $0x80, s8, s22, $0xb8;
	[tilespmem:$0x1E800] =	vst v63  }
0x72: {  	_ =	swait.ge [sflag:s20], $0x4000  }
0x73: {  	[sflag:s20] =	ssyncset.done $0x0  }
0x74: {  	s8 =	sadd.s32 $0x1500, s7;
	[sflag:s20] =	ssyncadd.s32 $0xFFFFC000  }
0x75: {  	[spmem:s2] =	stream.indirect.scatter.add.f32 [tilespmem:s23], [sflag:$0x3], $0x80, s8, s22, $0xb8;
	[tilespmem:$0x1E800] =	vst v63  }
0x76: {  	_ =	swait.ge [sflag:s21], $0x4000  }
0x77: {  	[sflag:s21] =	ssyncset.done $0x0  }
0x78: {  	s8 =	sadd.s32 $0x1580, s7;
	[sflag:s21] =	ssyncadd.s32 $0xFFFFC000  }
0x79: {  	[spmem:s2] =	stream.indirect.scatter.add.f32 [tilespmem:s17], [sflag:$0x4], $0x80, s8, s22, $0xb8;
	[tilespmem:$0x1E800] =	vst v63  }
0x7a: {  	_ =	swait.ge [sflag:s24], $0x4000  }
.Ltmp0:
0x7b: {  	[sflag:s24] =	ssyncset.done $0x0;
	(pc) =	sbr.rel @p0 .LBB2_2-.Ltmp0, $4  }
0x7c: {  	s7 =	sadd.s32 $0x200, s7;
	[sflag:s24] =	ssyncadd.s32 $0xFFFFC000  }
0x7d: {  	[tilespmem:s23], [sflag:$0x1] =	stream.indirect.gather [hbm4b:s1+s22], $0x80, s7, s22, $0xb8;
	[tilespmem:$0x1E800] =	vst v63  }
0x7e: {  	_ =	swait.ge [sflag:s25], $0x4000  }
0x7f: {  	s8 =	smov.u32 s10;
	s7 =	sshra.s32 s9, $0x2;
	[sflag:s25] =	ssyncset.done $0x0  }
0x80: {  	s8 =	sadd.s32 $0x80, s7;
	[sflag:s25] =	ssyncadd.s32 $0xFFFFC000  }
0x81: {  	[tilespmem:s17], [sflag:$0x2] =	stream.indirect.gather [hbm4b:s1+s22], $0x80, s8, s22, $0xb8;
	[tilespmem:$0x1E800] =	vst v63  }
0x82: {  	_ =	swait.ge [sflag:s20], $0x4000  }
0x83: {  	[sflag:s20] =	ssyncset.done $0x0  }
0x84: {  	s9 =	sadd.s32 $0x1400, s7;
	[sflag:s20] =	ssyncadd.s32 $0xFFFFC000  }
0x85: {  	[spmem:s2] =	stream.indirect.scatter.add.f32 [tilespmem:s23], [sflag:$0x3], $0x80, s9, s22, $0xb8;
	[tilespmem:$0x1E800] =	vst v63  }
0x86: {  	_ =	swait.ge [sflag:s21], $0x4000  }
0x87: {  	[sflag:s21] =	ssyncset.done $0x0  }
0x88: {  	s10 =	sadd.s32 $0x1480, s7;
	[sflag:s21] =	ssyncadd.s32 $0xFFFFC000  }
0x89: {  	[spmem:s2] =	stream.indirect.scatter.add.f32 [tilespmem:s17], [sflag:$0x4], $0x80, s10, s22, $0xb8;
	[tilespmem:$0x1E800] =	vst v63  }
0x8a: {  	_ =	swait.ge [sflag:s24], $0x4000  }
0x8b: {  	[sflag:s24] =	ssyncset.done $0x0  }
0x8c: {  	s11 =	sadd.s32 $0x100, s7;
	[sflag:s24] =	ssyncadd.s32 $0xFFFFC000  }
0x8d: {  	[tilespmem:s23], [sflag:$0x1] =	stream.indirect.gather [hbm4b:s1+s22], $0x80, s11, s22, $0xb8;
	[tilespmem:$0x1E800] =	vst v63  }
0x8e: {  	_ =	swait.ge [sflag:s25], $0x4000  }
0x8f: {  	[sflag:s25] =	ssyncset.done $0x0  }
0x90: {  	s9 =	sadd.s32 $0x180, s7;
	[sflag:s25] =	ssyncadd.s32 $0xFFFFC000  }
0x91: {  	[tilespmem:s17], [sflag:$0x2] =	stream.indirect.gather [hbm4b:s1+s22], $0x80, s9, s22, $0xb8;
	[tilespmem:$0x1E800] =	vst v63  }
0x92: {  	_ =	swait.ge [sflag:s20], $0x4000  }
0x93: {  	[sflag:s20] =	ssyncset.done $0x0  }
0x94: {  	s10 =	sadd.s32 $0x1500, s7;
	[sflag:s20] =	ssyncadd.s32 $0xFFFFC000  }
0x95: {  	[spmem:s2] =	stream.indirect.scatter.add.f32 [tilespmem:s23], [sflag:$0x3], $0x80, s10, s22, $0xb8;
	[tilespmem:$0x1E800] =	vst v63  }
0x96: {  	_ =	swait.ge [sflag:s21], $0x4000  }
0x97: {  	[sflag:s21] =	ssyncset.done $0x0  }
0x98: {  	s11 =	sadd.s32 $0x1580, s7;
	[sflag:s21] =	ssyncadd.s32 $0xFFFFC000  }
0x99: {  	[spmem:s2] =	stream.indirect.scatter.add.f32 [tilespmem:s17], [sflag:$0x4], $0x80, s11, s22, $0xb8;
	[tilespmem:$0x1E800] =	vst v63  }
0x9a: {  	_ =	swait.ge [sflag:s24], $0x4000  }
0x9b: {  	[sflag:s24] =	ssyncset.done $0x0  }
0x9c: {  	s8 =	sadd.s32 $0x200, s7;
	[sflag:s24] =	ssyncadd.s32 $0xFFFFC000  }
0x9d: {  	[tilespmem:s23], [sflag:$0x1] =	stream.indirect.gather [hbm4b:s1+s22], $0x80, s8, s22, $0xb8;
	[tilespmem:$0x1E800] =	vst v63  }
0x9e: {  	_ =	swait.ge [sflag:s25], $0x4000  }
0x9f: {  	[sflag:s25] =	ssyncset.done $0x0  }
0xa0: {  	[sflag:s25] =	ssyncadd.s32 $0xFFFFC000  }
0xa1: {  	[tilespmem:s17], [sflag:$0x2] =	stream.indirect.gather [hbm4b:s1+s22], $0x80, s26, s22, $0xb8;
	[tilespmem:$0x1E800] =	vst v63  }
0xa2: {  	_ =	swait.ge [sflag:s20], $0x4000  }
0xa3: {  	[sflag:s20] =	ssyncset.done $0x0  }
0xa4: {  	[sflag:s20] =	ssyncadd.s32 $0xFFFFC000  }
0xa5: {  	[spmem:s2] =	stream.indirect.scatter.add.f32 [tilespmem:s23], [sflag:$0x3], $0x80, s28, s22, $0xb8;
	[tilespmem:$0x1E800] =	vst v63  }
0xa6: {  	_ =	swait.ge [sflag:s21], $0x4000  }
0xa7: {  	[sflag:s21] =	ssyncset.done $0x0  }
0xa8: {  	[sflag:s21] =	ssyncadd.s32 $0xFFFFC000  }
0xa9: {  	[spmem:s2] =	stream.indirect.scatter.add.f32 [tilespmem:s17], [sflag:$0x4], $0x80, s29, s22, $0xb8;
	[tilespmem:$0x1E800] =	vst v63  }
0xaa: {  	_ =	swait.ge [sflag:s24], $0x4000  }
0xab: {  	[sflag:s24] =	ssyncset.done $0x0  }
0xac: {  	[sflag:s24] =	ssyncadd.s32 $0xFFFFC000  }
0xad: {  	[tilespmem:s23], [sflag:$0x1] =	stream.indirect.gather [hbm4b:s1+s22], $0x80, s30, s22, $0xb8;
	[tilespmem:$0x1E800] =	vst v63  }
0xae: {  	_ =	swait.ge [sflag:s25], $0x4000  }
0xaf: {  	[sflag:s25] =	ssyncset.done $0x0  }
0xb0: {  	[sflag:s25] =	ssyncadd.s32 $0xFFFFC000  }
0xb1: {  	[tilespmem:s17], [sflag:$0x2] =	stream.indirect.gather [hbm4b:s1+s22], $0x80, s31, s22, $0xb8;
	[tilespmem:$0x1E800] =	vst v63  }
0xb2: {  	_ =	swait.ge [sflag:s20], $0x4000  }
0xb3: {  	[sflag:s20] =	ssyncset.done $0x0  }
0xb4: {  	[sflag:s20] =	ssyncadd.s32 $0xFFFFC000  }
0xb5: {  	[spmem:s2] =	stream.indirect.scatter.add.f32 [tilespmem:s23], [sflag:$0x3], $0x80, s0, s22, $0xb8;
	[tilespmem:$0x1E800] =	vst v63  }
0xb6: {  	_ =	swait.ge [sflag:s21], $0x4000  }
0xb7: {  	[sflag:s21] =	ssyncset.done $0x0  }
0xb8: {  	[sflag:s21] =	ssyncadd.s32 $0xFFFFC000  }
0xb9: {  	[spmem:s2] =	stream.indirect.scatter.add.f32 [tilespmem:s17], [sflag:$0x4], $0x80, s3, s22, $0xb8;
	[tilespmem:$0x1E800] =	vst v63  }
0xba: {  	_ =	swait.ge [sflag:s24], $0x4000  }
0xbb: {  	[sflag:s24] =	ssyncset.done $0x0  }
0xbc: {  	[sflag:s24] =	ssyncadd.s32 $0xFFFFC000  }
0xbd: {  	_ =	swait.ge [sflag:s25], $0x4000  }
0xbe: {  	[sflag:s25] =	ssyncset.done $0x0  }
0xbf: {  	s9 =	simm.s32 $0x0;
	s10 =	rddreg [dreg:$0x7];
	[sflag:s25] =	ssyncadd.s32 $0xFFFFC000  }
0xc0: {  	[tilespmem:s9], [sflag:$0x1] =	stream.linear.gather [hbm4b:s10+s9], $0x1400, $0x38;
	[tilespmem:$0x1E800] =	vst v63  }
0xc1: {  	s11 =	rddreg [dreg:$0x8]  }
0xc2: {  	[tilespmem:s19], [sflag:$0x2] =	stream.linear.gather [hbm4b:s11+s9], $0x1400, $0x38;
	[tilespmem:$0x1E800] =	vst v63  }
0xc3: {  	_ =	swait.ge [sflag:s20], $0x1400  }
0xc4: {  	[sflag:s20] =	ssyncset.done $0x0  }
0xc5: {  	[sflag:s20] =	ssyncadd.s32 $0xFFFFEC00  }
0xc6: {  	_ =	swait.ge [sflag:s21], $0x1400  }
0xc7: {  	[sflag:s21] =	ssyncset.done $0x0  }
0xc8: {  	[sflag:s21] =	ssyncadd.s32 $0xFFFFEC00  }
0xc9: {  	[tilespmem:s23], [sflag:$0x1] =	stream.indirect.gather [hbm4b:s1+s22], $0x80, s9, s22, $0xb8;
	[tilespmem:$0x1E800] =	vst v63  }
0xca: {  	s8 =	simm.s32 $0x80  }
0xcb: {  	[tilespmem:s17], [sflag:$0x2] =	stream.indirect.gather [hbm4b:s1+s22], $0x80, s8, s22, $0xb8;
	[tilespmem:$0x1E800] =	vst v63  }
0xcc: {  	_ =	swait.ge [sflag:s20], $0x4000  }
0xcd: {  	[sflag:s20] =	ssyncset.done $0x0  }
0xce: {  	s9 =	simm.s32 $0x1400;
	[sflag:s20] =	ssyncadd.s32 $0xFFFFC000  }
0xcf: {  	[spmem:s2] =	stream.indirect.scatter.add.f32 [tilespmem:s23], [sflag:$0x3], $0x80, s9, s22, $0xb8;
	[tilespmem:$0x1E800] =	vst v63  }
0xd0: {  	_ =	swait.ge [sflag:s21], $0x4000  }
0xd1: {  	[sflag:s21] =	ssyncset.done $0x0  }
0xd2: {  	s10 =	simm.s32 $0x1480;
	[sflag:s21] =	ssyncadd.s32 $0xFFFFC000  }
0xd3: {  	[spmem:s2] =	stream.indirect.scatter.add.f32 [tilespmem:s17], [sflag:$0x4], $0x80, s10, s22, $0xb8;
	[tilespmem:$0x1E800] =	vst v63  }
0xd4: {  	_ =	swait.ge [sflag:s24], $0x4000  }
0xd5: {  	[sflag:s24] =	ssyncset.done $0x0  }
0xd6: {  	s11 =	simm.s32 $0x100;
	[sflag:s24] =	ssyncadd.s32 $0xFFFFC000  }
0xd7: {  	[tilespmem:s23], [sflag:$0x1] =	stream.indirect.gather [hbm4b:s1+s22], $0x80, s11, s22, $0xb8;
	[tilespmem:$0x1E800] =	vst v63  }
0xd8: {  	_ =	swait.ge [sflag:s25], $0x4000  }
0xd9: {  	[sflag:s25] =	ssyncset.done $0x0  }
0xda: {  	s8 =	simm.s32 $0x180;
	[sflag:s25] =	ssyncadd.s32 $0xFFFFC000  }
0xdb: {  	[tilespmem:s17], [sflag:$0x2] =	stream.indirect.gather [hbm4b:s1+s22], $0x80, s8, s22, $0xb8;
	[tilespmem:$0x1E800] =	vst v63  }
0xdc: {  	_ =	swait.ge [sflag:s20], $0x4000  }
0xdd: {  	[sflag:s20] =	ssyncset.done $0x0  }
0xde: {  	s9 =	simm.s32 $0x1500;
	[sflag:s20] =	ssyncadd.s32 $0xFFFFC000  }
0xdf: {  	[spmem:s2] =	stream.indirect.scatter.add.f32 [tilespmem:s23], [sflag:$0x3], $0x80, s9, s22, $0xb8;
	[tilespmem:$0x1E800] =	vst v63  }
0xe0: {  	_ =	swait.ge [sflag:s21], $0x4000  }
0xe1: {  	[sflag:s21] =	ssyncset.done $0x0  }
0xe2: {  	s10 =	simm.s32 $0x1580;
	[sflag:s21] =	ssyncadd.s32 $0xFFFFC000  }
0xe3: {  	[spmem:s2] =	stream.indirect.scatter.add.f32 [tilespmem:s17], [sflag:$0x4], $0x80, s10, s22, $0xb8;
	[tilespmem:$0x1E800] =	vst v63  }
0xe4: {  	_ =	swait.ge [sflag:s24], $0x4000  }
0xe5: {  	[sflag:s24] =	ssyncset.done $0x0  }
0xe6: {  	s11 =	simm.s32 $0x200;
	[sflag:s24] =	ssyncadd.s32 $0xFFFFC000  }
0xe7: {  	[tilespmem:s23], [sflag:$0x1] =	stream.indirect.gather [hbm4b:s1+s22], $0x80, s11, s22, $0xb8;
	[tilespmem:$0x1E800] =	vst v63  }
0xe8: {  	_ =	swait.ge [sflag:s25], $0x4000  }
0xe9: {  	s7 =	simm.s32 $0x200;
	s10 =	simm.s32 $0x1000;
	[sflag:s25] =	ssyncset.done $0x0  }
.LBB2_4:
0xea: {  	s11 =	sadd.s32 $0x80, s7  }
0xeb: {  	[sflag:s25] =	ssyncadd.s32 $0xFFFFC000;
	s9 =	smov.u32 s10;
	s8 =	sadd.s32 $0x800, s10  }
0xec: {  	[tilespmem:s17], [sflag:$0x2] =	stream.indirect.gather [hbm4b:s1+s22], $0x80, s11, s22, $0xb8;
	[tilespmem:$0x1E800] =	vst v63  }
0xed: {  	p0 =	sne.s32 s10, $0x4000;
	_ =	swait.ge [sflag:s20], $0x4000  }
0xee: {  	[sflag:s20] =	ssyncset.done $0x0  }
0xef: {  	s10 =	sadd.s32 $0x1400, s7;
	[sflag:s20] =	ssyncadd.s32 $0xFFFFC000  }
0xf0: {  	[spmem:s2] =	stream.indirect.scatter.add.f32 [tilespmem:s23], [sflag:$0x3], $0x80, s10, s22, $0xb8;
	[tilespmem:$0x1E800] =	vst v63  }
0xf1: {  	_ =	swait.ge [sflag:s21], $0x4000  }
0xf2: {  	[sflag:s21] =	ssyncset.done $0x0  }
0xf3: {  	s10 =	sadd.s32 $0x1480, s7;
	[sflag:s21] =	ssyncadd.s32 $0xFFFFC000  }
0xf4: {  	[spmem:s2] =	stream.indirect.scatter.add.f32 [tilespmem:s17], [sflag:$0x4], $0x80, s10, s22, $0xb8;
	[tilespmem:$0x1E800] =	vst v63  }
0xf5: {  	_ =	swait.ge [sflag:s24], $0x4000  }
0xf6: {  	[sflag:s24] =	ssyncset.done $0x0  }
0xf7: {  	s10 =	sadd.s32 $0x100, s7;
	[sflag:s24] =	ssyncadd.s32 $0xFFFFC000  }
0xf8: {  	[tilespmem:s23], [sflag:$0x1] =	stream.indirect.gather [hbm4b:s1+s22], $0x80, s10, s22, $0xb8;
	[tilespmem:$0x1E800] =	vst v63  }
0xf9: {  	_ =	swait.ge [sflag:s25], $0x4000  }
0xfa: {  	[sflag:s25] =	ssyncset.done $0x0  }
0xfb: {  	s10 =	sadd.s32 $0x180, s7;
	[sflag:s25] =	ssyncadd.s32 $0xFFFFC000  }
0xfc: {  	[tilespmem:s17], [sflag:$0x2] =	stream.indirect.gather [hbm4b:s1+s22], $0x80, s10, s22, $0xb8;
	[tilespmem:$0x1E800] =	vst v63  }
0xfd: {  	_ =	swait.ge [sflag:s20], $0x4000  }
0xfe: {  	[sflag:s20] =	ssyncset.done $0x0  }
0xff: {  	s10 =	sadd.s32 $0x1500, s7;
	[sflag:s20] =	ssyncadd.s32 $0xFFFFC000  }
0x100: {  	[spmem:s2] =	stream.indirect.scatter.add.f32 [tilespmem:s23], [sflag:$0x3], $0x80, s10, s22, $0xb8;
	[tilespmem:$0x1E800] =	vst v63  }
0x101: {  	_ =	swait.ge [sflag:s21], $0x4000  }
0x102: {  	[sflag:s21] =	ssyncset.done $0x0  }
0x103: {  	s10 =	sadd.s32 $0x1580, s7;
	[sflag:s21] =	ssyncadd.s32 $0xFFFFC000  }
0x104: {  	[spmem:s2] =	stream.indirect.scatter.add.f32 [tilespmem:s17], [sflag:$0x4], $0x80, s10, s22, $0xb8;
	[tilespmem:$0x1E800] =	vst v63  }
0x105: {  	_ =	swait.ge [sflag:s24], $0x4000  }
.Ltmp1:
0x106: {  	[sflag:s24] =	ssyncset.done $0x0;
	(pc) =	sbr.rel @p0 .LBB2_4-.Ltmp1, $4  }
0x107: {  	s7 =	sadd.s32 $0x200, s7;
	[sflag:s24] =	ssyncadd.s32 $0xFFFFC000  }
0x108: {  	[tilespmem:s23], [sflag:$0x1] =	stream.indirect.gather [hbm4b:s1+s22], $0x80, s7, s22, $0xb8;
	[tilespmem:$0x1E800] =	vst v63  }
0x109: {  	_ =	swait.ge [sflag:s25], $0x4000  }
0x10a: {  	s10 =	smov.u32 s8;
	s7 =	sshra.s32 s9, $0x2;
	[sflag:s25] =	ssyncset.done $0x0  }
0x10b: {  	s8 =	sadd.s32 $0x80, s7;
	[sflag:s25] =	ssyncadd.s32 $0xFFFFC000  }
0x10c: {  	[tilespmem:s17], [sflag:$0x2] =	stream.indirect.gather [hbm4b:s1+s22], $0x80, s8, s22, $0xb8;
	[tilespmem:$0x1E800] =	vst v63  }
0x10d: {  	_ =	swait.ge [sflag:s20], $0x4000  }
0x10e: {  	[sflag:s20] =	ssyncset.done $0x0  }
0x10f: {  	s9 =	sadd.s32 $0x1400, s7;
	[sflag:s20] =	ssyncadd.s32 $0xFFFFC000  }
0x110: {  	[spmem:s2] =	stream.indirect.scatter.add.f32 [tilespmem:s23], [sflag:$0x3], $0x80, s9, s22, $0xb8;
	[tilespmem:$0x1E800] =	vst v63  }
0x111: {  	_ =	swait.ge [sflag:s21], $0x4000  }
0x112: {  	[sflag:s21] =	ssyncset.done $0x0  }
0x113: {  	s10 =	sadd.s32 $0x1480, s7;
	[sflag:s21] =	ssyncadd.s32 $0xFFFFC000  }
0x114: {  	[spmem:s2] =	stream.indirect.scatter.add.f32 [tilespmem:s17], [sflag:$0x4], $0x80, s10, s22, $0xb8;
	[tilespmem:$0x1E800] =	vst v63  }
0x115: {  	_ =	swait.ge [sflag:s24], $0x4000  }
0x116: {  	[sflag:s24] =	ssyncset.done $0x0  }
0x117: {  	s11 =	sadd.s32 $0x100, s7;
	[sflag:s24] =	ssyncadd.s32 $0xFFFFC000  }
0x118: {  	[tilespmem:s23], [sflag:$0x1] =	stream.indirect.gather [hbm4b:s1+s22], $0x80, s11, s22, $0xb8;
	[tilespmem:$0x1E800] =	vst v63  }
0x119: {  	_ =	swait.ge [sflag:s25], $0x4000  }
0x11a: {  	[sflag:s25] =	ssyncset.done $0x0  }
0x11b: {  	s9 =	sadd.s32 $0x180, s7;
	[sflag:s25] =	ssyncadd.s32 $0xFFFFC000  }
0x11c: {  	[tilespmem:s17], [sflag:$0x2] =	stream.indirect.gather [hbm4b:s1+s22], $0x80, s9, s22, $0xb8;
	[tilespmem:$0x1E800] =	vst v63  }
0x11d: {  	_ =	swait.ge [sflag:s20], $0x4000  }
0x11e: {  	[sflag:s20] =	ssyncset.done $0x0  }
0x11f: {  	s10 =	sadd.s32 $0x1500, s7;
	[sflag:s20] =	ssyncadd.s32 $0xFFFFC000  }
0x120: {  	[spmem:s2] =	stream.indirect.scatter.add.f32 [tilespmem:s23], [sflag:$0x3], $0x80, s10, s22, $0xb8;
	[tilespmem:$0x1E800] =	vst v63  }
0x121: {  	_ =	swait.ge [sflag:s21], $0x4000  }
0x122: {  	[sflag:s21] =	ssyncset.done $0x0  }
0x123: {  	s11 =	sadd.s32 $0x1580, s7;
	[sflag:s21] =	ssyncadd.s32 $0xFFFFC000  }
0x124: {  	[spmem:s2] =	stream.indirect.scatter.add.f32 [tilespmem:s17], [sflag:$0x4], $0x80, s11, s22, $0xb8;
	[tilespmem:$0x1E800] =	vst v63  }
0x125: {  	_ =	swait.ge [sflag:s24], $0x4000  }
0x126: {  	[sflag:s24] =	ssyncset.done $0x0  }
0x127: {  	s9 =	sadd.s32 $0x200, s7;
	[sflag:s24] =	ssyncadd.s32 $0xFFFFC000  }
0x128: {  	[tilespmem:s23], [sflag:$0x1] =	stream.indirect.gather [hbm4b:s1+s22], $0x80, s9, s22, $0xb8;
	[tilespmem:$0x1E800] =	vst v63  }
0x129: {  	_ =	swait.ge [sflag:s25], $0x4000  }
0x12a: {  	[sflag:s25] =	ssyncset.done $0x0  }
0x12b: {  	[sflag:s25] =	ssyncadd.s32 $0xFFFFC000  }
0x12c: {  	[tilespmem:s17], [sflag:$0x2] =	stream.indirect.gather [hbm4b:s1+s22], $0x80, s26, s22, $0xb8;
	[tilespmem:$0x1E800] =	vst v63  }
0x12d: {  	_ =	swait.ge [sflag:s20], $0x4000  }
0x12e: {  	[sflag:s20] =	ssyncset.done $0x0  }
0x12f: {  	[sflag:s20] =	ssyncadd.s32 $0xFFFFC000  }
0x130: {  	[spmem:s2] =	stream.indirect.scatter.add.f32 [tilespmem:s23], [sflag:$0x3], $0x80, s28, s22, $0xb8;
	[tilespmem:$0x1E800] =	vst v63  }
0x131: {  	_ =	swait.ge [sflag:s21], $0x4000  }
0x132: {  	[sflag:s21] =	ssyncset.done $0x0  }
0x133: {  	[sflag:s21] =	ssyncadd.s32 $0xFFFFC000  }
0x134: {  	[spmem:s2] =	stream.indirect.scatter.add.f32 [tilespmem:s17], [sflag:$0x4], $0x80, s29, s22, $0xb8;
	[tilespmem:$0x1E800] =	vst v63  }
0x135: {  	_ =	swait.ge [sflag:s24], $0x4000  }
0x136: {  	[sflag:s24] =	ssyncset.done $0x0  }
0x137: {  	[sflag:s24] =	ssyncadd.s32 $0xFFFFC000  }
0x138: {  	[tilespmem:s23], [sflag:$0x1] =	stream.indirect.gather [hbm4b:s1+s22], $0x80, s30, s22, $0xb8;
	[tilespmem:$0x1E800] =	vst v63  }
0x139: {  	_ =	swait.ge [sflag:s25], $0x4000  }
0x13a: {  	[sflag:s25] =	ssyncset.done $0x0  }
0x13b: {  	[sflag:s25] =	ssyncadd.s32 $0xFFFFC000  }
0x13c: {  	[tilespmem:s17], [sflag:$0x2] =	stream.indirect.gather [hbm4b:s1+s22], $0x80, s31, s22, $0xb8;
	[tilespmem:$0x1E800] =	vst v63  }
0x13d: {  	_ =	swait.ge [sflag:s20], $0x4000  }
0x13e: {  	[sflag:s20] =	ssyncset.done $0x0  }
0x13f: {  	[sflag:s20] =	ssyncadd.s32 $0xFFFFC000  }
0x140: {  	[spmem:s2] =	stream.indirect.scatter.add.f32 [tilespmem:s23], [sflag:$0x3], $0x80, s0, s22, $0xb8;
	[tilespmem:$0x1E800] =	vst v63  }
0x141: {  	_ =	swait.ge [sflag:s21], $0x4000  }
0x142: {  	[sflag:s21] =	ssyncset.done $0x0  }
0x143: {  	[sflag:s21] =	ssyncadd.s32 $0xFFFFC000  }
0x144: {  	[spmem:s2] =	stream.indirect.scatter.add.f32 [tilespmem:s17], [sflag:$0x4], $0x80, s3, s22, $0xb8;
	[tilespmem:$0x1E800] =	vst v63  }
0x145: {  	_ =	swait.ge [sflag:s24], $0x4000  }
0x146: {  	[sflag:s24] =	ssyncset.done $0x0  }
0x147: {  	[sflag:s24] =	ssyncadd.s32 $0xFFFFC000  }
0x148: {  	_ =	swait.ge [sflag:s25], $0x4000  }
0x149: {  	s10 =	stileid.u32;
	[sflag:s25] =	ssyncset.done $0x0  }
0x14a: {  	s5 =	sadd.s32 $0x1, s5;
	s7 =	sshll.u32 s10, $0x6;
	[sflag:s25] =	ssyncadd.s32 $0xFFFFC000  }
0x14b: {  	p0 =	sne.s32 s5, s12;
	s7 =	sor.u32 $0x1C05, s7;
	[bflag:$0x0] =	sbarrier.arrive $0xFFFF  }
.Ltmp2:
0x14c: {  	s11 =	sshrl.u32 s6, $0x3;
	s9 =	rddreg [dreg:$0x9];
	(pc) =	sbr.rel @p0 .LBB2_1-.Ltmp2, $4  }
0x14d: {  	[hbm:s9], [sflag:s7] =	dma.local [spmem:s11], $0x2800  }
0x14e: {  	_ =	swait.ge [sflag:s18], $0x2800  }
0x14f: {  	[sflag:s18] =	ssyncset.done $0x0  }
0x150: {  	[sflag:s18] =	ssyncadd.s32 $0xFFFFD800  }
0x151: {  	_ =	sfence.sel $0x180000  }
0x152: {  	[bflag:$0x0] =	sbarrier.arrive $0xFFFF  }
0x153: {  	_ =	strace $0x9000004D  }
0x154: {  	s0 =	stileid.u32;
	[bflag:$0x2] =	sbarrier.arrive $0xFFFF  }
0x155: {  	p0 =	sne.s32 s0, $0x0;
	s0 =	rddreg [dreg:$0x3]  }
0x156: {  	s0 =	sadd.s32 @!p0 $0x100000, s0  }
0x157: {  	[sflag:s0] =	ssyncadd.tile.s32 @!p0 $0x1;
	_ =	shalt  }
.Lfunc_end2:
_tile_overlayer_lowered:
.L_overlay_start_2:
0x158: {  	(tag) =	ssettag $0x2  }
0x159: {  	s0 =	rddreg [dreg:$0x0];
	s2 =	stileid.u32  }
0x15a: {  	s1 =	rddreg [dreg:$0x1];
	p0 =	sne.s32 s2, $0x0  }
0x15b: {  	s3 =	rddreg [dreg:$0x2];
	[bflag:$0x3] =	sbarrier.arrive $0xFFFF;
	s2 =	simm.s32 @!p0 $0x1C05  }
0x15c: {  	[timem:s3], [sflag:s2] =	dma.local @!p0 [hbm:s0], s1  }
0x15d: {  	s0 =	simm.s32 @!p0 $0x5  }
0x15e: {  	_ =	swait.ge @!p0 [sflag:s0], s1  }
0x15f: {  	s1 =	ssub.s32 @!p0 $0x0, s1;
	[sflag:s0] =	ssyncset.done @!p0 $0x0  }
0x160: {  	[sflag:s0] =	ssyncadd.s32 @!p0 s1  }
0x161: {  	[bflag:$0x3] =	sbarrier.arrive $0xFFFF  }
0x162: {  	_ =	shalt  }

// kernel: kernel.9.cloned.1.call-start
scs
__scs_entry_jumppad:
0x0: {  	(pc) =	sbr.rel $0x88, $3  }
0x1: {  	(tag) =	ssettag $0x0;
	lr =	simm.s32 $0x1  }
0x2: {  	[smem:$0x3F99] =	sst lr;
	_ =	strace $0xD0000000  }
0x3: {  	_ = 	snop  }
0x4: {  	_ = 	snop  }
0x5: {  	_ = 	snop  }
0x6: {  	_ = 	snop  }
0x7: {  	_ = 	snop  }
__scs_overlays_trampoline_lowered:
0x8: {  	[smem:$0x3FA8] =	sst s0  }
0x9: {  	[smem:$0x3FA9] =	sst s1  }
0xa: {  	[smem:$0x3FAA] =	sst s2  }
0xb: {  	[smem:$0x3FAB] =	sst s3  }
0xc: {  	[smem:$0x3FAC] =	sst s4  }
0xd: {  	[smem:$0x3FAD] =	sst s5  }
0xe: {  	[smem:$0x3FAE] =	sst s6  }
0xf: {  	[smem:$0x3FAF] =	sst s7  }
0x10: {  	[smem:$0x3FB0] =	sst s8  }
0x11: {  	[smem:$0x3FB1] =	sst s9;
	s0 =	simm.s32 @!p0 $0x0  }
0x12: {  	s1 =	sld [smem:$0x3F97];
	s0 =	simm.s32 @p0 $0x1  }
0x13: {  	[smem:$0x3FB2] =	sst s0;
	s0 =	simm.s32 @!p1 $0x0  }
0x14: {  	s2 =	sld [smem:$0x3F96];
	s0 =	simm.s32 @p1 $0x1  }
0x15: {  	[smem:$0x3FB3] =	sst s0;
	s0 =	simm.s32 @!p2 $0x0  }
0x16: {  	s3 =	sld [smem:$0x3FDB];
	s0 =	simm.s32 @p2 $0x1  }
0x17: {  	s4 =	simm.s32 $0x1BF5;
	[smem:$0x3FB5] =	sst s0  }
0x18: {  	s0 =	sld [smem:$0x3F98];
	_ =	swait.ge [sflag:s4], $0x0  }
0x19: {  	s7 =	sld [smem:$0x3F99]  }
0x1a: {  	s8 =	sadd.s32 $0xFFFFE003, lr  }
0x1b: {  	s9 =	sadd.s32 $0xFFFFFEF7, lr;
	s5 =	simm.s32 $0xFFFFFFFF;
	p2 =	slt.u32 s8, $0xFFFFF086  }
0x1c: {  	p1 =	slt.u32 s9, $0xF7A;
	s5 =	simm.s32 @!p2 $0x0  }
0x1d: {  	s5 =	simm.s32 @p1 $0x1;
	p0 =	seq.s32 s7, s2  }
0x1e: {  	s7 =	smul.u32 @!p0 $0xF7A, s2;
	p2 =	seq.s32 @!p0 s5, $0x0  }
0x1f: {  	s9 =	smul.u32 $0xF7A, s1;
	s8 =	simm.s32 @!p0 $0x1BF5;
	p2 =	por !p2, p0  }
0x20: {  	[sflag:s8] =	ssyncset.s32 @!p0 $0xFFFFF086;
	s6 =	sadd.s32 @!p0 s3, s7;
	s7 =	simm.s32 @!p0 $0x108  }
0x21: {  	s3 =	sadd.s32 s3, s9;
	s6 =	sadd.s32 @!p0 $0x88, s6;
	s7 =	simm.s32 @p2 $0x1082  }
0x22: {  	[simem:s7], [sflag:s8] =	dma.local @!p0 [hbm:s6], $0xF7A  }
0x23: {  	s9 =	sor.u32 $0xD0000000, s2;
	s6 =	simm.s32 $0x108;
	_ =	swait.ge @!p0 [sflag:s8], $0x0  }
0x24: {  	s3 =	sadd.s32 $0x88, s3;
	s6 =	simm.s32 @!p1 $0x1082;
	[sflag:s4] =	ssyncset.s32 $0xFFFFF086  }
0x25: {  	[simem:s6], [sflag:s4] =	dma.local [hbm:s3], $0xF7A  }
0x26: {  	[smem:$0x3F99] =	sst s1;
	(tag) =	ssettag s2;
	_ =	strace s9  }
0x27: {  	s1 =	sld [smem:$0x3FA9]  }
0x28: {  	s2 =	sld [smem:$0x3FAA]  }
0x29: {  	s4 =	sld [smem:$0x3FAC]  }
0x2a: {  	p0 =	seq.s32 s5, $0x0;
	s5 =	sld [smem:$0x3FAD]  }
0x2b: {  	s6 =	sld [smem:$0x3FAE]  }
0x2c: {  	s7 =	sld [smem:$0x3FAF]  }
0x2d: {  	s3 =	simm.s32 $0x108;
	s8 =	sld [smem:$0x3FB0]  }
0x2e: {  	s3 =	simm.s32 @!p0 $0x1082;
	s9 =	sld [smem:$0x3FB1]  }
0x2f: {  	lr =	sadd.s32 s0, s3;
	s0 =	sld [smem:$0x3FA8]  }
0x30: {  	s3 =	sld [smem:$0x3FAB]  }
0x31: {  	[smem:$0x3FB4] =	sst s10  }
0x32: {  	s10 =	sld [smem:$0x3FB2];
	_ =	sdelay $0x3  }
0x33: {  	p0 =	seq.s32 s10, $0x1;
	s10 =	sld [smem:$0x3FB4];
	_ =	sdelay $0x3  }
0x34: {  	[smem:$0x3FB4] =	sst s10  }
0x35: {  	s10 =	sld [smem:$0x3FB3];
	_ =	sdelay $0x3  }
0x36: {  	p1 =	seq.s32 s10, $0x1;
	s10 =	sld [smem:$0x3FB4];
	_ =	sdelay $0x3  }
0x37: {  	[smem:$0x3FB4] =	sst s10  }
0x38: {  	s10 =	sld [smem:$0x3FB5]  }
0x39: {  	_ = 	snop;
	(pc) =	sbr.ind lr, $3  }
0x3a: {  	_ = 	snop  }
0x3b: {  	_ = 	snop  }
0x3c: {  	p2 =	seq.s32 s10, $0x1;
	s10 =	sld [smem:$0x3FB4]  }
0x3d: {  	_ =	shalt  }
0x3e: {  	_ =	shalt  }
0x3f: {  	_ =	shalt  }
0x40: {  	_ =	shalt  }
0x41: {  	_ =	shalt  }
0x42: {  	_ =	shalt  }
0x43: {  	_ =	shalt  }
0x44: {  	_ =	shalt  }
0x45: {  	_ =	shalt  }
0x46: {  	_ =	shalt  }
0x47: {  	_ =	shalt  }
0x48: {  	_ =	shalt  }
0x49: {  	_ =	shalt  }
0x4a: {  	_ =	shalt  }
0x4b: {  	_ =	shalt  }
0x4c: {  	_ =	shalt  }
0x4d: {  	_ =	shalt  }
0x4e: {  	_ =	shalt  }
0x4f: {  	_ =	shalt  }
0x50: {  	_ =	shalt  }
0x51: {  	_ =	shalt  }
0x52: {  	_ =	shalt  }
0x53: {  	_ =	shalt  }
0x54: {  	_ =	shalt  }
0x55: {  	_ =	shalt  }
0x56: {  	_ =	shalt  }
0x57: {  	_ =	shalt  }
0x58: {  	_ =	shalt  }
0x59: {  	_ =	shalt  }
0x5a: {  	_ =	shalt  }
0x5b: {  	_ =	shalt  }
0x5c: {  	_ =	shalt  }
0x5d: {  	_ =	shalt  }
0x5e: {  	_ =	shalt  }
0x5f: {  	_ =	shalt  }
0x60: {  	_ =	shalt  }
0x61: {  	_ =	shalt  }
0x62: {  	_ =	shalt  }
0x63: {  	_ =	shalt  }
0x64: {  	_ =	shalt  }
0x65: {  	_ =	shalt  }
0x66: {  	_ =	shalt  }
0x67: {  	_ =	shalt  }
0x68: {  	_ =	shalt  }
0x69: {  	_ =	shalt  }
0x6a: {  	_ =	shalt  }
0x6b: {  	_ =	shalt  }
0x6c: {  	_ =	shalt  }
0x6d: {  	_ =	shalt  }
0x6e: {  	_ =	shalt  }
0x6f: {  	_ =	shalt  }
0x70: {  	_ =	shalt  }
0x71: {  	_ =	shalt  }
0x72: {  	_ =	shalt  }
0x73: {  	_ =	shalt  }
0x74: {  	_ =	shalt  }
0x75: {  	_ =	shalt  }
0x76: {  	_ =	shalt  }
0x77: {  	_ =	shalt  }
0x78: {  	_ =	shalt  }
0x79: {  	_ =	shalt  }
0x7a: {  	_ =	shalt  }
0x7b: {  	_ =	shalt  }
0x7c: {  	_ =	shalt  }
0x7d: {  	_ =	shalt  }
0x7e: {  	_ =	shalt  }
0x7f: {  	_ =	shalt  }
0x80: {  	_ =	shalt  }
0x81: {  	_ =	shalt  }
0x82: {  	_ =	shalt  }
0x83: {  	_ =	shalt  }
0x84: {  	_ =	shalt  }
0x85: {  	_ =	shalt  }
0x86: {  	_ =	shalt  }
0x87: {  	_ =	shalt  }
.Lfunc_end0:
.L_simem_size_0:
called_computation_lowered:
.L_overlay_start_0:
0x88: {  	s2 =	sld [smem:$0x3FD9]  }
0x89: {  	s3 =	sld [smem:$0x3FFE];
	_ =	sdelay $0x1  }
0x8a: {  	s1 =	srdreg.scid  }
0x8b: {  	s0 =	sand.u32 $0x1, s1  }
0x8c: {  	s17 =	sshll.u32 s0, $0xA;
	s2 =	sadd.s32 s3, s2  }
0x8d: {  	s2 =	sadd.s32 s2, s17  }
0x8e: {  	[smem:$0x3FC0] =	sst s2  }
0x8f: {  	_ = 	snop  }
0x90: {  	s2 =	sld [smem:$0x3FD0];
	(tm) =	ssettm $0x1  }
0x91: {  	s18 =	sld [smem:$0x3FFB];
	_ =	sdelay $0x3  }
0x92: {  	_ =	strace s18  }
0x93: {  	s3 =	sld [smem:$0x3FFC];
	_ =	sdelay $0x3  }
0x94: {  	_ =	strace s3  }
0x95: {  	s3 =	sld [smem:$0x3FFD];
	_ =	sdelay $0x3  }
0x96: {  	_ =	strace s3  }
0x97: {  	_ =	strace $0x8FFFFFFF  }
0x98: {  	s19 =	sld [smem:$0x3FDB];
	_ =	sdelay $0x1  }
0x99: {  	s4 =	simm.s32 $_scs_section_size  }
0x9a: {  	s5 =	simm.s32 $_size__tile_overlayer_lowered;
	s6 =	simm.s32 $_tile_overlayer_lowered  }
0x9b: {  	s22 =	simm.s32 $0x1BFF;
	s21 =	sshll.u32 s6, $0x1;
	s3 =	sadd.s32 s4, s19  }
0x9c: {  	s7 =	simm.s32 $0x0;
	s20 =	sshll.u32 s5, $0x1;
	s5 =	sadd.s32 s21, s3  }
0x9d: {  	[timem:s7], [sflag:s22] =	dma.local [hbm:s5], s20  }
0x9e: {  	_ =	swait.ge [sflag:s22], s20  }
0x9f: {  	s4 =	ssub.s32 $0x0, s20;
	[sflag:s22] =	ssyncset.done $0x0  }
0xa0: {  	[sflag:s22] =	ssyncadd.s32 s4;
	_ =	sdelay $0x1  }
0xa1: {  	s23 =	simm.s32 $0x1B8B  }
0xa2: {  	_ =	swait.ge [sflag:s23], $0x1  }
0xa3: {  	[sflag:s23] =	ssyncset.done $0x0  }
0xa4: {  	s25 =	simm.s32 $0x1B8E;
	s24 =	sld [smem:$0x3FFE];
	[sflag:s23] =	ssyncadd.s32 $0xFFFFFFFF  }
0xa5: {  	s26 =	simm.s32 $execute0_lowered;
	[smem:$0x3FD2] =	sst s25  }
0xa6: {  	s5 =	sshll.u32 s26, $0x1;
	_ =	strace $0x80000046;
	[dreg:$0x1] =	wrdreg $0xFFFFFFFF  }
0xa7: {  	s28 =	simm.s32 $_size_execute0_lowered;
	s3 =	sadd.s32 s3, s5;
	[dreg:$0x0] =	wrdreg $0x0  }
0xa8: {  	s5 =	sshll.u32 s28, $0x1;
	[dreg:$0x2] =	wrdreg s3  }
0xa9: {  	[dreg:$0x3] =	wrdreg s5  }
0xaa: {  	[dreg:$0x4] =	wrdreg $0xC0  }
0xab: {  	_ =	task [dreg:s7], $0x5FFFF  }
0xac: {  	[dreg:$0x1] =	wrdreg $0xFFFFFFFF  }
0xad: {  	[dreg:$0x0] =	wrdreg $0x60  }
0xae: {  	[dreg:$0x2] =	wrdreg s24  }
0xaf: {  	[dreg:$0x3] =	wrdreg s2  }
0xb0: {  	[dreg:$0x4] =	wrdreg $0x9  }
0xb1: {  	_ =	task.clear_ibuf [dreg:s7], $0x5FFFF;
	_ =	strace $0x90000046  }
0xb2: {  	s29 =	simm.s32 $0x9;
	_ =	strace $0x80000048  }
0xb3: {  	_ =	swait.ge [sflag:s29], $0x1  }
0xb4: {  	[sflag:s29] =	ssyncadd.s32 $0xFFFFFFFF  }
0xb5: {  	_ =	strace $0x90000048  }
0xb6: {  	_ =	sfence  }
0xb7: {  	s30 =	sld [smem:$0x0];
	_ =	sdelay $0x2  }
0xb8: {  	s31 =	sshll.u32 s1, $0xD;
	s1 =	sshrl.u32 s1, $0x2  }
0xb9: {  	s3 =	sand.u32 $0x4000, s31;
	s1 =	sadd.s32 s1, s30  }
0xba: {  	s0 =	sor.u32 s3, s0;
	s1 =	sshll.u32 s1, $0x11  }
0xbb: {  	s0 =	sor.u32 s1, s0  }
0xbc: {  	s0 =	sadd.s32 $0x8F2B, s0  }
0xbd: {  	[sflag:s0] =	ssyncadd.remote.s32 $0x1  }
0xbe: {  	_ =	sfence.sel $0xFFFF  }
0xbf: {  	[dreg:$0x0] =	wrdreg $0xFFFFFFFF;
	(pc) =	sbr.abs _section_cstart, $3  }
0xc0: {  	[dreg:$0x1] =	wrdreg $0xFFFFFFFF  }
0xc1: {  	_ =	task.clear_ibuf [dreg:s7], $0x2FFFF;
	_ =	strace $0x9FFFFFFF  }
0xc2: {  	(tm) =	ssettm $0x7FFFFFFF  }
0xc3: {  	_ =	shalt  }
tec
execute0_lowered:
.L_overlay_start_1:
0x0: {  	(tag) =	ssettag $0x1  }
0x1: {  	s0 =	srdreg.scid  }
0x2: {  	s4 =	rddreg [dreg:$0x0];
	s3 =	sand.u32 $0x1, s0  }
0x3: {  	s5 =	rddreg [dreg:$0x1];
	s0 =	stileid.u32;
	s1 =	sshll.u32 s3, $0x4  }
0x4: {  	s2 =	simm.s32 $0x0;
	s9 =	simm.s32 $0x400;
	s6 =	sor.u32 s0, s1  }
0x5: {  	s10 =	simm.s32 $0x0;
	[smem:$0x7FF] =	sst s2;
	s7 =	sshrl.u32 s6, $0x3  }
0x6: {  	s8 =	sshll.u32 s0, $0x7;
	s3 =	ssub.s32 $0x2, s3;
	s7 =	smul.u32 $0x14000, s7  }
0x7: {  	s1 =	rddreg [dreg:$0x2];
	s8 =	sand.u32 $0x380, s8;
	s6 =	smul.u32 $0x500, s6  }
0x8: {  	_ =	strace $0x80000047;
	s31 =	sshrl.u32 s3, $0x1;
	s7 =	sor.u32 s8, s7  }
0x9: {  	s4 =	sadd.s32 s6, s4;
	s6 =	ssub.s32 s3, s31;
	s7 =	sshrl.u32 s7, $0x3  }
0xa: {  	s3 =	sadd.s32 $0x2800, s4;
	s8 =	simm.s32 $0x80;
	s4 =	sadd.s32 s5, s7  }
0xb: {  	v0 =	vimm.f32 $0.0e+00;
	v1 =	vimm.f32 $1.000000000e+00;
	s5 =	smax.u32 s6, $0x1;
	s6 =	simm.s32 $0x1;
	s7 =	simm.s32 $0x2800  }
.LBB2_1:
0xc: {  	[tilespmem:s2], [sflag:$0x1] =	stream.linear.gather [hbm4b:s3+s2], $0x2800, $0x38;
	[tilespmem:$0x5000] =	vst v63  }
0xd: {  	_ =	swait.ge [sflag:s6], $0x2800  }
0xe: {  	[sflag:s6] =	ssyncset.done $0x0  }
0xf: {  	s11 =	simm.s32 $0x0;
	[sflag:s6] =	ssyncadd.s32 $0xFFFFD800  }
.LBB2_2:
0x10: {  	p0 =	sne.s32 s11, $0x9FC0  }
.Ltmp0:
0x11: {  	_ = 	snop;
	(pc) =	sbr.rel @p0 .LBB2_2-.Ltmp0, $3  }
0x12: {  	_ =	sdelay $0x1  }
0x13: {  	s12 =	sshra.s32 s11, $0x2  }
0x14: {  	s11 =	sadd.s32 $0x40, s11;
	[tilespmem:s12+$0x2800] =	vst v0  }
0x15: {  	s11 =	simm.s32 $0x1C0  }
.LBB2_4:
0x16: {  	s12 =	sshra.s32 s11, $0x2  }
0x17: {  	v2 =	vld [tilespmem:s12+$0xFFFFFF90];
	_ =	sdelay $0x7  }
0x18: {  	[tilespmem:v2+s7+$0x0] =	vst.idx.add.f32.msk $0xffff, v1  }
0x19: {  	v2 =	vld [tilespmem:s12+$0xFFFFFFA0];
	_ =	sdelay $0x7  }
0x1a: {  	[tilespmem:v2+s7+$0x0] =	vst.idx.add.f32.msk $0xffff, v1  }
0x1b: {  	v2 =	vld [tilespmem:s12+$0xFFFFFFB0];
	_ =	sdelay $0x7  }
0x1c: {  	[tilespmem:v2+s7+$0x0] =	vst.idx.add.f32.msk $0xffff, v1  }
0x1d: {  	v2 =	vld [tilespmem:s12+$0xFFFFFFC0];
	_ =	sdelay $0x7  }
0x1e: {  	[tilespmem:v2+s7+$0x0] =	vst.idx.add.f32.msk $0xffff, v1  }
0x1f: {  	v2 =	vld [tilespmem:s12+$0xFFFFFFD0];
	_ =	sdelay $0x7  }
0x20: {  	[tilespmem:v2+s7+$0x0] =	vst.idx.add.f32.msk $0xffff, v1  }
0x21: {  	v2 =	vld [tilespmem:s12+$0xFFFFFFE0];
	_ =	sdelay $0x7  }
0x22: {  	[tilespmem:v2+s7+$0x0] =	vst.idx.add.f32.msk $0xffff, v1  }
0x23: {  	v2 =	vld [tilespmem:s12+$0xFFFFFFF0];
	_ =	sdelay $0x7  }
0x24: {  	[tilespmem:v2+s7+$0x0] =	vst.idx.add.f32.msk $0xffff, v1  }
0x25: {  	v2 =	vld [tilespmem:s12+$0x0];
	_ =	sdelay $0x2  }
0x26: {  	p0 =	sne.s32 s11, $0x9FC0  }
.Ltmp1:
0x27: {  	_ = 	snop;
	(pc) =	sbr.rel @p0 .LBB2_4-.Ltmp1, $2  }
0x28: {  	_ =	sdelay $0x2  }
0x29: {  	s11 =	sadd.s32 $0x200, s11;
	[tilespmem:v2+s7+$0x0] =	vst.idx.add.f32.msk $0xffff, v1  }
0x2a: {  	s10 =	sadd.s32 $0x1, s10  }
0x2b: {  	p0 =	sne.s32 s10, s5  }
.Ltmp2:
0x2c: {  	_ = 	snop;
	(pc) =	sbr.rel @p0 .LBB2_1-.Ltmp2, $4  }
0x2d: {  	[hbm4b:s4+s8] =	stream.strided.scatter [tilespmem:s7], [sflag:$0x1], $0x2800, s9, s8, $0x38;
	[tilespmem:$0x5000] =	vst v63  }
0x2e: {  	_ =	swait.ge [sflag:s6], $0x2800  }
0x2f: {  	[sflag:s6] =	ssyncset.done $0x0  }
0x30: {  	[sflag:s6] =	ssyncadd.s32 $0xFFFFD800  }
0x31: {  	_ =	sfence.sel $0x180000  }
0x32: {  	[bflag:$0x0] =	sbarrier.arrive $0xFFFF  }
0x33: {  	p0 =	sne.s32 s0, $0x0;
	_ =	strace $0x90000047  }
0x34: {  	s0 =	sadd.s32 @!p0 $0x100000, s1;
	[bflag:$0x2] =	sbarrier.arrive $0xFFFF  }
0x35: {  	[sflag:s0] =	ssyncadd.tile.s32 @!p0 $0x1;
	_ =	shalt  }
.Lfunc_end2:
_tile_overlayer_lowered:
.L_overlay_start_2:
0x36: {  	(tag) =	ssettag $0x2  }
0x37: {  	s0 =	rddreg [dreg:$0x0];
	s2 =	stileid.u32  }
0x38: {  	s1 =	rddreg [dreg:$0x1];
	p0 =	sne.s32 s2, $0x0  }
0x39: {  	s3 =	rddreg [dreg:$0x2];
	[bflag:$0x3] =	sbarrier.arrive $0xFFFF;
	s2 =	simm.s32 @!p0 $0x1C01  }
0x3a: {  	[timem:s3], [sflag:s2] =	dma.local @!p0 [hbm:s0], s1  }
0x3b: {  	s0 =	simm.s32 @!p0 $0x1  }
0x3c: {  	_ =	swait.ge @!p0 [sflag:s0], s1  }
0x3d: {  	s1 =	ssub.s32 @!p0 $0x0, s1;
	[sflag:s0] =	ssyncset.done @!p0 $0x0  }
0x3e: {  	[sflag:s0] =	ssyncadd.s32 @!p0 s1  }
0x3f: {  	[bflag:$0x3] =	sbarrier.arrive $0xFFFF  }
0x40: {  	_ =	shalt  }

</sc_bundles>
